<compile_context>
chip_gen: v7x
topology: tpu7x:2x2x1
jax: 0.10.2.dev20260603
libtpu: 0.0.44.dev20260713+nightly
codegen_flags: <defaults>
</compile_context>

<pallas_src>
import dataclasses
import functools

import jax
import jax.numpy as jnp
from jax import lax
from jax.experimental import pallas as pl
from jax.experimental.pallas import tpu as pltpu
from jax.experimental.pallas import tpu_sc as plsc

N = 10000
D = 128
E = 320000
NC = 2
NS = 16
NW = NC * NS
CHUNK = 128
ACC_ROWS = 10240

E_PAD = 327680
P_PAD = 16384
CPW_EDGE = E_PAD // (NW * CHUNK)
CPW_POOL = P_PAD // (NW * CHUNK)
STRIPE = ACC_ROWS // NS

_MESH = plsc.VectorSubcoreMesh(core_axis_name="c", subcore_axis_name="s")


def _fill(ref, value):

    @pl.loop(0, CHUNK)
    def _(r):
        @pl.loop(0, 8)
        def _(cc):
            ref[r, pl.ds(cc * 16, 16)] = jnp.full((16,), value, jnp.float32)


def _zero_acc(zeros_v, acc_sh, sid):
    @pl.loop(0, STRIPE // CHUNK)
    def _(t):
        pltpu.sync_copy(zeros_v, acc_sh.at[pl.ds(sid * STRIPE + t * CHUNK, CHUNK)])


def _make_sc_agg(cpw, nhalves):

    hc = cpw // nhalves

    @functools.partial(
        pl.kernel,
        out_type=jax.ShapeDtypeStruct((NC, ACC_ROWS, 128), jnp.float32),
        mesh=_MESH,
        scratch_types=[
            pltpu.VMEM((hc, CHUNK), jnp.int32),
            pltpu.VMEM((hc, CHUNK), jnp.int32),
            pltpu.VMEM((CHUNK, 128), jnp.float32),
            pltpu.VMEM((CHUNK, 128), jnp.float32),
            pltpu.SemaphoreType.DMA,
            pltpu.SemaphoreType.DMA,
            pltpu.VMEM_SHARED((ACC_ROWS, 128), jnp.float32),
        ],
    )
    def k(vals_hbm, src_hbm, dst_hbm, out_hbm,
          src_v, dst_v, ra, rb, sa, sb, acc_sh):
        core = lax.axis_index("c")
        sid = lax.axis_index("s")
        w = core * NS + sid

        _fill(ra, 0.0)
        _zero_acc(ra, acc_sh, sid)
        plsc.subcore_barrier()

        for h in range(nhalves):
            if nhalves == 1:
                pltpu.sync_copy(src_hbm.at[w], src_v)
                pltpu.sync_copy(dst_hbm.at[w], dst_v)
            else:
                pltpu.sync_copy(src_hbm.at[w, pl.ds(h * hc, hc)], src_v)
                pltpu.sync_copy(dst_hbm.at[w, pl.ds(h * hc, hc)], dst_v)

            pltpu.async_copy(vals_hbm.at[src_v.at[0]], ra, sa)

            @pl.loop(0, (hc - 2) // 2)
            def _(t):
                j0 = 2 * t
                pltpu.async_copy(vals_hbm.at[src_v.at[j0 + 1]], rb, sb)
                pltpu.make_async_copy(vals_hbm.at[src_v.at[j0]], ra, sa).wait()
                pltpu.sync_copy(ra, acc_sh.at[dst_v.at[j0]], add=True)
                pltpu.async_copy(vals_hbm.at[src_v.at[j0 + 2]], ra, sa)
                pltpu.make_async_copy(vals_hbm.at[src_v.at[j0 + 1]], rb, sb).wait()
                pltpu.sync_copy(rb, acc_sh.at[dst_v.at[j0 + 1]], add=True)

            pltpu.async_copy(vals_hbm.at[src_v.at[hc - 1]], rb, sb)
            pltpu.make_async_copy(vals_hbm.at[src_v.at[hc - 2]], ra, sa).wait()
            pltpu.sync_copy(ra, acc_sh.at[dst_v.at[hc - 2]], add=True)
            pltpu.make_async_copy(vals_hbm.at[src_v.at[hc - 1]], rb, sb).wait()
            pltpu.sync_copy(rb, acc_sh.at[dst_v.at[hc - 1]], add=True)

        plsc.subcore_barrier()
        pltpu.sync_copy(acc_sh.at[pl.ds(sid * STRIPE, STRIPE)],
                        out_hbm.at[core, pl.ds(sid * STRIPE, STRIPE)])

    return k


def _make_sc_count():

    cp = pltpu.CompilerParams()
    if "needs_layout_passes" in pltpu.CompilerParams.__dataclass_fields__:
        cp = dataclasses.replace(cp, needs_layout_passes=False)

    @functools.partial(
        pl.kernel,
        out_type=jax.ShapeDtypeStruct((NC, NS, 2, ACC_ROWS), jnp.float32),
        mesh=_MESH,
        compiler_params=cp,
        scratch_types=[
            pltpu.VMEM((CPW_EDGE, CHUNK), jnp.int32),
            pltpu.VMEM((CPW_POOL, CHUNK), jnp.int32),
            pltpu.VMEM((ACC_ROWS,), jnp.float32),
            pltpu.VMEM((ACC_ROWS,), jnp.float32),
        ],
    )
    def k(eidx_hbm, pidx_hbm, out_hbm, eidx_v, pidx_v, ehist, phist):
        core = lax.axis_index("c")
        sid = lax.axis_index("s")
        w = core * NS + sid

        pltpu.sync_copy(eidx_hbm.at[w], eidx_v)
        pltpu.sync_copy(pidx_hbm.at[w], pidx_v)

        zeros16 = jnp.zeros((16,), jnp.float32)

        @pl.loop(0, ACC_ROWS // 16)
        def _(i):
            ehist[pl.ds(i * 16, 16)] = zeros16
            phist[pl.ds(i * 16, 16)] = zeros16

        ones16 = jnp.ones((16,), jnp.float32)

        @pl.loop(0, CPW_EDGE)
        def _(j):
            @pl.loop(0, CHUNK // 16)
            def _(g):
                idx = eidx_v[j, pl.ds(g * 16, 16)]
                plsc.addupdate_scatter(ehist, [idx], ones16)

        @pl.loop(0, CPW_POOL)
        def _(j):
            @pl.loop(0, CHUNK // 16)
            def _(g):
                idx = pidx_v[j, pl.ds(g * 16, 16)]
                plsc.addupdate_scatter(phist, [idx], ones16)

        pltpu.sync_copy(ehist, out_hbm.at[core, sid, 0])
        pltpu.sync_copy(phist, out_hbm.at[core, sid, 1])

    return k


TPW = ACC_ROWS // NW
PTILE = 64
NT = TPW // PTILE


def _make_sc_pool():

    @functools.partial(
        pl.kernel,
        out_type=jax.ShapeDtypeStruct((NC, ACC_ROWS, 128), jnp.float32),
        mesh=_MESH,
        scratch_types=[
            pltpu.VMEM((NT, PTILE), jnp.int32),
            pltpu.VMEM((PTILE, 128), jnp.float32),
            pltpu.VMEM((PTILE, 128), jnp.float32),
            pltpu.SemaphoreType.DMA,
            pltpu.SemaphoreType.DMA,
            pltpu.VMEM_SHARED((ACC_ROWS, 128), jnp.float32),
        ],
    )
    def k(h2_hbm, didx_hbm, out_hbm, idx_v, ra, rb, sa, sb, acc_sh):
        core = lax.axis_index("c")
        sid = lax.axis_index("s")
        w = core * NS + sid
        base = w * TPW

        @pl.loop(0, PTILE)
        def _(r):
            @pl.loop(0, 8)
            def _(cc):
                ra[r, pl.ds(cc * 16, 16)] = jnp.zeros((16,), jnp.float32)

        @pl.loop(0, STRIPE // PTILE)
        def _(t):
            pltpu.sync_copy(ra, acc_sh.at[pl.ds(sid * STRIPE + t * PTILE, PTILE)])

        pltpu.sync_copy(didx_hbm.at[w], idx_v)
        plsc.subcore_barrier()

        def load(t, buf, sem):
            return pltpu.async_copy(
                h2_hbm.at[pl.ds(base + t * PTILE, PTILE)], buf, sem)

        def wait(t, buf, sem):
            pltpu.make_async_copy(
                h2_hbm.at[pl.ds(base + t * PTILE, PTILE)], buf, sem).wait()

        load(0, ra, sa)

        @pl.loop(0, (NT - 1) // 2)
        def _(t):
            j0 = 2 * t
            load(j0 + 1, rb, sb)
            wait(j0, ra, sa)
            pltpu.sync_copy(ra, acc_sh.at[idx_v.at[j0]], add=True)
            load(j0 + 2, ra, sa)
            wait(j0 + 1, rb, sb)
            pltpu.sync_copy(rb, acc_sh.at[idx_v.at[j0 + 1]], add=True)

        wait(NT - 1, ra, sa)
        pltpu.sync_copy(ra, acc_sh.at[idx_v.at[NT - 1]], add=True)

        plsc.subcore_barrier()
        pltpu.sync_copy(acc_sh.at[pl.ds(sid * STRIPE, STRIPE)],
                        out_hbm.at[core, pl.ds(sid * STRIPE, STRIPE)])

    return k


_SC_AGG_EDGE = _make_sc_agg(CPW_EDGE, 2)
_SC_POOL = _make_sc_pool()
_SC_COUNT = _make_sc_count()


def _mm_scale_body(cnt_ref, x_ref, w_ref, y_ref, dinv_ref):
    deg = jnp.sum(cnt_ref[:, 0, :N], axis=0)[:, None] + 1.0
    dinv = lax.rsqrt(jnp.maximum(deg, 1.0))
    dinv_ref[...] = dinv
    y_ref[...] = dinv * jnp.dot(x_ref[...], w_ref[...],
                                preferred_element_type=jnp.float32)


def _mid_body(p_ref, y_ref, dinv_ref, b_ref, w_ref, o_ref):
    tot = p_ref[0, :N, :] + p_ref[1, :N, :] + y_ref[...]
    h = jnp.maximum(dinv_ref[...] * tot + b_ref[...], 0.0)
    o_ref[...] = dinv_ref[...] * jnp.dot(h, w_ref[...],
                                         preferred_element_type=jnp.float32)


def _final_body(p_ref, y_ref, dinv_ref, b_ref, o_ref):
    tot = p_ref[0, :N, :] + p_ref[1, :N, :] + y_ref[...]
    h2 = jnp.maximum(dinv_ref[...] * tot + b_ref[...], 0.0)
    o_ref[...] = jnp.concatenate(
        [h2, jnp.zeros((ACC_ROWS - N, D), jnp.float32)], axis=0)


def _div_body(sp_ref, cp_ref, z_ref):
    s = sp_ref[0, :N, :] + sp_ref[1, :N, :]
    cnt = jnp.sum(cp_ref[:, 1, :N], axis=0)[:, None]
    z_ref[...] = s / jnp.maximum(cnt, 1.0)


def _f32(shape):
    return jax.ShapeDtypeStruct(shape, jnp.float32)


def kernel(x, train_pos_edge_index, dict_node, W1, b1, W2, b2):
    src = train_pos_edge_index[0].astype(jnp.int32)
    dst = train_pos_edge_index[1].astype(jnp.int32)

    pad_e = jnp.arange(E_PAD - E, dtype=jnp.int32)
    src_p = jnp.concatenate(
        [src, pad_e % N]).reshape(NW, CPW_EDGE, CHUNK)
    dst_p = jnp.concatenate(
        [dst, N + pad_e % (ACC_ROWS - N)]).reshape(NW, CPW_EDGE, CHUNK)

    pad_p = jnp.arange(P_PAD - N, dtype=jnp.int32)
    pool_dst = jnp.concatenate(
        [dict_node.astype(jnp.int32),
         N + pad_p % (ACC_ROWS - N)]).reshape(NW, CPW_POOL, CHUNK)
    dpool = jnp.concatenate(
        [dict_node.astype(jnp.int32),
         N + jnp.arange(ACC_ROWS - N, dtype=jnp.int32)]).reshape(NW, NT, PTILE)

    counts = _SC_COUNT(dst_p, pool_dst).reshape(NW, 2, ACC_ROWS)
    y1, dinv = pl.pallas_call(
        _mm_scale_body,
        out_shape=(_f32((N, D)), _f32((N, 1))))(counts, x, W1)

    p1 = _SC_AGG_EDGE(y1, src_p, dst_p)
    y2 = pl.pallas_call(_mid_body, out_shape=_f32((N, D)))(
        p1, y1, dinv, b1.reshape(1, D), W2)

    p2 = _SC_AGG_EDGE(y2, src_p, dst_p)
    h2 = pl.pallas_call(_final_body, out_shape=_f32((ACC_ROWS, D)))(
        p2, y2, dinv, b2.reshape(1, D))

    sp = _SC_POOL(h2, dpool)
    z = pl.pallas_call(_div_body, out_shape=_f32((N, D)))(sp, counts)
    return z

# --- scband reference (transcript-rebuilt; emitter-appended) ---
"""Pipeline reference for scband-gcn-unsupervised-48129403519138 (READ-ONLY COPY).

The authoritative reference and input builder live on the scoring server;
editing this copy changes nothing except your own understanding.
"""

import jax, jax.numpy as jnp
import numpy as np

N = 10000
D = 128
H = 128
E = 320000

def setup_inputs(seed: int = 0) -> dict:
    key = jax.random.key(seed)
    k1, k2, k3, k4, k5 = jax.random.split(key, 5)
    x = jax.random.normal(k1, (N, D), dtype=jnp.float32)
    train_pos_edge_index = jax.random.randint(k2, (2, E), 0, N)
    dict_node = jnp.sort(jax.random.randint(k3, (N,), 0, N))
    W1 = jax.random.normal(k4, (D, H), dtype=jnp.float32) * (1.0 / np.sqrt(D))
    b1 = jnp.zeros((H,), dtype=jnp.float32)
    W2 = jax.random.normal(k5, (H, H), dtype=jnp.float32) * (1.0 / np.sqrt(H))
    b2 = jnp.zeros((H,), dtype=jnp.float32)
    return {"x": x, "train_pos_edge_index": train_pos_edge_index, "dict_node": dict_node,
            "W1": W1, "b1": b1, "W2": W2, "b2": b2}

def gcn_conv(x, edge_index, W, b):
    num_nodes = x.shape[0]
    loop = jnp.arange(num_nodes, dtype=edge_index.dtype)
    src = jnp.concatenate([edge_index[0], loop])
    dst = jnp.concatenate([edge_index[1], loop])
    deg = jnp.zeros((num_nodes,), x.dtype).at[dst].add(1.0)
    dinv = jax.lax.rsqrt(jnp.maximum(deg, 1.0))
    norm = dinv[src] * dinv[dst]
    xw = x @ W
    msg = xw[src] * norm[:, None]
    out = jnp.zeros((num_nodes, W.shape[1]), x.dtype).at[dst].add(msg)
    return out + b

def global_mean_pool(h, seg, size):
    s = jax.ops.segment_sum(h, seg, num_segments=size)
    cnt = jax.ops.segment_sum(jnp.ones((h.shape[0],), h.dtype), seg, num_segments=size)
    return s / jnp.maximum(cnt, 1.0)[:, None]

def reference(x, train_pos_edge_index, dict_node, W1, b1, W2, b2):
    # encode() with training=False (dropout is identity)
    h = gcn_conv(x, train_pos_edge_index, W1, b1)
    h = jax.nn.relu(h)
    h = gcn_conv(h, train_pos_edge_index, W2, b2)
    h = jax.nn.relu(h)
    z = global_mean_pool(h, dict_node, N)
    return z

if __name__ == "__main__":
    import jax
    _d = setup_inputs()
    print(jax.jit(kernel)(*tuple(_d.values())))

</pallas_src>

<mosaic_0001>
#map = affine_map<(d0, d1) -> (0, 0)>
#map1 = affine_map<(d0, d1) -> (0, 0, 0)>
module attributes {stable_mosaic.version = 14 : i64} {
  func.func @k(%arg0: i32, %arg1: i32, %arg2: memref<10000x128xf32, #tpu.memory_space<hbm>>, %arg3: memref<32x80x128xi32, #tpu.memory_space<hbm>>, %arg4: memref<32x80x128xi32, #tpu.memory_space<hbm>>, %arg5: memref<2x10240x128xf32, #tpu.memory_space<hbm>>, %arg6: memref<40x128xi32, #tpu.memory_space<vmem>>, %arg7: memref<40x128xi32, #tpu.memory_space<vmem>>, %arg8: memref<128x128xf32, #tpu.memory_space<vmem>>, %arg9: memref<128x128xf32, #tpu.memory_space<vmem>>, %arg10: memref<!tpu.dma_semaphore, #tpu.memory_space<semaphore_mem>>, %arg11: memref<!tpu.dma_semaphore, #tpu.memory_space<semaphore_mem>>, %arg12: memref<10240x128xf32, #tpu.memory_space<vmem_shared>>) attributes {dimension_semantics = [#tpu.dimension_semantics<core_parallel>, #tpu.dimension_semantics<subcore_parallel>], iteration_bounds = array<i64: 2, 16>, scalar_prefetch = 0 : i64, scratch_operands = 7 : i64, tpu.core_type = #tpu.core_type<sc_vector_subcore>, window_params = [{transform_indices = #map}, {transform_indices = #map1}, {transform_indices = #map1}, {transform_indices = #map1}]} {
    %mul3A = arith.constant 16 : i32
    %mul3A_0 = arith.muli %arg0, %mul3A : i32
    %add3A = arith.addi %mul3A_0, %arg1 : i32
    %scan3A = arith.constant 0 : i32
    %scan3A_1 = arith.constant 128 : i32
    %scan3A_2 = arith.addi %scan3A, %scan3A_1 : i32
    %scan3A_3 = arith.constant 1 : i32
    scf.for %scan3A_82 = %scan3A to %scan3A_2 step %scan3A_3  : i32 {
      %mul3A_83 = arith.constant 1 : i32
      %mul3A_84 = arith.muli %scan3A_82, %mul3A_83 : i32
      %add3A_85 = arith.constant 0 : i32
      %add3A_86 = arith.addi %add3A_85, %mul3A_84 : i32
      %scan3A_87 = arith.constant 0 : i32
      %scan3A_88 = arith.constant 8 : i32
      %scan3A_89 = arith.addi %scan3A_87, %scan3A_88 : i32
      %scan3A_90 = arith.constant 1 : i32
      scf.for %scan3A_92 = %scan3A_87 to %scan3A_89 step %scan3A_90  : i32 {
        %mul3A_93 = arith.constant 1 : i32
        %mul3A_94 = arith.muli %scan3A_92, %mul3A_93 : i32
        %add3A_95 = arith.constant 0 : i32
        %add3A_96 = arith.addi %add3A_95, %mul3A_94 : i32
        %broadcast_in_dim3A = arith.constant 0.000000e+00 : f32
        %broadcast_in_dim3A_97 = vector.broadcast %broadcast_in_dim3A : f32 to vector<16xf32>
        %mul3A_98 = arith.constant 16 : i32
        %mul3A_99 = arith.muli %add3A_96, %mul3A_98 : i32
        %swap3A = arith.index_cast %add3A_86 : i32 to index
        %swap3A_100 = arith.index_cast %mul3A_99 : i32 to index
        %swap3A_101 = tpu.vector_load %arg8[%swap3A, %swap3A_100] {strides = array<i32>} : memref<128x128xf32, #tpu.memory_space<vmem>>, vector<1x16xf32>,
        %swap3A_102 = vector.shape_cast %swap3A_101 : vector<1x16xf32> to vector<16xf32>
        %swap3A_103 = vector.shape_cast %broadcast_in_dim3A_97 : vector<16xf32> to vector<1x16xf32>
        tpu.vector_store %arg8[%swap3A, %swap3A_100], %swap3A_103 {strides = array<i32>} : memref<128x128xf32, #tpu.memory_space<vmem>>, vector<1x16xf32>,
      }
      %scan3A_91 = arith.constant 8 : i32
    }
    %scan3A_4 = arith.constant 128 : i32
    %scan3A_5 = arith.constant 0 : i32
    %scan3A_6 = arith.constant 5 : i32
    %scan3A_7 = arith.addi %scan3A_5, %scan3A_6 : i32
    %scan3A_8 = arith.constant 1 : i32
    scf.for %scan3A_82 = %scan3A_5 to %scan3A_7 step %scan3A_8  : i32 {
      %mul3A_83 = arith.constant 1 : i32
      %mul3A_84 = arith.muli %scan3A_82, %mul3A_83 : i32
      %add3A_85 = arith.constant 0 : i32
      %add3A_86 = arith.addi %add3A_85, %mul3A_84 : i32
      %mul3A_87 = arith.constant 640 : i32
      %mul3A_88 = arith.muli %arg1, %mul3A_87 : i32
      %mul3A_89 = arith.constant 128 : i32
      %mul3A_90 = arith.muli %add3A_86, %mul3A_89 : i32
      %add3A_91 = arith.addi %mul3A_88, %mul3A_90 : i32
      "tpu.region"() ({
        %run_scoped3A_92 = tpu.sem_alloc : memref<!tpu.dma_semaphore, #tpu.memory_space<semaphore_mem>>
        %dma_start3A_93 = arith.constant 0 : i32
        %dma_start3A_94 = tpu.memref_slice %arg12[%add3A_91, %dma_start3A_93] : memref<10240x128xf32, #tpu.memory_space<vmem_shared>> -> memref<128x128xf32, #tpu.memory_space<vmem_shared>>
        %dma_start3A_95 = arith.constant 0 : i32
        %dma_start3A_96 = tpu.memref_slice %arg12[%add3A_91, %dma_start3A_95] : memref<10240x128xf32, #tpu.memory_space<vmem_shared>> -> memref<128x128xf32, #tpu.memory_space<vmem_shared>>
        tpu.enqueue_dma source(%arg8 : memref<128x128xf32, #tpu.memory_space<vmem>>) target(%dma_start3A_96 : memref<128x128xf32, #tpu.memory_space<vmem_shared>>) target_semaphore(%run_scoped3A_92 : memref<!tpu.dma_semaphore, #tpu.memory_space<semaphore_mem>>)
        %dma_wait3A_97 = arith.constant 0 : i32
        %dma_wait3A_98 = tpu.memref_slice %arg12[%add3A_91, %dma_wait3A_97] : memref<10240x128xf32, #tpu.memory_space<vmem_shared>> -> memref<128x128xf32, #tpu.memory_space<vmem_shared>>
        %dma_wait3A_99 = arith.constant 0 : i32
        %dma_wait3A_100 = tpu.memref_slice %arg12[%add3A_91, %dma_wait3A_99] : memref<10240x128xf32, #tpu.memory_space<vmem_shared>> -> memref<128x128xf32, #tpu.memory_space<vmem_shared>>
        tpu.wait_dma2 semaphore(%run_scoped3A_92 : memref<!tpu.dma_semaphore, #tpu.memory_space<semaphore_mem>>) src(%arg8 : memref<128x128xf32, #tpu.memory_space<vmem>>) dst(%dma_wait3A_100 : memref<128x128xf32, #tpu.memory_space<vmem_shared>>)
        tpu.yield
      }) : () -> ()
    }
    %scan3A_9 = arith.constant 5 : i32
    %barrier3A = arith.constant 0 : index
    tpu.barrier barrier_id(%barrier3A)
    "tpu.region"() ({
      %run_scoped3A_82 = tpu.sem_alloc : memref<!tpu.dma_semaphore, #tpu.memory_space<semaphore_mem>>
      %dma_start3A_83 = arith.constant 0 : i32
      %dma_start3A_84 = arith.constant 0 : i32
      %dma_start3A_85 = tpu.memref_slice %arg3[%add3A, %dma_start3A_83, %dma_start3A_84] : memref<32x80x128xi32, #tpu.memory_space<hbm>> -> memref<1x40x128xi32, #tpu.memory_space<hbm>>
      %dma_start3A_86 = tpu.memref_squeeze %dma_start3A_85 : memref<1x40x128xi32, #tpu.memory_space<hbm>> -> memref<40x128xi32, #tpu.memory_space<hbm>>
      %dma_start3A_87 = arith.constant 0 : i32
      %dma_start3A_88 = arith.constant 0 : i32
      %dma_start3A_89 = tpu.memref_slice %arg3[%add3A, %dma_start3A_87, %dma_start3A_88] : memref<32x80x128xi32, #tpu.memory_space<hbm>> -> memref<1x40x128xi32, #tpu.memory_space<hbm>>
      %dma_start3A_90 = tpu.memref_squeeze %dma_start3A_89 : memref<1x40x128xi32, #tpu.memory_space<hbm>> -> memref<40x128xi32, #tpu.memory_space<hbm>>
      tpu.enqueue_dma source(%dma_start3A_90 : memref<40x128xi32, #tpu.memory_space<hbm>>) target(%arg6 : memref<40x128xi32, #tpu.memory_space<vmem>>) target_semaphore(%run_scoped3A_82 : memref<!tpu.dma_semaphore, #tpu.memory_space<semaphore_mem>>)
      %dma_wait3A_91 = arith.constant 0 : i32
      %dma_wait3A_92 = arith.constant 0 : i32
      %dma_wait3A_93 = tpu.memref_slice %arg3[%add3A, %dma_wait3A_91, %dma_wait3A_92] : memref<32x80x128xi32, #tpu.memory_space<hbm>> -> memref<1x40x128xi32, #tpu.memory_space<hbm>>
      %dma_wait3A_94 = tpu.memref_squeeze %dma_wait3A_93 : memref<1x40x128xi32, #tpu.memory_space<hbm>> -> memref<40x128xi32, #tpu.memory_space<hbm>>
      %dma_wait3A_95 = arith.constant 0 : i32
      %dma_wait3A_96 = arith.constant 0 : i32
      %dma_wait3A_97 = tpu.memref_slice %arg3[%add3A, %dma_wait3A_95, %dma_wait3A_96] : memref<32x80x128xi32, #tpu.memory_space<hbm>> -> memref<1x40x128xi32, #tpu.memory_space<hbm>>
      %dma_wait3A_98 = tpu.memref_squeeze %dma_wait3A_97 : memref<1x40x128xi32, #tpu.memory_space<hbm>> -> memref<40x128xi32, #tpu.memory_space<hbm>>
      tpu.wait_dma2 semaphore(%run_scoped3A_82 : memref<!tpu.dma_semaphore, #tpu.memory_space<semaphore_mem>>) src(%dma_wait3A_98 : memref<40x128xi32, #tpu.memory_space<hbm>>) dst(%arg6 : memref<40x128xi32, #tpu.memory_space<vmem>>)
      tpu.yield
    }) : () -> ()
    "tpu.region"() ({
      %run_scoped3A_82 = tpu.sem_alloc : memref<!tpu.dma_semaphore, #tpu.memory_space<semaphore_mem>>
      %dma_start3A_83 = arith.constant 0 : i32
      %dma_start3A_84 = arith.constant 0 : i32
      %dma_start3A_85 = tpu.memref_slice %arg4[%add3A, %dma_start3A_83, %dma_start3A_84] : memref<32x80x128xi32, #tpu.memory_space<hbm>> -> memref<1x40x128xi32, #tpu.memory_space<hbm>>
      %dma_start3A_86 = tpu.memref_squeeze %dma_start3A_85 : memref<1x40x128xi32, #tpu.memory_space<hbm>> -> memref<40x128xi32, #tpu.memory_space<hbm>>
      %dma_start3A_87 = arith.constant 0 : i32
      %dma_start3A_88 = arith.constant 0 : i32
      %dma_start3A_89 = tpu.memref_slice %arg4[%add3A, %dma_start3A_87, %dma_start3A_88] : memref<32x80x128xi32, #tpu.memory_space<hbm>> -> memref<1x40x128xi32, #tpu.memory_space<hbm>>
      %dma_start3A_90 = tpu.memref_squeeze %dma_start3A_89 : memref<1x40x128xi32, #tpu.memory_space<hbm>> -> memref<40x128xi32, #tpu.memory_space<hbm>>
      tpu.enqueue_dma source(%dma_start3A_90 : memref<40x128xi32, #tpu.memory_space<hbm>>) target(%arg7 : memref<40x128xi32, #tpu.memory_space<vmem>>) target_semaphore(%run_scoped3A_82 : memref<!tpu.dma_semaphore, #tpu.memory_space<semaphore_mem>>)
      %dma_wait3A_91 = arith.constant 0 : i32
      %dma_wait3A_92 = arith.constant 0 : i32
      %dma_wait3A_93 = tpu.memref_slice %arg4[%add3A, %dma_wait3A_91, %dma_wait3A_92] : memref<32x80x128xi32, #tpu.memory_space<hbm>> -> memref<1x40x128xi32, #tpu.memory_space<hbm>>
      %dma_wait3A_94 = tpu.memref_squeeze %dma_wait3A_93 : memref<1x40x128xi32, #tpu.memory_space<hbm>> -> memref<40x128xi32, #tpu.memory_space<hbm>>
      %dma_wait3A_95 = arith.constant 0 : i32
      %dma_wait3A_96 = arith.constant 0 : i32
      %dma_wait3A_97 = tpu.memref_slice %arg4[%add3A, %dma_wait3A_95, %dma_wait3A_96] : memref<32x80x128xi32, #tpu.memory_space<hbm>> -> memref<1x40x128xi32, #tpu.memory_space<hbm>>
      %dma_wait3A_98 = tpu.memref_squeeze %dma_wait3A_97 : memref<1x40x128xi32, #tpu.memory_space<hbm>> -> memref<40x128xi32, #tpu.memory_space<hbm>>
      tpu.wait_dma2 semaphore(%run_scoped3A_82 : memref<!tpu.dma_semaphore, #tpu.memory_space<semaphore_mem>>) src(%dma_wait3A_98 : memref<40x128xi32, #tpu.memory_space<hbm>>) dst(%arg7 : memref<40x128xi32, #tpu.memory_space<vmem>>)
      tpu.yield
    }) : () -> ()
    %dma_start3A = arith.constant 0 : i32
    %dma_start3A_10 = arith.constant 0 : i32
    %dma_start3A_11 = tpu.memref_slice %arg6[%dma_start3A, %dma_start3A_10] : memref<40x128xi32, #tpu.memory_space<vmem>> -> memref<1x128xi32, #tpu.memory_space<vmem>>
    %dma_start3A_12 = tpu.memref_squeeze %dma_start3A_11 : memref<1x128xi32, #tpu.memory_space<vmem>> -> memref<128xi32, #tpu.memory_space<vmem>>
    %dma_start3A_13 = arith.constant 0 : i32
    %dma_start3A_14 = arith.constant 0 : i32
    %dma_start3A_15 = tpu.memref_slice %arg2[%dma_start3A_13, %dma_start3A_14] : memref<10000x128xf32, #tpu.memory_space<hbm>> -> memref<10000x128xf32, #tpu.memory_space<hbm>>
    tpu.enqueue_indirect_dma source(%dma_start3A_15 : memref<10000x128xf32, #tpu.memory_space<hbm>>) target(%arg8 : memref<128x128xf32, #tpu.memory_space<vmem>>) offsets(%dma_start3A_12 : memref<128xi32, #tpu.memory_space<vmem>>) semaphore(%arg10 : memref<!tpu.dma_semaphore, #tpu.memory_space<semaphore_mem>>)
    %scan3A_16 = arith.constant 0 : i32
    %scan3A_17 = arith.constant 19 : i32
    %scan3A_18 = arith.addi %scan3A_16, %scan3A_17 : i32
    %scan3A_19 = arith.constant 1 : i32
    scf.for %scan3A_82 = %scan3A_16 to %scan3A_18 step %scan3A_19  : i32 {
      %mul3A_83 = arith.constant 1 : i32
      %mul3A_84 = arith.muli %scan3A_82, %mul3A_83 : i32
      %add3A_85 = arith.constant 0 : i32
      %add3A_86 = arith.addi %add3A_85, %mul3A_84 : i32
      %mul3A_87 = arith.constant 2 : i32
      %mul3A_88 = arith.muli %mul3A_87, %add3A_86 : i32
      %add3A_89 = arith.constant 1 : i32
      %add3A_90 = arith.addi %mul3A_88, %add3A_89 : i32
      %dma_start3A_91 = arith.constant 0 : i32
      %dma_start3A_92 = tpu.memref_slice %arg6[%add3A_90, %dma_start3A_91] : memref<40x128xi32, #tpu.memory_space<vmem>> -> memref<1x128xi32, #tpu.memory_space<vmem>>
      %dma_start3A_93 = tpu.memref_squeeze %dma_start3A_92 : memref<1x128xi32, #tpu.memory_space<vmem>> -> memref<128xi32, #tpu.memory_space<vmem>>
      %dma_start3A_94 = arith.constant 0 : i32
      %dma_start3A_95 = arith.constant 0 : i32
      %dma_start3A_96 = tpu.memref_slice %arg2[%dma_start3A_94, %dma_start3A_95] : memref<10000x128xf32, #tpu.memory_space<hbm>> -> memref<10000x128xf32, #tpu.memory_space<hbm>>
      tpu.enqueue_indirect_dma source(%dma_start3A_96 : memref<10000x128xf32, #tpu.memory_space<hbm>>) target(%arg9 : memref<128x128xf32, #tpu.memory_space<vmem>>) offsets(%dma_start3A_93 : memref<128xi32, #tpu.memory_space<vmem>>) semaphore(%arg11 : memref<!tpu.dma_semaphore, #tpu.memory_space<semaphore_mem>>)
      %dma_wait3A_97 = arith.constant 0 : i32
      %dma_wait3A_98 = tpu.memref_slice %arg6[%mul3A_88, %dma_wait3A_97] : memref<40x128xi32, #tpu.memory_space<vmem>> -> memref<1x128xi32, #tpu.memory_space<vmem>>
      %dma_wait3A_99 = tpu.memref_squeeze %dma_wait3A_98 : memref<1x128xi32, #tpu.memory_space<vmem>> -> memref<128xi32, #tpu.memory_space<vmem>>
      %dma_wait3A_100 = arith.constant 0 : i32
      %dma_wait3A_101 = arith.constant 0 : i32
      %dma_wait3A_102 = tpu.memref_slice %arg2[%dma_wait3A_100, %dma_wait3A_101] : memref<10000x128xf32, #tpu.memory_space<hbm>> -> memref<10000x128xf32, #tpu.memory_space<hbm>>
      tpu.wait_indirect_dma semaphore(%arg10 : memref<!tpu.dma_semaphore, #tpu.memory_space<semaphore_mem>>) src(%dma_wait3A_102 : memref<10000x128xf32, #tpu.memory_space<hbm>>) dst(%arg8 : memref<128x128xf32, #tpu.memory_space<vmem>>)
      "tpu.region"() ({
        %run_scoped3A_121 = tpu.sem_alloc : memref<!tpu.dma_semaphore, #tpu.memory_space<semaphore_mem>>
        %dma_start3A_122 = arith.constant 0 : i32
        %dma_start3A_123 = tpu.memref_slice %arg7[%mul3A_88, %dma_start3A_122] : memref<40x128xi32, #tpu.memory_space<vmem>> -> memref<1x128xi32, #tpu.memory_space<vmem>>
        %dma_start3A_124 = tpu.memref_squeeze %dma_start3A_123 : memref<1x128xi32, #tpu.memory_space<vmem>> -> memref<128xi32, #tpu.memory_space<vmem>>
        %dma_start3A_125 = arith.constant 0 : i32
        %dma_start3A_126 = arith.constant 0 : i32
        %dma_start3A_127 = tpu.memref_slice %arg12[%dma_start3A_125, %dma_start3A_126] : memref<10240x128xf32, #tpu.memory_space<vmem_shared>> -> memref<10240x128xf32, #tpu.memory_space<vmem_shared>>
        tpu.enqueue_indirect_dma source(%arg8 : memref<128x128xf32, #tpu.memory_space<vmem>>) target(%dma_start3A_127 : memref<10240x128xf32, #tpu.memory_space<vmem_shared>>) offsets(%dma_start3A_124 : memref<128xi32, #tpu.memory_space<vmem>>) semaphore(%run_scoped3A_121 : memref<!tpu.dma_semaphore, #tpu.memory_space<semaphore_mem>>) {add = true}
        %dma_wait3A_128 = arith.constant 0 : i32
        %dma_wait3A_129 = tpu.memref_slice %arg7[%mul3A_88, %dma_wait3A_128] : memref<40x128xi32, #tpu.memory_space<vmem>> -> memref<1x128xi32, #tpu.memory_space<vmem>>
        %dma_wait3A_130 = tpu.memref_squeeze %dma_wait3A_129 : memref<1x128xi32, #tpu.memory_space<vmem>> -> memref<128xi32, #tpu.memory_space<vmem>>
        %dma_wait3A_131 = arith.constant 0 : i32
        %dma_wait3A_132 = arith.constant 0 : i32
        %dma_wait3A_133 = tpu.memref_slice %arg12[%dma_wait3A_131, %dma_wait3A_132] : memref<10240x128xf32, #tpu.memory_space<vmem_shared>> -> memref<10240x128xf32, #tpu.memory_space<vmem_shared>>
        tpu.wait_indirect_dma semaphore(%run_scoped3A_121 : memref<!tpu.dma_semaphore, #tpu.memory_space<semaphore_mem>>) src(%arg8 : memref<128x128xf32, #tpu.memory_space<vmem>>) dst(%dma_wait3A_133 : memref<10240x128xf32, #tpu.memory_space<vmem_shared>>)
        tpu.yield
      }) : () -> ()
      %add3A_103 = arith.constant 2 : i32
      %add3A_104 = arith.addi %mul3A_88, %add3A_103 : i32
      %dma_start3A_105 = arith.constant 0 : i32
      %dma_start3A_106 = tpu.memref_slice %arg6[%add3A_104, %dma_start3A_105] : memref<40x128xi32, #tpu.memory_space<vmem>> -> memref<1x128xi32, #tpu.memory_space<vmem>>
      %dma_start3A_107 = tpu.memref_squeeze %dma_start3A_106 : memref<1x128xi32, #tpu.memory_space<vmem>> -> memref<128xi32, #tpu.memory_space<vmem>>
      %dma_start3A_108 = arith.constant 0 : i32
      %dma_start3A_109 = arith.constant 0 : i32
      %dma_start3A_110 = tpu.memref_slice %arg2[%dma_start3A_108, %dma_start3A_109] : memref<10000x128xf32, #tpu.memory_space<hbm>> -> memref<10000x128xf32, #tpu.memory_space<hbm>>
      tpu.enqueue_indirect_dma source(%dma_start3A_110 : memref<10000x128xf32, #tpu.memory_space<hbm>>) target(%arg8 : memref<128x128xf32, #tpu.memory_space<vmem>>) offsets(%dma_start3A_107 : memref<128xi32, #tpu.memory_space<vmem>>) semaphore(%arg10 : memref<!tpu.dma_semaphore, #tpu.memory_space<semaphore_mem>>)
      %add3A_111 = arith.constant 1 : i32
      %add3A_112 = arith.addi %mul3A_88, %add3A_111 : i32
      %dma_wait3A_113 = arith.constant 0 : i32
      %dma_wait3A_114 = tpu.memref_slice %arg6[%add3A_112, %dma_wait3A_113] : memref<40x128xi32, #tpu.memory_space<vmem>> -> memref<1x128xi32, #tpu.memory_space<vmem>>
      %dma_wait3A_115 = tpu.memref_squeeze %dma_wait3A_114 : memref<1x128xi32, #tpu.memory_space<vmem>> -> memref<128xi32, #tpu.memory_space<vmem>>
      %dma_wait3A_116 = arith.constant 0 : i32
      %dma_wait3A_117 = arith.constant 0 : i32
      %dma_wait3A_118 = tpu.memref_slice %arg2[%dma_wait3A_116, %dma_wait3A_117] : memref<10000x128xf32, #tpu.memory_space<hbm>> -> memref<10000x128xf32, #tpu.memory_space<hbm>>
      tpu.wait_indirect_dma semaphore(%arg11 : memref<!tpu.dma_semaphore, #tpu.memory_space<semaphore_mem>>) src(%dma_wait3A_118 : memref<10000x128xf32, #tpu.memory_space<hbm>>) dst(%arg9 : memref<128x128xf32, #tpu.memory_space<vmem>>)
      %add3A_119 = arith.constant 1 : i32
      %add3A_120 = arith.addi %mul3A_88, %add3A_119 : i32
      "tpu.region"() ({
        %run_scoped3A_121 = tpu.sem_alloc : memref<!tpu.dma_semaphore, #tpu.memory_space<semaphore_mem>>
        %dma_start3A_122 = arith.constant 0 : i32
        %dma_start3A_123 = tpu.memref_slice %arg7[%add3A_120, %dma_start3A_122] : memref<40x128xi32, #tpu.memory_space<vmem>> -> memref<1x128xi32, #tpu.memory_space<vmem>>
        %dma_start3A_124 = tpu.memref_squeeze %dma_start3A_123 : memref<1x128xi32, #tpu.memory_space<vmem>> -> memref<128xi32, #tpu.memory_space<vmem>>
        %dma_start3A_125 = arith.constant 0 : i32
        %dma_start3A_126 = arith.constant 0 : i32
        %dma_start3A_127 = tpu.memref_slice %arg12[%dma_start3A_125, %dma_start3A_126] : memref<10240x128xf32, #tpu.memory_space<vmem_shared>> -> memref<10240x128xf32, #tpu.memory_space<vmem_shared>>
        tpu.enqueue_indirect_dma source(%arg9 : memref<128x128xf32, #tpu.memory_space<vmem>>) target(%dma_start3A_127 : memref<10240x128xf32, #tpu.memory_space<vmem_shared>>) offsets(%dma_start3A_124 : memref<128xi32, #tpu.memory_space<vmem>>) semaphore(%run_scoped3A_121 : memref<!tpu.dma_semaphore, #tpu.memory_space<semaphore_mem>>) {add = true}
        %dma_wait3A_128 = arith.constant 0 : i32
        %dma_wait3A_129 = tpu.memref_slice %arg7[%add3A_120, %dma_wait3A_128] : memref<40x128xi32, #tpu.memory_space<vmem>> -> memref<1x128xi32, #tpu.memory_space<vmem>>
        %dma_wait3A_130 = tpu.memref_squeeze %dma_wait3A_129 : memref<1x128xi32, #tpu.memory_space<vmem>> -> memref<128xi32, #tpu.memory_space<vmem>>
        %dma_wait3A_131 = arith.constant 0 : i32
        %dma_wait3A_132 = arith.constant 0 : i32
        %dma_wait3A_133 = tpu.memref_slice %arg12[%dma_wait3A_131, %dma_wait3A_132] : memref<10240x128xf32, #tpu.memory_space<vmem_shared>> -> memref<10240x128xf32, #tpu.memory_space<vmem_shared>>
        tpu.wait_indirect_dma semaphore(%run_scoped3A_121 : memref<!tpu.dma_semaphore, #tpu.memory_space<semaphore_mem>>) src(%arg9 : memref<128x128xf32, #tpu.memory_space<vmem>>) dst(%dma_wait3A_133 : memref<10240x128xf32, #tpu.memory_space<vmem_shared>>)
        tpu.yield
      }) : () -> ()
    }
    %scan3A_20 = arith.constant 19 : i32
    %dma_start3A_21 = arith.constant 39 : i32
    %dma_start3A_22 = arith.constant 0 : i32
    %dma_start3A_23 = tpu.memref_slice %arg6[%dma_start3A_21, %dma_start3A_22] : memref<40x128xi32, #tpu.memory_space<vmem>> -> memref<1x128xi32, #tpu.memory_space<vmem>>
    %dma_start3A_24 = tpu.memref_squeeze %dma_start3A_23 : memref<1x128xi32, #tpu.memory_space<vmem>> -> memref<128xi32, #tpu.memory_space<vmem>>
    %dma_start3A_25 = arith.constant 0 : i32
    %dma_start3A_26 = arith.constant 0 : i32
    %dma_start3A_27 = tpu.memref_slice %arg2[%dma_start3A_25, %dma_start3A_26] : memref<10000x128xf32, #tpu.memory_space<hbm>> -> memref<10000x128xf32, #tpu.memory_space<hbm>>
    tpu.enqueue_indirect_dma source(%dma_start3A_27 : memref<10000x128xf32, #tpu.memory_space<hbm>>) target(%arg9 : memref<128x128xf32, #tpu.memory_space<vmem>>) offsets(%dma_start3A_24 : memref<128xi32, #tpu.memory_space<vmem>>) semaphore(%arg11 : memref<!tpu.dma_semaphore, #tpu.memory_space<semaphore_mem>>)
    %dma_wait3A = arith.constant 38 : i32
    %dma_wait3A_28 = arith.constant 0 : i32
    %dma_wait3A_29 = tpu.memref_slice %arg6[%dma_wait3A, %dma_wait3A_28] : memref<40x128xi32, #tpu.memory_space<vmem>> -> memref<1x128xi32, #tpu.memory_space<vmem>>
    %dma_wait3A_30 = tpu.memref_squeeze %dma_wait3A_29 : memref<1x128xi32, #tpu.memory_space<vmem>> -> memref<128xi32, #tpu.memory_space<vmem>>
    %dma_wait3A_31 = arith.constant 0 : i32
    %dma_wait3A_32 = arith.constant 0 : i32
    %dma_wait3A_33 = tpu.memref_slice %arg2[%dma_wait3A_31, %dma_wait3A_32] : memref<10000x128xf32, #tpu.memory_space<hbm>> -> memref<10000x128xf32, #tpu.memory_space<hbm>>
    tpu.wait_indirect_dma semaphore(%arg10 : memref<!tpu.dma_semaphore, #tpu.memory_space<semaphore_mem>>) src(%dma_wait3A_33 : memref<10000x128xf32, #tpu.memory_space<hbm>>) dst(%arg8 : memref<128x128xf32, #tpu.memory_space<vmem>>)
    %run_scoped3A = arith.constant 38 : i32
    "tpu.region"() ({
      %run_scoped3A_82 = tpu.sem_alloc : memref<!tpu.dma_semaphore, #tpu.memory_space<semaphore_mem>>
      %dma_start3A_83 = arith.constant 0 : i32
      %dma_start3A_84 = tpu.memref_slice %arg7[%run_scoped3A, %dma_start3A_83] : memref<40x128xi32, #tpu.memory_space<vmem>> -> memref<1x128xi32, #tpu.memory_space<vmem>>
      %dma_start3A_85 = tpu.memref_squeeze %dma_start3A_84 : memref<1x128xi32, #tpu.memory_space<vmem>> -> memref<128xi32, #tpu.memory_space<vmem>>
      %dma_start3A_86 = arith.constant 0 : i32
      %dma_start3A_87 = arith.constant 0 : i32
      %dma_start3A_88 = tpu.memref_slice %arg12[%dma_start3A_86, %dma_start3A_87] : memref<10240x128xf32, #tpu.memory_space<vmem_shared>> -> memref<10240x128xf32, #tpu.memory_space<vmem_shared>>
      tpu.enqueue_indirect_dma source(%arg8 : memref<128x128xf32, #tpu.memory_space<vmem>>) target(%dma_start3A_88 : memref<10240x128xf32, #tpu.memory_space<vmem_shared>>) offsets(%dma_start3A_85 : memref<128xi32, #tpu.memory_space<vmem>>) semaphore(%run_scoped3A_82 : memref<!tpu.dma_semaphore, #tpu.memory_space<semaphore_mem>>) {add = true}
      %dma_wait3A_89 = arith.constant 0 : i32
      %dma_wait3A_90 = tpu.memref_slice %arg7[%run_scoped3A, %dma_wait3A_89] : memref<40x128xi32, #tpu.memory_space<vmem>> -> memref<1x128xi32, #tpu.memory_space<vmem>>
      %dma_wait3A_91 = tpu.memref_squeeze %dma_wait3A_90 : memref<1x128xi32, #tpu.memory_space<vmem>> -> memref<128xi32, #tpu.memory_space<vmem>>
      %dma_wait3A_92 = arith.constant 0 : i32
      %dma_wait3A_93 = arith.constant 0 : i32
      %dma_wait3A_94 = tpu.memref_slice %arg12[%dma_wait3A_92, %dma_wait3A_93] : memref<10240x128xf32, #tpu.memory_space<vmem_shared>> -> memref<10240x128xf32, #tpu.memory_space<vmem_shared>>
      tpu.wait_indirect_dma semaphore(%run_scoped3A_82 : memref<!tpu.dma_semaphore, #tpu.memory_space<semaphore_mem>>) src(%arg8 : memref<128x128xf32, #tpu.memory_space<vmem>>) dst(%dma_wait3A_94 : memref<10240x128xf32, #tpu.memory_space<vmem_shared>>)
      tpu.yield
    }) : () -> ()
    %dma_wait3A_34 = arith.constant 39 : i32
    %dma_wait3A_35 = arith.constant 0 : i32
    %dma_wait3A_36 = tpu.memref_slice %arg6[%dma_wait3A_34, %dma_wait3A_35] : memref<40x128xi32, #tpu.memory_space<vmem>> -> memref<1x128xi32, #tpu.memory_space<vmem>>
    %dma_wait3A_37 = tpu.memref_squeeze %dma_wait3A_36 : memref<1x128xi32, #tpu.memory_space<vmem>> -> memref<128xi32, #tpu.memory_space<vmem>>
    %dma_wait3A_38 = arith.constant 0 : i32
    %dma_wait3A_39 = arith.constant 0 : i32
    %dma_wait3A_40 = tpu.memref_slice %arg2[%dma_wait3A_38, %dma_wait3A_39] : memref<10000x128xf32, #tpu.memory_space<hbm>> -> memref<10000x128xf32, #tpu.memory_space<hbm>>
    tpu.wait_indirect_dma semaphore(%arg11 : memref<!tpu.dma_semaphore, #tpu.memory_space<semaphore_mem>>) src(%dma_wait3A_40 : memref<10000x128xf32, #tpu.memory_space<hbm>>) dst(%arg9 : memref<128x128xf32, #tpu.memory_space<vmem>>)
    %run_scoped3A_41 = arith.constant 39 : i32
    "tpu.region"() ({
      %run_scoped3A_82 = tpu.sem_alloc : memref<!tpu.dma_semaphore, #tpu.memory_space<semaphore_mem>>
      %dma_start3A_83 = arith.constant 0 : i32
      %dma_start3A_84 = tpu.memref_slice %arg7[%run_scoped3A_41, %dma_start3A_83] : memref<40x128xi32, #tpu.memory_space<vmem>> -> memref<1x128xi32, #tpu.memory_space<vmem>>
      %dma_start3A_85 = tpu.memref_squeeze %dma_start3A_84 : memref<1x128xi32, #tpu.memory_space<vmem>> -> memref<128xi32, #tpu.memory_space<vmem>>
      %dma_start3A_86 = arith.constant 0 : i32
      %dma_start3A_87 = arith.constant 0 : i32
      %dma_start3A_88 = tpu.memref_slice %arg12[%dma_start3A_86, %dma_start3A_87] : memref<10240x128xf32, #tpu.memory_space<vmem_shared>> -> memref<10240x128xf32, #tpu.memory_space<vmem_shared>>
      tpu.enqueue_indirect_dma source(%arg9 : memref<128x128xf32, #tpu.memory_space<vmem>>) target(%dma_start3A_88 : memref<10240x128xf32, #tpu.memory_space<vmem_shared>>) offsets(%dma_start3A_85 : memref<128xi32, #tpu.memory_space<vmem>>) semaphore(%run_scoped3A_82 : memref<!tpu.dma_semaphore, #tpu.memory_space<semaphore_mem>>) {add = true}
      %dma_wait3A_89 = arith.constant 0 : i32
      %dma_wait3A_90 = tpu.memref_slice %arg7[%run_scoped3A_41, %dma_wait3A_89] : memref<40x128xi32, #tpu.memory_space<vmem>> -> memref<1x128xi32, #tpu.memory_space<vmem>>
      %dma_wait3A_91 = tpu.memref_squeeze %dma_wait3A_90 : memref<1x128xi32, #tpu.memory_space<vmem>> -> memref<128xi32, #tpu.memory_space<vmem>>
      %dma_wait3A_92 = arith.constant 0 : i32
      %dma_wait3A_93 = arith.constant 0 : i32
      %dma_wait3A_94 = tpu.memref_slice %arg12[%dma_wait3A_92, %dma_wait3A_93] : memref<10240x128xf32, #tpu.memory_space<vmem_shared>> -> memref<10240x128xf32, #tpu.memory_space<vmem_shared>>
      tpu.wait_indirect_dma semaphore(%run_scoped3A_82 : memref<!tpu.dma_semaphore, #tpu.memory_space<semaphore_mem>>) src(%arg9 : memref<128x128xf32, #tpu.memory_space<vmem>>) dst(%dma_wait3A_94 : memref<10240x128xf32, #tpu.memory_space<vmem_shared>>)
      tpu.yield
    }) : () -> ()
    "tpu.region"() ({
      %run_scoped3A_82 = tpu.sem_alloc : memref<!tpu.dma_semaphore, #tpu.memory_space<semaphore_mem>>
      %dma_start3A_83 = arith.constant 40 : i32
      %dma_start3A_84 = arith.constant 0 : i32
      %dma_start3A_85 = tpu.memref_slice %arg3[%add3A, %dma_start3A_83, %dma_start3A_84] : memref<32x80x128xi32, #tpu.memory_space<hbm>> -> memref<1x40x128xi32, #tpu.memory_space<hbm>>
      %dma_start3A_86 = tpu.memref_squeeze %dma_start3A_85 : memref<1x40x128xi32, #tpu.memory_space<hbm>> -> memref<40x128xi32, #tpu.memory_space<hbm>>
      %dma_start3A_87 = arith.constant 40 : i32
      %dma_start3A_88 = arith.constant 0 : i32
      %dma_start3A_89 = tpu.memref_slice %arg3[%add3A, %dma_start3A_87, %dma_start3A_88] : memref<32x80x128xi32, #tpu.memory_space<hbm>> -> memref<1x40x128xi32, #tpu.memory_space<hbm>>
      %dma_start3A_90 = tpu.memref_squeeze %dma_start3A_89 : memref<1x40x128xi32, #tpu.memory_space<hbm>> -> memref<40x128xi32, #tpu.memory_space<hbm>>
      tpu.enqueue_dma source(%dma_start3A_90 : memref<40x128xi32, #tpu.memory_space<hbm>>) target(%arg6 : memref<40x128xi32, #tpu.memory_space<vmem>>) target_semaphore(%run_scoped3A_82 : memref<!tpu.dma_semaphore, #tpu.memory_space<semaphore_mem>>)
      %dma_wait3A_91 = arith.constant 40 : i32
      %dma_wait3A_92 = arith.constant 0 : i32
      %dma_wait3A_93 = tpu.memref_slice %arg3[%add3A, %dma_wait3A_91, %dma_wait3A_92] : memref<32x80x128xi32, #tpu.memory_space<hbm>> -> memref<1x40x128xi32, #tpu.memory_space<hbm>>
      %dma_wait3A_94 = tpu.memref_squeeze %dma_wait3A_93 : memref<1x40x128xi32, #tpu.memory_space<hbm>> -> memref<40x128xi32, #tpu.memory_space<hbm>>
      %dma_wait3A_95 = arith.constant 40 : i32
      %dma_wait3A_96 = arith.constant 0 : i32
      %dma_wait3A_97 = tpu.memref_slice %arg3[%add3A, %dma_wait3A_95, %dma_wait3A_96] : memref<32x80x128xi32, #tpu.memory_space<hbm>> -> memref<1x40x128xi32, #tpu.memory_space<hbm>>
      %dma_wait3A_98 = tpu.memref_squeeze %dma_wait3A_97 : memref<1x40x128xi32, #tpu.memory_space<hbm>> -> memref<40x128xi32, #tpu.memory_space<hbm>>
      tpu.wait_dma2 semaphore(%run_scoped3A_82 : memref<!tpu.dma_semaphore, #tpu.memory_space<semaphore_mem>>) src(%dma_wait3A_98 : memref<40x128xi32, #tpu.memory_space<hbm>>) dst(%arg6 : memref<40x128xi32, #tpu.memory_space<vmem>>)
      tpu.yield
    }) : () -> ()
    "tpu.region"() ({
      %run_scoped3A_82 = tpu.sem_alloc : memref<!tpu.dma_semaphore, #tpu.memory_space<semaphore_mem>>
      %dma_start3A_83 = arith.constant 40 : i32
      %dma_start3A_84 = arith.constant 0 : i32
      %dma_start3A_85 = tpu.memref_slice %arg4[%add3A, %dma_start3A_83, %dma_start3A_84] : memref<32x80x128xi32, #tpu.memory_space<hbm>> -> memref<1x40x128xi32, #tpu.memory_space<hbm>>
      %dma_start3A_86 = tpu.memref_squeeze %dma_start3A_85 : memref<1x40x128xi32, #tpu.memory_space<hbm>> -> memref<40x128xi32, #tpu.memory_space<hbm>>
      %dma_start3A_87 = arith.constant 40 : i32
      %dma_start3A_88 = arith.constant 0 : i32
      %dma_start3A_89 = tpu.memref_slice %arg4[%add3A, %dma_start3A_87, %dma_start3A_88] : memref<32x80x128xi32, #tpu.memory_space<hbm>> -> memref<1x40x128xi32, #tpu.memory_space<hbm>>
      %dma_start3A_90 = tpu.memref_squeeze %dma_start3A_89 : memref<1x40x128xi32, #tpu.memory_space<hbm>> -> memref<40x128xi32, #tpu.memory_space<hbm>>
      tpu.enqueue_dma source(%dma_start3A_90 : memref<40x128xi32, #tpu.memory_space<hbm>>) target(%arg7 : memref<40x128xi32, #tpu.memory_space<vmem>>) target_semaphore(%run_scoped3A_82 : memref<!tpu.dma_semaphore, #tpu.memory_space<semaphore_mem>>)
      %dma_wait3A_91 = arith.constant 40 : i32
      %dma_wait3A_92 = arith.constant 0 : i32
      %dma_wait3A_93 = tpu.memref_slice %arg4[%add3A, %dma_wait3A_91, %dma_wait3A_92] : memref<32x80x128xi32, #tpu.memory_space<hbm>> -> memref<1x40x128xi32, #tpu.memory_space<hbm>>
      %dma_wait3A_94 = tpu.memref_squeeze %dma_wait3A_93 : memref<1x40x128xi32, #tpu.memory_space<hbm>> -> memref<40x128xi32, #tpu.memory_space<hbm>>
      %dma_wait3A_95 = arith.constant 40 : i32
      %dma_wait3A_96 = arith.constant 0 : i32
      %dma_wait3A_97 = tpu.memref_slice %arg4[%add3A, %dma_wait3A_95, %dma_wait3A_96] : memref<32x80x128xi32, #tpu.memory_space<hbm>> -> memref<1x40x128xi32, #tpu.memory_space<hbm>>
      %dma_wait3A_98 = tpu.memref_squeeze %dma_wait3A_97 : memref<1x40x128xi32, #tpu.memory_space<hbm>> -> memref<40x128xi32, #tpu.memory_space<hbm>>
      tpu.wait_dma2 semaphore(%run_scoped3A_82 : memref<!tpu.dma_semaphore, #tpu.memory_space<semaphore_mem>>) src(%dma_wait3A_98 : memref<40x128xi32, #tpu.memory_space<hbm>>) dst(%arg7 : memref<40x128xi32, #tpu.memory_space<vmem>>)
      tpu.yield
    }) : () -> ()
    %dma_start3A_42 = arith.constant 0 : i32
    %dma_start3A_43 = arith.constant 0 : i32
    %dma_start3A_44 = tpu.memref_slice %arg6[%dma_start3A_42, %dma_start3A_43] : memref<40x128xi32, #tpu.memory_space<vmem>> -> memref<1x128xi32, #tpu.memory_space<vmem>>
    %dma_start3A_45 = tpu.memref_squeeze %dma_start3A_44 : memref<1x128xi32, #tpu.memory_space<vmem>> -> memref<128xi32, #tpu.memory_space<vmem>>
    %dma_start3A_46 = arith.constant 0 : i32
    %dma_start3A_47 = arith.constant 0 : i32
    %dma_start3A_48 = tpu.memref_slice %arg2[%dma_start3A_46, %dma_start3A_47] : memref<10000x128xf32, #tpu.memory_space<hbm>> -> memref<10000x128xf32, #tpu.memory_space<hbm>>
    tpu.enqueue_indirect_dma source(%dma_start3A_48 : memref<10000x128xf32, #tpu.memory_space<hbm>>) target(%arg8 : memref<128x128xf32, #tpu.memory_space<vmem>>) offsets(%dma_start3A_45 : memref<128xi32, #tpu.memory_space<vmem>>) semaphore(%arg10 : memref<!tpu.dma_semaphore, #tpu.memory_space<semaphore_mem>>)
    %scan3A_49 = arith.constant 0 : i32
    %scan3A_50 = arith.constant 19 : i32
    %scan3A_51 = arith.addi %scan3A_49, %scan3A_50 : i32
    %scan3A_52 = arith.constant 1 : i32
    scf.for %scan3A_82 = %scan3A_49 to %scan3A_51 step %scan3A_52  : i32 {
      %mul3A_83 = arith.constant 1 : i32
      %mul3A_84 = arith.muli %scan3A_82, %mul3A_83 : i32
      %add3A_85 = arith.constant 0 : i32
      %add3A_86 = arith.addi %add3A_85, %mul3A_84 : i32
      %mul3A_87 = arith.constant 2 : i32
      %mul3A_88 = arith.muli %mul3A_87, %add3A_86 : i32
      %add3A_89 = arith.constant 1 : i32
      %add3A_90 = arith.addi %mul3A_88, %add3A_89 : i32
      %dma_start3A_91 = arith.constant 0 : i32
      %dma_start3A_92 = tpu.memref_slice %arg6[%add3A_90, %dma_start3A_91] : memref<40x128xi32, #tpu.memory_space<vmem>> -> memref<1x128xi32, #tpu.memory_space<vmem>>
      %dma_start3A_93 = tpu.memref_squeeze %dma_start3A_92 : memref<1x128xi32, #tpu.memory_space<vmem>> -> memref<128xi32, #tpu.memory_space<vmem>>
      %dma_start3A_94 = arith.constant 0 : i32
      %dma_start3A_95 = arith.constant 0 : i32
      %dma_start3A_96 = tpu.memref_slice %arg2[%dma_start3A_94, %dma_start3A_95] : memref<10000x128xf32, #tpu.memory_space<hbm>> -> memref<10000x128xf32, #tpu.memory_space<hbm>>
      tpu.enqueue_indirect_dma source(%dma_start3A_96 : memref<10000x128xf32, #tpu.memory_space<hbm>>) target(%arg9 : memref<128x128xf32, #tpu.memory_space<vmem>>) offsets(%dma_start3A_93 : memref<128xi32, #tpu.memory_space<vmem>>) semaphore(%arg11 : memref<!tpu.dma_semaphore, #tpu.memory_space<semaphore_mem>>)
      %dma_wait3A_97 = arith.constant 0 : i32
      %dma_wait3A_98 = tpu.memref_slice %arg6[%mul3A_88, %dma_wait3A_97] : memref<40x128xi32, #tpu.memory_space<vmem>> -> memref<1x128xi32, #tpu.memory_space<vmem>>
      %dma_wait3A_99 = tpu.memref_squeeze %dma_wait3A_98 : memref<1x128xi32, #tpu.memory_space<vmem>> -> memref<128xi32, #tpu.memory_space<vmem>>
      %dma_wait3A_100 = arith.constant 0 : i32
      %dma_wait3A_101 = arith.constant 0 : i32
      %dma_wait3A_102 = tpu.memref_slice %arg2[%dma_wait3A_100, %dma_wait3A_101] : memref<10000x128xf32, #tpu.memory_space<hbm>> -> memref<10000x128xf32, #tpu.memory_space<hbm>>
      tpu.wait_indirect_dma semaphore(%arg10 : memref<!tpu.dma_semaphore, #tpu.memory_space<semaphore_mem>>) src(%dma_wait3A_102 : memref<10000x128xf32, #tpu.memory_space<hbm>>) dst(%arg8 : memref<128x128xf32, #tpu.memory_space<vmem>>)
      "tpu.region"() ({
        %run_scoped3A_121 = tpu.sem_alloc : memref<!tpu.dma_semaphore, #tpu.memory_space<semaphore_mem>>
        %dma_start3A_122 = arith.constant 0 : i32
        %dma_start3A_123 = tpu.memref_slice %arg7[%mul3A_88, %dma_start3A_122] : memref<40x128xi32, #tpu.memory_space<vmem>> -> memref<1x128xi32, #tpu.memory_space<vmem>>
        %dma_start3A_124 = tpu.memref_squeeze %dma_start3A_123 : memref<1x128xi32, #tpu.memory_space<vmem>> -> memref<128xi32, #tpu.memory_space<vmem>>
        %dma_start3A_125 = arith.constant 0 : i32
        %dma_start3A_126 = arith.constant 0 : i32
        %dma_start3A_127 = tpu.memref_slice %arg12[%dma_start3A_125, %dma_start3A_126] : memref<10240x128xf32, #tpu.memory_space<vmem_shared>> -> memref<10240x128xf32, #tpu.memory_space<vmem_shared>>
        tpu.enqueue_indirect_dma source(%arg8 : memref<128x128xf32, #tpu.memory_space<vmem>>) target(%dma_start3A_127 : memref<10240x128xf32, #tpu.memory_space<vmem_shared>>) offsets(%dma_start3A_124 : memref<128xi32, #tpu.memory_space<vmem>>) semaphore(%run_scoped3A_121 : memref<!tpu.dma_semaphore, #tpu.memory_space<semaphore_mem>>) {add = true}
        %dma_wait3A_128 = arith.constant 0 : i32
        %dma_wait3A_129 = tpu.memref_slice %arg7[%mul3A_88, %dma_wait3A_128] : memref<40x128xi32, #tpu.memory_space<vmem>> -> memref<1x128xi32, #tpu.memory_space<vmem>>
        %dma_wait3A_130 = tpu.memref_squeeze %dma_wait3A_129 : memref<1x128xi32, #tpu.memory_space<vmem>> -> memref<128xi32, #tpu.memory_space<vmem>>
        %dma_wait3A_131 = arith.constant 0 : i32
        %dma_wait3A_132 = arith.constant 0 : i32
        %dma_wait3A_133 = tpu.memref_slice %arg12[%dma_wait3A_131, %dma_wait3A_132] : memref<10240x128xf32, #tpu.memory_space<vmem_shared>> -> memref<10240x128xf32, #tpu.memory_space<vmem_shared>>
        tpu.wait_indirect_dma semaphore(%run_scoped3A_121 : memref<!tpu.dma_semaphore, #tpu.memory_space<semaphore_mem>>) src(%arg8 : memref<128x128xf32, #tpu.memory_space<vmem>>) dst(%dma_wait3A_133 : memref<10240x128xf32, #tpu.memory_space<vmem_shared>>)
        tpu.yield
      }) : () -> ()
      %add3A_103 = arith.constant 2 : i32
      %add3A_104 = arith.addi %mul3A_88, %add3A_103 : i32
      %dma_start3A_105 = arith.constant 0 : i32
      %dma_start3A_106 = tpu.memref_slice %arg6[%add3A_104, %dma_start3A_105] : memref<40x128xi32, #tpu.memory_space<vmem>> -> memref<1x128xi32, #tpu.memory_space<vmem>>
      %dma_start3A_107 = tpu.memref_squeeze %dma_start3A_106 : memref<1x128xi32, #tpu.memory_space<vmem>> -> memref<128xi32, #tpu.memory_space<vmem>>
      %dma_start3A_108 = arith.constant 0 : i32
      %dma_start3A_109 = arith.constant 0 : i32
      %dma_start3A_110 = tpu.memref_slice %arg2[%dma_start3A_108, %dma_start3A_109] : memref<10000x128xf32, #tpu.memory_space<hbm>> -> memref<10000x128xf32, #tpu.memory_space<hbm>>
      tpu.enqueue_indirect_dma source(%dma_start3A_110 : memref<10000x128xf32, #tpu.memory_space<hbm>>) target(%arg8 : memref<128x128xf32, #tpu.memory_space<vmem>>) offsets(%dma_start3A_107 : memref<128xi32, #tpu.memory_space<vmem>>) semaphore(%arg10 : memref<!tpu.dma_semaphore, #tpu.memory_space<semaphore_mem>>)
      %add3A_111 = arith.constant 1 : i32
      %add3A_112 = arith.addi %mul3A_88, %add3A_111 : i32
      %dma_wait3A_113 = arith.constant 0 : i32
      %dma_wait3A_114 = tpu.memref_slice %arg6[%add3A_112, %dma_wait3A_113] : memref<40x128xi32, #tpu.memory_space<vmem>> -> memref<1x128xi32, #tpu.memory_space<vmem>>
      %dma_wait3A_115 = tpu.memref_squeeze %dma_wait3A_114 : memref<1x128xi32, #tpu.memory_space<vmem>> -> memref<128xi32, #tpu.memory_space<vmem>>
      %dma_wait3A_116 = arith.constant 0 : i32
      %dma_wait3A_117 = arith.constant 0 : i32
      %dma_wait3A_118 = tpu.memref_slice %arg2[%dma_wait3A_116, %dma_wait3A_117] : memref<10000x128xf32, #tpu.memory_space<hbm>> -> memref<10000x128xf32, #tpu.memory_space<hbm>>
      tpu.wait_indirect_dma semaphore(%arg11 : memref<!tpu.dma_semaphore, #tpu.memory_space<semaphore_mem>>) src(%dma_wait3A_118 : memref<10000x128xf32, #tpu.memory_space<hbm>>) dst(%arg9 : memref<128x128xf32, #tpu.memory_space<vmem>>)
      %add3A_119 = arith.constant 1 : i32
      %add3A_120 = arith.addi %mul3A_88, %add3A_119 : i32
      "tpu.region"() ({
        %run_scoped3A_121 = tpu.sem_alloc : memref<!tpu.dma_semaphore, #tpu.memory_space<semaphore_mem>>
        %dma_start3A_122 = arith.constant 0 : i32
        %dma_start3A_123 = tpu.memref_slice %arg7[%add3A_120, %dma_start3A_122] : memref<40x128xi32, #tpu.memory_space<vmem>> -> memref<1x128xi32, #tpu.memory_space<vmem>>
        %dma_start3A_124 = tpu.memref_squeeze %dma_start3A_123 : memref<1x128xi32, #tpu.memory_space<vmem>> -> memref<128xi32, #tpu.memory_space<vmem>>
        %dma_start3A_125 = arith.constant 0 : i32
        %dma_start3A_126 = arith.constant 0 : i32
        %dma_start3A_127 = tpu.memref_slice %arg12[%dma_start3A_125, %dma_start3A_126] : memref<10240x128xf32, #tpu.memory_space<vmem_shared>> -> memref<10240x128xf32, #tpu.memory_space<vmem_shared>>
        tpu.enqueue_indirect_dma source(%arg9 : memref<128x128xf32, #tpu.memory_space<vmem>>) target(%dma_start3A_127 : memref<10240x128xf32, #tpu.memory_space<vmem_shared>>) offsets(%dma_start3A_124 : memref<128xi32, #tpu.memory_space<vmem>>) semaphore(%run_scoped3A_121 : memref<!tpu.dma_semaphore, #tpu.memory_space<semaphore_mem>>) {add = true}
        %dma_wait3A_128 = arith.constant 0 : i32
        %dma_wait3A_129 = tpu.memref_slice %arg7[%add3A_120, %dma_wait3A_128] : memref<40x128xi32, #tpu.memory_space<vmem>> -> memref<1x128xi32, #tpu.memory_space<vmem>>
        %dma_wait3A_130 = tpu.memref_squeeze %dma_wait3A_129 : memref<1x128xi32, #tpu.memory_space<vmem>> -> memref<128xi32, #tpu.memory_space<vmem>>
        %dma_wait3A_131 = arith.constant 0 : i32
        %dma_wait3A_132 = arith.constant 0 : i32
        %dma_wait3A_133 = tpu.memref_slice %arg12[%dma_wait3A_131, %dma_wait3A_132] : memref<10240x128xf32, #tpu.memory_space<vmem_shared>> -> memref<10240x128xf32, #tpu.memory_space<vmem_shared>>
        tpu.wait_indirect_dma semaphore(%run_scoped3A_121 : memref<!tpu.dma_semaphore, #tpu.memory_space<semaphore_mem>>) src(%arg9 : memref<128x128xf32, #tpu.memory_space<vmem>>) dst(%dma_wait3A_133 : memref<10240x128xf32, #tpu.memory_space<vmem_shared>>)
        tpu.yield
      }) : () -> ()
    }
    %scan3A_53 = arith.constant 19 : i32
    %dma_start3A_54 = arith.constant 39 : i32
    %dma_start3A_55 = arith.constant 0 : i32
    %dma_start3A_56 = tpu.memref_slice %arg6[%dma_start3A_54, %dma_start3A_55] : memref<40x128xi32, #tpu.memory_space<vmem>> -> memref<1x128xi32, #tpu.memory_space<vmem>>
    %dma_start3A_57 = tpu.memref_squeeze %dma_start3A_56 : memref<1x128xi32, #tpu.memory_space<vmem>> -> memref<128xi32, #tpu.memory_space<vmem>>
    %dma_start3A_58 = arith.constant 0 : i32
    %dma_start3A_59 = arith.constant 0 : i32
    %dma_start3A_60 = tpu.memref_slice %arg2[%dma_start3A_58, %dma_start3A_59] : memref<10000x128xf32, #tpu.memory_space<hbm>> -> memref<10000x128xf32, #tpu.memory_space<hbm>>
    tpu.enqueue_indirect_dma source(%dma_start3A_60 : memref<10000x128xf32, #tpu.memory_space<hbm>>) target(%arg9 : memref<128x128xf32, #tpu.memory_space<vmem>>) offsets(%dma_start3A_57 : memref<128xi32, #tpu.memory_space<vmem>>) semaphore(%arg11 : memref<!tpu.dma_semaphore, #tpu.memory_space<semaphore_mem>>)
    %dma_wait3A_61 = arith.constant 38 : i32
    %dma_wait3A_62 = arith.constant 0 : i32
    %dma_wait3A_63 = tpu.memref_slice %arg6[%dma_wait3A_61, %dma_wait3A_62] : memref<40x128xi32, #tpu.memory_space<vmem>> -> memref<1x128xi32, #tpu.memory_space<vmem>>
    %dma_wait3A_64 = tpu.memref_squeeze %dma_wait3A_63 : memref<1x128xi32, #tpu.memory_space<vmem>> -> memref<128xi32, #tpu.memory_space<vmem>>
    %dma_wait3A_65 = arith.constant 0 : i32
    %dma_wait3A_66 = arith.constant 0 : i32
    %dma_wait3A_67 = tpu.memref_slice %arg2[%dma_wait3A_65, %dma_wait3A_66] : memref<10000x128xf32, #tpu.memory_space<hbm>> -> memref<10000x128xf32, #tpu.memory_space<hbm>>
    tpu.wait_indirect_dma semaphore(%arg10 : memref<!tpu.dma_semaphore, #tpu.memory_space<semaphore_mem>>) src(%dma_wait3A_67 : memref<10000x128xf32, #tpu.memory_space<hbm>>) dst(%arg8 : memref<128x128xf32, #tpu.memory_space<vmem>>)
    %run_scoped3A_68 = arith.constant 38 : i32
    "tpu.region"() ({
      %run_scoped3A_82 = tpu.sem_alloc : memref<!tpu.dma_semaphore, #tpu.memory_space<semaphore_mem>>
      %dma_start3A_83 = arith.constant 0 : i32
      %dma_start3A_84 = tpu.memref_slice %arg7[%run_scoped3A_68, %dma_start3A_83] : memref<40x128xi32, #tpu.memory_space<vmem>> -> memref<1x128xi32, #tpu.memory_space<vmem>>
      %dma_start3A_85 = tpu.memref_squeeze %dma_start3A_84 : memref<1x128xi32, #tpu.memory_space<vmem>> -> memref<128xi32, #tpu.memory_space<vmem>>
      %dma_start3A_86 = arith.constant 0 : i32
      %dma_start3A_87 = arith.constant 0 : i32
      %dma_start3A_88 = tpu.memref_slice %arg12[%dma_start3A_86, %dma_start3A_87] : memref<10240x128xf32, #tpu.memory_space<vmem_shared>> -> memref<10240x128xf32, #tpu.memory_space<vmem_shared>>
      tpu.enqueue_indirect_dma source(%arg8 : memref<128x128xf32, #tpu.memory_space<vmem>>) target(%dma_start3A_88 : memref<10240x128xf32, #tpu.memory_space<vmem_shared>>) offsets(%dma_start3A_85 : memref<128xi32, #tpu.memory_space<vmem>>) semaphore(%run_scoped3A_82 : memref<!tpu.dma_semaphore, #tpu.memory_space<semaphore_mem>>) {add = true}
      %dma_wait3A_89 = arith.constant 0 : i32
      %dma_wait3A_90 = tpu.memref_slice %arg7[%run_scoped3A_68, %dma_wait3A_89] : memref<40x128xi32, #tpu.memory_space<vmem>> -> memref<1x128xi32, #tpu.memory_space<vmem>>
      %dma_wait3A_91 = tpu.memref_squeeze %dma_wait3A_90 : memref<1x128xi32, #tpu.memory_space<vmem>> -> memref<128xi32, #tpu.memory_space<vmem>>
      %dma_wait3A_92 = arith.constant 0 : i32
      %dma_wait3A_93 = arith.constant 0 : i32
      %dma_wait3A_94 = tpu.memref_slice %arg12[%dma_wait3A_92, %dma_wait3A_93] : memref<10240x128xf32, #tpu.memory_space<vmem_shared>> -> memref<10240x128xf32, #tpu.memory_space<vmem_shared>>
      tpu.wait_indirect_dma semaphore(%run_scoped3A_82 : memref<!tpu.dma_semaphore, #tpu.memory_space<semaphore_mem>>) src(%arg8 : memref<128x128xf32, #tpu.memory_space<vmem>>) dst(%dma_wait3A_94 : memref<10240x128xf32, #tpu.memory_space<vmem_shared>>)
      tpu.yield
    }) : () -> ()
    %dma_wait3A_69 = arith.constant 39 : i32
    %dma_wait3A_70 = arith.constant 0 : i32
    %dma_wait3A_71 = tpu.memref_slice %arg6[%dma_wait3A_69, %dma_wait3A_70] : memref<40x128xi32, #tpu.memory_space<vmem>> -> memref<1x128xi32, #tpu.memory_space<vmem>>
    %dma_wait3A_72 = tpu.memref_squeeze %dma_wait3A_71 : memref<1x128xi32, #tpu.memory_space<vmem>> -> memref<128xi32, #tpu.memory_space<vmem>>
    %dma_wait3A_73 = arith.constant 0 : i32
    %dma_wait3A_74 = arith.constant 0 : i32
    %dma_wait3A_75 = tpu.memref_slice %arg2[%dma_wait3A_73, %dma_wait3A_74] : memref<10000x128xf32, #tpu.memory_space<hbm>> -> memref<10000x128xf32, #tpu.memory_space<hbm>>
    tpu.wait_indirect_dma semaphore(%arg11 : memref<!tpu.dma_semaphore, #tpu.memory_space<semaphore_mem>>) src(%dma_wait3A_75 : memref<10000x128xf32, #tpu.memory_space<hbm>>) dst(%arg9 : memref<128x128xf32, #tpu.memory_space<vmem>>)
    %run_scoped3A_76 = arith.constant 39 : i32
    "tpu.region"() ({
      %run_scoped3A_82 = tpu.sem_alloc : memref<!tpu.dma_semaphore, #tpu.memory_space<semaphore_mem>>
      %dma_start3A_83 = arith.constant 0 : i32
      %dma_start3A_84 = tpu.memref_slice %arg7[%run_scoped3A_76, %dma_start3A_83] : memref<40x128xi32, #tpu.memory_space<vmem>> -> memref<1x128xi32, #tpu.memory_space<vmem>>
      %dma_start3A_85 = tpu.memref_squeeze %dma_start3A_84 : memref<1x128xi32, #tpu.memory_space<vmem>> -> memref<128xi32, #tpu.memory_space<vmem>>
      %dma_start3A_86 = arith.constant 0 : i32
      %dma_start3A_87 = arith.constant 0 : i32
      %dma_start3A_88 = tpu.memref_slice %arg12[%dma_start3A_86, %dma_start3A_87] : memref<10240x128xf32, #tpu.memory_space<vmem_shared>> -> memref<10240x128xf32, #tpu.memory_space<vmem_shared>>
      tpu.enqueue_indirect_dma source(%arg9 : memref<128x128xf32, #tpu.memory_space<vmem>>) target(%dma_start3A_88 : memref<10240x128xf32, #tpu.memory_space<vmem_shared>>) offsets(%dma_start3A_85 : memref<128xi32, #tpu.memory_space<vmem>>) semaphore(%run_scoped3A_82 : memref<!tpu.dma_semaphore, #tpu.memory_space<semaphore_mem>>) {add = true}
      %dma_wait3A_89 = arith.constant 0 : i32
      %dma_wait3A_90 = tpu.memref_slice %arg7[%run_scoped3A_76, %dma_wait3A_89] : memref<40x128xi32, #tpu.memory_space<vmem>> -> memref<1x128xi32, #tpu.memory_space<vmem>>
      %dma_wait3A_91 = tpu.memref_squeeze %dma_wait3A_90 : memref<1x128xi32, #tpu.memory_space<vmem>> -> memref<128xi32, #tpu.memory_space<vmem>>
      %dma_wait3A_92 = arith.constant 0 : i32
      %dma_wait3A_93 = arith.constant 0 : i32
      %dma_wait3A_94 = tpu.memref_slice %arg12[%dma_wait3A_92, %dma_wait3A_93] : memref<10240x128xf32, #tpu.memory_space<vmem_shared>> -> memref<10240x128xf32, #tpu.memory_space<vmem_shared>>
      tpu.wait_indirect_dma semaphore(%run_scoped3A_82 : memref<!tpu.dma_semaphore, #tpu.memory_space<semaphore_mem>>) src(%arg9 : memref<128x128xf32, #tpu.memory_space<vmem>>) dst(%dma_wait3A_94 : memref<10240x128xf32, #tpu.memory_space<vmem_shared>>)
      tpu.yield
    }) : () -> ()
    %barrier3A_77 = arith.constant 0 : index
    tpu.barrier barrier_id(%barrier3A_77)
    %mul3A_78 = arith.constant 640 : i32
    %mul3A_79 = arith.muli %arg1, %mul3A_78 : i32
    %mul3A_80 = arith.constant 640 : i32
    %mul3A_81 = arith.muli %arg1, %mul3A_80 : i32
    "tpu.region"() ({
      %run_scoped3A_82 = tpu.sem_alloc : memref<!tpu.dma_semaphore, #tpu.memory_space<semaphore_mem>>
      %dma_start3A_83 = arith.constant 0 : i32
      %dma_start3A_84 = tpu.memref_slice %arg5[%arg0, %mul3A_81, %dma_start3A_83] : memref<2x10240x128xf32, #tpu.memory_space<hbm>> -> memref<1x640x128xf32, #tpu.memory_space<hbm>>
      %dma_start3A_85 = tpu.memref_squeeze %dma_start3A_84 : memref<1x640x128xf32, #tpu.memory_space<hbm>> -> memref<640x128xf32, #tpu.memory_space<hbm>>
      %dma_start3A_86 = arith.constant 0 : i32
      %dma_start3A_87 = tpu.memref_slice %arg12[%mul3A_79, %dma_start3A_86] : memref<10240x128xf32, #tpu.memory_space<vmem_shared>> -> memref<640x128xf32, #tpu.memory_space<vmem_shared>>
      tpu.enqueue_dma source(%dma_start3A_87 : memref<640x128xf32, #tpu.memory_space<vmem_shared>>) target(%dma_start3A_85 : memref<640x128xf32, #tpu.memory_space<hbm>>) target_semaphore(%run_scoped3A_82 : memref<!tpu.dma_semaphore, #tpu.memory_space<semaphore_mem>>)
      %dma_wait3A_88 = arith.constant 0 : i32
      %dma_wait3A_89 = tpu.memref_slice %arg5[%arg0, %mul3A_81, %dma_wait3A_88] : memref<2x10240x128xf32, #tpu.memory_space<hbm>> -> memref<1x640x128xf32, #tpu.memory_space<hbm>>
      %dma_wait3A_90 = tpu.memref_squeeze %dma_wait3A_89 : memref<1x640x128xf32, #tpu.memory_space<hbm>> -> memref<640x128xf32, #tpu.memory_space<hbm>>
      %dma_wait3A_91 = arith.constant 0 : i32
      %dma_wait3A_92 = tpu.memref_slice %arg12[%mul3A_79, %dma_wait3A_91] : memref<10240x128xf32, #tpu.memory_space<vmem_shared>> -> memref<640x128xf32, #tpu.memory_space<vmem_shared>>
      tpu.wait_dma2 semaphore(%run_scoped3A_82 : memref<!tpu.dma_semaphore, #tpu.memory_space<semaphore_mem>>) src(%dma_wait3A_92 : memref<640x128xf32, #tpu.memory_space<vmem_shared>>) dst(%dma_wait3A_90 : memref<640x128xf32, #tpu.memory_space<hbm>>)
      tpu.yield
    }) : () -> ()
    return
  }
}

#map = affine_map<(d0, d1) -> (0, 0, 0)>
#map1 = affine_map<(d0, d1) -> (0, 0, 0, 0)>
module attributes {stable_mosaic.version = 14 : i64} {
  func.func @k(%arg0: i32, %arg1: i32, %arg2: memref<32x80x128xi32, #tpu.memory_space<hbm>>, %arg3: memref<32x4x128xi32, #tpu.memory_space<hbm>>, %arg4: memref<2x16x2x10240xf32, #tpu.memory_space<hbm>>, %arg5: memref<80x128xi32, #tpu.memory_space<vmem>>, %arg6: memref<4x128xi32, #tpu.memory_space<vmem>>, %arg7: memref<10240xf32, #tpu.memory_space<vmem>>, %arg8: memref<10240xf32, #tpu.memory_space<vmem>>) attributes {dimension_semantics = [#tpu.dimension_semantics<core_parallel>, #tpu.dimension_semantics<subcore_parallel>], iteration_bounds = array<i64: 2, 16>, scalar_prefetch = 0 : i64, scratch_operands = 4 : i64, tpu.core_type = #tpu.core_type<sc_vector_subcore>, window_params = [{transform_indices = #map}, {transform_indices = #map}, {transform_indices = #map1}]} {
    %mul3A = arith.constant 16 : i32
    %mul3A_0 = arith.muli %arg0, %mul3A : i32
    %add3A = arith.addi %mul3A_0, %arg1 : i32
    "tpu.region"() ({
      %run_scoped3A_19 = tpu.sem_alloc : memref<!tpu.dma_semaphore, #tpu.memory_space<semaphore_mem>>
      %dma_start3A = arith.constant 0 : i32
      %dma_start3A_20 = arith.constant 0 : i32
      %dma_start3A_21 = tpu.memref_slice %arg2[%add3A, %dma_start3A, %dma_start3A_20] : memref<32x80x128xi32, #tpu.memory_space<hbm>> -> memref<1x80x128xi32, #tpu.memory_space<hbm>>
      %dma_start3A_22 = tpu.memref_squeeze %dma_start3A_21 : memref<1x80x128xi32, #tpu.memory_space<hbm>> -> memref<80x128xi32, #tpu.memory_space<hbm>>
      %dma_start3A_23 = arith.constant 0 : i32
      %dma_start3A_24 = arith.constant 0 : i32
      %dma_start3A_25 = tpu.memref_slice %arg2[%add3A, %dma_start3A_23, %dma_start3A_24] : memref<32x80x128xi32, #tpu.memory_space<hbm>> -> memref<1x80x128xi32, #tpu.memory_space<hbm>>
      %dma_start3A_26 = tpu.memref_squeeze %dma_start3A_25 : memref<1x80x128xi32, #tpu.memory_space<hbm>> -> memref<80x128xi32, #tpu.memory_space<hbm>>
      tpu.enqueue_dma source(%dma_start3A_26 : memref<80x128xi32, #tpu.memory_space<hbm>>) target(%arg5 : memref<80x128xi32, #tpu.memory_space<vmem>>) target_semaphore(%run_scoped3A_19 : memref<!tpu.dma_semaphore, #tpu.memory_space<semaphore_mem>>)
      %dma_wait3A = arith.constant 0 : i32
      %dma_wait3A_27 = arith.constant 0 : i32
      %dma_wait3A_28 = tpu.memref_slice %arg2[%add3A, %dma_wait3A, %dma_wait3A_27] : memref<32x80x128xi32, #tpu.memory_space<hbm>> -> memref<1x80x128xi32, #tpu.memory_space<hbm>>
      %dma_wait3A_29 = tpu.memref_squeeze %dma_wait3A_28 : memref<1x80x128xi32, #tpu.memory_space<hbm>> -> memref<80x128xi32, #tpu.memory_space<hbm>>
      %dma_wait3A_30 = arith.constant 0 : i32
      %dma_wait3A_31 = arith.constant 0 : i32
      %dma_wait3A_32 = tpu.memref_slice %arg2[%add3A, %dma_wait3A_30, %dma_wait3A_31] : memref<32x80x128xi32, #tpu.memory_space<hbm>> -> memref<1x80x128xi32, #tpu.memory_space<hbm>>
      %dma_wait3A_33 = tpu.memref_squeeze %dma_wait3A_32 : memref<1x80x128xi32, #tpu.memory_space<hbm>> -> memref<80x128xi32, #tpu.memory_space<hbm>>
      tpu.wait_dma2 semaphore(%run_scoped3A_19 : memref<!tpu.dma_semaphore, #tpu.memory_space<semaphore_mem>>) src(%dma_wait3A_33 : memref<80x128xi32, #tpu.memory_space<hbm>>) dst(%arg5 : memref<80x128xi32, #tpu.memory_space<vmem>>)
      tpu.yield
    }) : () -> ()
    "tpu.region"() ({
      %run_scoped3A_19 = tpu.sem_alloc : memref<!tpu.dma_semaphore, #tpu.memory_space<semaphore_mem>>
      %dma_start3A = arith.constant 0 : i32
      %dma_start3A_20 = arith.constant 0 : i32
      %dma_start3A_21 = tpu.memref_slice %arg3[%add3A, %dma_start3A, %dma_start3A_20] : memref<32x4x128xi32, #tpu.memory_space<hbm>> -> memref<1x4x128xi32, #tpu.memory_space<hbm>>
      %dma_start3A_22 = tpu.memref_squeeze %dma_start3A_21 : memref<1x4x128xi32, #tpu.memory_space<hbm>> -> memref<4x128xi32, #tpu.memory_space<hbm>>
      %dma_start3A_23 = arith.constant 0 : i32
      %dma_start3A_24 = arith.constant 0 : i32
      %dma_start3A_25 = tpu.memref_slice %arg3[%add3A, %dma_start3A_23, %dma_start3A_24] : memref<32x4x128xi32, #tpu.memory_space<hbm>> -> memref<1x4x128xi32, #tpu.memory_space<hbm>>
      %dma_start3A_26 = tpu.memref_squeeze %dma_start3A_25 : memref<1x4x128xi32, #tpu.memory_space<hbm>> -> memref<4x128xi32, #tpu.memory_space<hbm>>
      tpu.enqueue_dma source(%dma_start3A_26 : memref<4x128xi32, #tpu.memory_space<hbm>>) target(%arg6 : memref<4x128xi32, #tpu.memory_space<vmem>>) target_semaphore(%run_scoped3A_19 : memref<!tpu.dma_semaphore, #tpu.memory_space<semaphore_mem>>)
      %dma_wait3A = arith.constant 0 : i32
      %dma_wait3A_27 = arith.constant 0 : i32
      %dma_wait3A_28 = tpu.memref_slice %arg3[%add3A, %dma_wait3A, %dma_wait3A_27] : memref<32x4x128xi32, #tpu.memory_space<hbm>> -> memref<1x4x128xi32, #tpu.memory_space<hbm>>
      %dma_wait3A_29 = tpu.memref_squeeze %dma_wait3A_28 : memref<1x4x128xi32, #tpu.memory_space<hbm>> -> memref<4x128xi32, #tpu.memory_space<hbm>>
      %dma_wait3A_30 = arith.constant 0 : i32
      %dma_wait3A_31 = arith.constant 0 : i32
      %dma_wait3A_32 = tpu.memref_slice %arg3[%add3A, %dma_wait3A_30, %dma_wait3A_31] : memref<32x4x128xi32, #tpu.memory_space<hbm>> -> memref<1x4x128xi32, #tpu.memory_space<hbm>>
      %dma_wait3A_33 = tpu.memref_squeeze %dma_wait3A_32 : memref<1x4x128xi32, #tpu.memory_space<hbm>> -> memref<4x128xi32, #tpu.memory_space<hbm>>
      tpu.wait_dma2 semaphore(%run_scoped3A_19 : memref<!tpu.dma_semaphore, #tpu.memory_space<semaphore_mem>>) src(%dma_wait3A_33 : memref<4x128xi32, #tpu.memory_space<hbm>>) dst(%arg6 : memref<4x128xi32, #tpu.memory_space<vmem>>)
      tpu.yield
    }) : () -> ()
    %broadcast_in_dim3A = arith.constant 0.000000e+00 : f32
    %broadcast_in_dim3A_1 = vector.broadcast %broadcast_in_dim3A : f32 to vector<16xf32>
    %scan3A = arith.constant 0 : i32
    %scan3A_2 = arith.constant 640 : i32
    %scan3A_3 = arith.addi %scan3A, %scan3A_2 : i32
    %scan3A_4 = arith.constant 1 : i32
    scf.for %scan3A_19 = %scan3A to %scan3A_3 step %scan3A_4  : i32 {
      %mul3A_20 = arith.constant 1 : i32
      %mul3A_21 = arith.muli %scan3A_19, %mul3A_20 : i32
      %add3A_22 = arith.constant 0 : i32
      %add3A_23 = arith.addi %add3A_22, %mul3A_21 : i32
      %mul3A_24 = arith.constant 16 : i32
      %mul3A_25 = arith.muli %add3A_23, %mul3A_24 : i32
      %swap3A = arith.index_cast %mul3A_25 : i32 to index
      %swap3A_26 = tpu.vector_load %arg7[%swap3A] {strides = array<i32>} : memref<10240xf32, #tpu.memory_space<vmem>>, vector<16xf32>,
      tpu.vector_store %arg7[%swap3A], %broadcast_in_dim3A_1 {strides = array<i32>} : memref<10240xf32, #tpu.memory_space<vmem>>, vector<16xf32>,
      %mul3A_27 = arith.constant 16 : i32
      %mul3A_28 = arith.muli %add3A_23, %mul3A_27 : i32
      %swap3A_29 = arith.index_cast %mul3A_28 : i32 to index
      %swap3A_30 = tpu.vector_load %arg8[%swap3A_29] {strides = array<i32>} : memref<10240xf32, #tpu.memory_space<vmem>>, vector<16xf32>,
      tpu.vector_store %arg8[%swap3A_29], %broadcast_in_dim3A_1 {strides = array<i32>} : memref<10240xf32, #tpu.memory_space<vmem>>, vector<16xf32>,
    }
    %scan3A_5 = arith.constant 640 : i32
    %broadcast_in_dim3A_6 = arith.constant 1.000000e+00 : f32
    %broadcast_in_dim3A_7 = vector.broadcast %broadcast_in_dim3A_6 : f32 to vector<16xf32>
    %scan3A_8 = arith.constant 0 : i32
    %scan3A_9 = arith.constant 80 : i32
    %scan3A_10 = arith.addi %scan3A_8, %scan3A_9 : i32
    %scan3A_11 = arith.constant 1 : i32
    scf.for %scan3A_19 = %scan3A_8 to %scan3A_10 step %scan3A_11  : i32 {
      %mul3A_20 = arith.constant 1 : i32
      %mul3A_21 = arith.muli %scan3A_19, %mul3A_20 : i32
      %add3A_22 = arith.constant 0 : i32
      %add3A_23 = arith.addi %add3A_22, %mul3A_21 : i32
      %scan3A_24 = arith.constant 0 : i32
      %scan3A_25 = arith.constant 8 : i32
      %scan3A_26 = arith.addi %scan3A_24, %scan3A_25 : i32
      %scan3A_27 = arith.constant 1 : i32
      scf.for %scan3A_29 = %scan3A_24 to %scan3A_26 step %scan3A_27  : i32 {
        %mul3A_30 = arith.constant 1 : i32
        %mul3A_31 = arith.muli %scan3A_29, %mul3A_30 : i32
        %add3A_32 = arith.constant 0 : i32
        %add3A_33 = arith.addi %add3A_32, %mul3A_31 : i32
        %mul3A_34 = arith.constant 16 : i32
        %mul3A_35 = arith.muli %add3A_33, %mul3A_34 : i32
        %get3A = arith.index_cast %add3A_23 : i32 to index
        %get3A_36 = arith.index_cast %mul3A_35 : i32 to index
        %get3A_37 = tpu.vector_load %arg5[%get3A, %get3A_36] {strides = array<i32>} : memref<80x128xi32, #tpu.memory_space<vmem>>, vector<16xi32>,
        tpu.vector_store_idx %arg7[%get3A_37], %broadcast_in_dim3A_7 {add = true} : memref<10240xf32, #tpu.memory_space<vmem>>[vector<16xi32>], vector<16xf32>,
      }
      %scan3A_28 = arith.constant 8 : i32
    }
    %scan3A_12 = arith.constant 80 : i32
    %scan3A_13 = arith.constant 0 : i32
    %scan3A_14 = arith.constant 4 : i32
    %scan3A_15 = arith.addi %scan3A_13, %scan3A_14 : i32
    %scan3A_16 = arith.constant 1 : i32
    scf.for %scan3A_19 = %scan3A_13 to %scan3A_15 step %scan3A_16  : i32 {
      %mul3A_20 = arith.constant 1 : i32
      %mul3A_21 = arith.muli %scan3A_19, %mul3A_20 : i32
      %add3A_22 = arith.constant 0 : i32
      %add3A_23 = arith.addi %add3A_22, %mul3A_21 : i32
      %scan3A_24 = arith.constant 0 : i32
      %scan3A_25 = arith.constant 8 : i32
      %scan3A_26 = arith.addi %scan3A_24, %scan3A_25 : i32
      %scan3A_27 = arith.constant 1 : i32
      scf.for %scan3A_29 = %scan3A_24 to %scan3A_26 step %scan3A_27  : i32 {
        %mul3A_30 = arith.constant 1 : i32
        %mul3A_31 = arith.muli %scan3A_29, %mul3A_30 : i32
        %add3A_32 = arith.constant 0 : i32
        %add3A_33 = arith.addi %add3A_32, %mul3A_31 : i32
        %mul3A_34 = arith.constant 16 : i32
        %mul3A_35 = arith.muli %add3A_33, %mul3A_34 : i32
        %get3A = arith.index_cast %add3A_23 : i32 to index
        %get3A_36 = arith.index_cast %mul3A_35 : i32 to index
        %get3A_37 = tpu.vector_load %arg6[%get3A, %get3A_36] {strides = array<i32>} : memref<4x128xi32, #tpu.memory_space<vmem>>, vector<16xi32>,
        tpu.vector_store_idx %arg8[%get3A_37], %broadcast_in_dim3A_7 {add = true} : memref<10240xf32, #tpu.memory_space<vmem>>[vector<16xi32>], vector<16xf32>,
      }
      %scan3A_28 = arith.constant 8 : i32
    }
    %scan3A_17 = arith.constant 4 : i32
    %run_scoped3A = arith.constant 0 : i32
    "tpu.region"() ({
      %run_scoped3A_19 = tpu.sem_alloc : memref<!tpu.dma_semaphore, #tpu.memory_space<semaphore_mem>>
      %dma_start3A = arith.constant 0 : i32
      %dma_start3A_20 = tpu.memref_slice %arg4[%arg0, %arg1, %run_scoped3A, %dma_start3A] : memref<2x16x2x10240xf32, #tpu.memory_space<hbm>> -> memref<1x1x1x10240xf32, #tpu.memory_space<hbm>>
      %dma_start3A_21 = tpu.memref_squeeze %dma_start3A_20 : memref<1x1x1x10240xf32, #tpu.memory_space<hbm>> -> memref<10240xf32, #tpu.memory_space<hbm>>
      %dma_start3A_22 = arith.constant 0 : i32
      %dma_start3A_23 = tpu.memref_slice %arg4[%arg0, %arg1, %run_scoped3A, %dma_start3A_22] : memref<2x16x2x10240xf32, #tpu.memory_space<hbm>> -> memref<1x1x1x10240xf32, #tpu.memory_space<hbm>>
      %dma_start3A_24 = tpu.memref_squeeze %dma_start3A_23 : memref<1x1x1x10240xf32, #tpu.memory_space<hbm>> -> memref<10240xf32, #tpu.memory_space<hbm>>
      tpu.enqueue_dma source(%arg7 : memref<10240xf32, #tpu.memory_space<vmem>>) target(%dma_start3A_24 : memref<10240xf32, #tpu.memory_space<hbm>>) target_semaphore(%run_scoped3A_19 : memref<!tpu.dma_semaphore, #tpu.memory_space<semaphore_mem>>)
      %dma_wait3A = arith.constant 0 : i32
      %dma_wait3A_25 = tpu.memref_slice %arg4[%arg0, %arg1, %run_scoped3A, %dma_wait3A] : memref<2x16x2x10240xf32, #tpu.memory_space<hbm>> -> memref<1x1x1x10240xf32, #tpu.memory_space<hbm>>
      %dma_wait3A_26 = tpu.memref_squeeze %dma_wait3A_25 : memref<1x1x1x10240xf32, #tpu.memory_space<hbm>> -> memref<10240xf32, #tpu.memory_space<hbm>>
      %dma_wait3A_27 = arith.constant 0 : i32
      %dma_wait3A_28 = tpu.memref_slice %arg4[%arg0, %arg1, %run_scoped3A, %dma_wait3A_27] : memref<2x16x2x10240xf32, #tpu.memory_space<hbm>> -> memref<1x1x1x10240xf32, #tpu.memory_space<hbm>>
      %dma_wait3A_29 = tpu.memref_squeeze %dma_wait3A_28 : memref<1x1x1x10240xf32, #tpu.memory_space<hbm>> -> memref<10240xf32, #tpu.memory_space<hbm>>
      tpu.wait_dma2 semaphore(%run_scoped3A_19 : memref<!tpu.dma_semaphore, #tpu.memory_space<semaphore_mem>>) src(%arg7 : memref<10240xf32, #tpu.memory_space<vmem>>) dst(%dma_wait3A_29 : memref<10240xf32, #tpu.memory_space<hbm>>)
      tpu.yield
    }) : () -> ()
    %run_scoped3A_18 = arith.constant 1 : i32
    "tpu.region"() ({
      %run_scoped3A_19 = tpu.sem_alloc : memref<!tpu.dma_semaphore, #tpu.memory_space<semaphore_mem>>
      %dma_start3A = arith.constant 0 : i32
      %dma_start3A_20 = tpu.memref_slice %arg4[%arg0, %arg1, %run_scoped3A_18, %dma_start3A] : memref<2x16x2x10240xf32, #tpu.memory_space<hbm>> -> memref<1x1x1x10240xf32, #tpu.memory_space<hbm>>
      %dma_start3A_21 = tpu.memref_squeeze %dma_start3A_20 : memref<1x1x1x10240xf32, #tpu.memory_space<hbm>> -> memref<10240xf32, #tpu.memory_space<hbm>>
      %dma_start3A_22 = arith.constant 0 : i32
      %dma_start3A_23 = tpu.memref_slice %arg4[%arg0, %arg1, %run_scoped3A_18, %dma_start3A_22] : memref<2x16x2x10240xf32, #tpu.memory_space<hbm>> -> memref<1x1x1x10240xf32, #tpu.memory_space<hbm>>
      %dma_start3A_24 = tpu.memref_squeeze %dma_start3A_23 : memref<1x1x1x10240xf32, #tpu.memory_space<hbm>> -> memref<10240xf32, #tpu.memory_space<hbm>>
      tpu.enqueue_dma source(%arg8 : memref<10240xf32, #tpu.memory_space<vmem>>) target(%dma_start3A_24 : memref<10240xf32, #tpu.memory_space<hbm>>) target_semaphore(%run_scoped3A_19 : memref<!tpu.dma_semaphore, #tpu.memory_space<semaphore_mem>>)
      %dma_wait3A = arith.constant 0 : i32
      %dma_wait3A_25 = tpu.memref_slice %arg4[%arg0, %arg1, %run_scoped3A_18, %dma_wait3A] : memref<2x16x2x10240xf32, #tpu.memory_space<hbm>> -> memref<1x1x1x10240xf32, #tpu.memory_space<hbm>>
      %dma_wait3A_26 = tpu.memref_squeeze %dma_wait3A_25 : memref<1x1x1x10240xf32, #tpu.memory_space<hbm>> -> memref<10240xf32, #tpu.memory_space<hbm>>
      %dma_wait3A_27 = arith.constant 0 : i32
      %dma_wait3A_28 = tpu.memref_slice %arg4[%arg0, %arg1, %run_scoped3A_18, %dma_wait3A_27] : memref<2x16x2x10240xf32, #tpu.memory_space<hbm>> -> memref<1x1x1x10240xf32, #tpu.memory_space<hbm>>
      %dma_wait3A_29 = tpu.memref_squeeze %dma_wait3A_28 : memref<1x1x1x10240xf32, #tpu.memory_space<hbm>> -> memref<10240xf32, #tpu.memory_space<hbm>>
      tpu.wait_dma2 semaphore(%run_scoped3A_19 : memref<!tpu.dma_semaphore, #tpu.memory_space<semaphore_mem>>) src(%arg8 : memref<10240xf32, #tpu.memory_space<vmem>>) dst(%dma_wait3A_29 : memref<10240xf32, #tpu.memory_space<hbm>>)
      tpu.yield
    }) : () -> ()
    return
  }
}

#map = affine_map<(d0, d1) -> (0, 0)>
#map1 = affine_map<(d0, d1) -> (0, 0, 0)>
module attributes {stable_mosaic.version = 14 : i64} {
  func.func @k(%arg0: i32, %arg1: i32, %arg2: memref<10240x128xf32, #tpu.memory_space<hbm>>, %arg3: memref<32x5x64xi32, #tpu.memory_space<hbm>>, %arg4: memref<2x10240x128xf32, #tpu.memory_space<hbm>>, %arg5: memref<5x64xi32, #tpu.memory_space<vmem>>, %arg6: memref<64x128xf32, #tpu.memory_space<vmem>>, %arg7: memref<64x128xf32, #tpu.memory_space<vmem>>, %arg8: memref<!tpu.dma_semaphore, #tpu.memory_space<semaphore_mem>>, %arg9: memref<!tpu.dma_semaphore, #tpu.memory_space<semaphore_mem>>, %arg10: memref<10240x128xf32, #tpu.memory_space<vmem_shared>>) attributes {dimension_semantics = [#tpu.dimension_semantics<core_parallel>, #tpu.dimension_semantics<subcore_parallel>], iteration_bounds = array<i64: 2, 16>, scalar_prefetch = 0 : i64, scratch_operands = 6 : i64, tpu.core_type = #tpu.core_type<sc_vector_subcore>, window_params = [{transform_indices = #map}, {transform_indices = #map1}, {transform_indices = #map1}]} {
    %mul3A = arith.constant 16 : i32
    %mul3A_0 = arith.muli %arg0, %mul3A : i32
    %add3A = arith.addi %mul3A_0, %arg1 : i32
    %mul3A_1 = arith.constant 320 : i32
    %mul3A_2 = arith.muli %add3A, %mul3A_1 : i32
    %scan3A = arith.constant 0 : i32
    %scan3A_3 = arith.constant 64 : i32
    %scan3A_4 = arith.addi %scan3A, %scan3A_3 : i32
    %scan3A_5 = arith.constant 1 : i32
    scf.for %scan3A_32 = %scan3A to %scan3A_4 step %scan3A_5  : i32 {
      %mul3A_33 = arith.constant 1 : i32
      %mul3A_34 = arith.muli %scan3A_32, %mul3A_33 : i32
      %add3A_35 = arith.constant 0 : i32
      %add3A_36 = arith.addi %add3A_35, %mul3A_34 : i32
      %scan3A_37 = arith.constant 0 : i32
      %scan3A_38 = arith.constant 8 : i32
      %scan3A_39 = arith.addi %scan3A_37, %scan3A_38 : i32
      %scan3A_40 = arith.constant 1 : i32
      scf.for %scan3A_42 = %scan3A_37 to %scan3A_39 step %scan3A_40  : i32 {
        %mul3A_43 = arith.constant 1 : i32
        %mul3A_44 = arith.muli %scan3A_42, %mul3A_43 : i32
        %add3A_45 = arith.constant 0 : i32
        %add3A_46 = arith.addi %add3A_45, %mul3A_44 : i32
        %broadcast_in_dim3A = arith.constant 0.000000e+00 : f32
        %broadcast_in_dim3A_47 = vector.broadcast %broadcast_in_dim3A : f32 to vector<16xf32>
        %mul3A_48 = arith.constant 16 : i32
        %mul3A_49 = arith.muli %add3A_46, %mul3A_48 : i32
        %swap3A = arith.index_cast %add3A_36 : i32 to index
        %swap3A_50 = arith.index_cast %mul3A_49 : i32 to index
        %swap3A_51 = tpu.vector_load %arg6[%swap3A, %swap3A_50] {strides = array<i32>} : memref<64x128xf32, #tpu.memory_space<vmem>>, vector<1x16xf32>,
        %swap3A_52 = vector.shape_cast %swap3A_51 : vector<1x16xf32> to vector<16xf32>
        %swap3A_53 = vector.shape_cast %broadcast_in_dim3A_47 : vector<16xf32> to vector<1x16xf32>
        tpu.vector_store %arg6[%swap3A, %swap3A_50], %swap3A_53 {strides = array<i32>} : memref<64x128xf32, #tpu.memory_space<vmem>>, vector<1x16xf32>,
      }
      %scan3A_41 = arith.constant 8 : i32
    }
    %scan3A_6 = arith.constant 64 : i32
    %scan3A_7 = arith.constant 0 : i32
    %scan3A_8 = arith.constant 10 : i32
    %scan3A_9 = arith.addi %scan3A_7, %scan3A_8 : i32
    %scan3A_10 = arith.constant 1 : i32
    scf.for %scan3A_32 = %scan3A_7 to %scan3A_9 step %scan3A_10  : i32 {
      %mul3A_33 = arith.constant 1 : i32
      %mul3A_34 = arith.muli %scan3A_32, %mul3A_33 : i32
      %add3A_35 = arith.constant 0 : i32
      %add3A_36 = arith.addi %add3A_35, %mul3A_34 : i32
      %mul3A_37 = arith.constant 640 : i32
      %mul3A_38 = arith.muli %arg1, %mul3A_37 : i32
      %mul3A_39 = arith.constant 64 : i32
      %mul3A_40 = arith.muli %add3A_36, %mul3A_39 : i32
      %add3A_41 = arith.addi %mul3A_38, %mul3A_40 : i32
      "tpu.region"() ({
        %run_scoped3A_42 = tpu.sem_alloc : memref<!tpu.dma_semaphore, #tpu.memory_space<semaphore_mem>>
        %dma_start3A_43 = arith.constant 0 : i32
        %dma_start3A_44 = tpu.memref_slice %arg10[%add3A_41, %dma_start3A_43] : memref<10240x128xf32, #tpu.memory_space<vmem_shared>> -> memref<64x128xf32, #tpu.memory_space<vmem_shared>>
        %dma_start3A_45 = arith.constant 0 : i32
        %dma_start3A_46 = tpu.memref_slice %arg10[%add3A_41, %dma_start3A_45] : memref<10240x128xf32, #tpu.memory_space<vmem_shared>> -> memref<64x128xf32, #tpu.memory_space<vmem_shared>>
        tpu.enqueue_dma source(%arg6 : memref<64x128xf32, #tpu.memory_space<vmem>>) target(%dma_start3A_46 : memref<64x128xf32, #tpu.memory_space<vmem_shared>>) target_semaphore(%run_scoped3A_42 : memref<!tpu.dma_semaphore, #tpu.memory_space<semaphore_mem>>)
        %dma_wait3A_47 = arith.constant 0 : i32
        %dma_wait3A_48 = tpu.memref_slice %arg10[%add3A_41, %dma_wait3A_47] : memref<10240x128xf32, #tpu.memory_space<vmem_shared>> -> memref<64x128xf32, #tpu.memory_space<vmem_shared>>
        %dma_wait3A_49 = arith.constant 0 : i32
        %dma_wait3A_50 = tpu.memref_slice %arg10[%add3A_41, %dma_wait3A_49] : memref<10240x128xf32, #tpu.memory_space<vmem_shared>> -> memref<64x128xf32, #tpu.memory_space<vmem_shared>>
        tpu.wait_dma2 semaphore(%run_scoped3A_42 : memref<!tpu.dma_semaphore, #tpu.memory_space<semaphore_mem>>) src(%arg6 : memref<64x128xf32, #tpu.memory_space<vmem>>) dst(%dma_wait3A_50 : memref<64x128xf32, #tpu.memory_space<vmem_shared>>)
        tpu.yield
      }) : () -> ()
    }
    %scan3A_11 = arith.constant 10 : i32
    "tpu.region"() ({
      %run_scoped3A_32 = tpu.sem_alloc : memref<!tpu.dma_semaphore, #tpu.memory_space<semaphore_mem>>
      %dma_start3A_33 = arith.constant 0 : i32
      %dma_start3A_34 = arith.constant 0 : i32
      %dma_start3A_35 = tpu.memref_slice %arg3[%add3A, %dma_start3A_33, %dma_start3A_34] : memref<32x5x64xi32, #tpu.memory_space<hbm>> -> memref<1x5x64xi32, #tpu.memory_space<hbm>>
      %dma_start3A_36 = tpu.memref_squeeze %dma_start3A_35 : memref<1x5x64xi32, #tpu.memory_space<hbm>> -> memref<5x64xi32, #tpu.memory_space<hbm>>
      %dma_start3A_37 = arith.constant 0 : i32
      %dma_start3A_38 = arith.constant 0 : i32
      %dma_start3A_39 = tpu.memref_slice %arg3[%add3A, %dma_start3A_37, %dma_start3A_38] : memref<32x5x64xi32, #tpu.memory_space<hbm>> -> memref<1x5x64xi32, #tpu.memory_space<hbm>>
      %dma_start3A_40 = tpu.memref_squeeze %dma_start3A_39 : memref<1x5x64xi32, #tpu.memory_space<hbm>> -> memref<5x64xi32, #tpu.memory_space<hbm>>
      tpu.enqueue_dma source(%dma_start3A_40 : memref<5x64xi32, #tpu.memory_space<hbm>>) target(%arg5 : memref<5x64xi32, #tpu.memory_space<vmem>>) target_semaphore(%run_scoped3A_32 : memref<!tpu.dma_semaphore, #tpu.memory_space<semaphore_mem>>)
      %dma_wait3A_41 = arith.constant 0 : i32
      %dma_wait3A_42 = arith.constant 0 : i32
      %dma_wait3A_43 = tpu.memref_slice %arg3[%add3A, %dma_wait3A_41, %dma_wait3A_42] : memref<32x5x64xi32, #tpu.memory_space<hbm>> -> memref<1x5x64xi32, #tpu.memory_space<hbm>>
      %dma_wait3A_44 = tpu.memref_squeeze %dma_wait3A_43 : memref<1x5x64xi32, #tpu.memory_space<hbm>> -> memref<5x64xi32, #tpu.memory_space<hbm>>
      %dma_wait3A_45 = arith.constant 0 : i32
      %dma_wait3A_46 = arith.constant 0 : i32
      %dma_wait3A_47 = tpu.memref_slice %arg3[%add3A, %dma_wait3A_45, %dma_wait3A_46] : memref<32x5x64xi32, #tpu.memory_space<hbm>> -> memref<1x5x64xi32, #tpu.memory_space<hbm>>
      %dma_wait3A_48 = tpu.memref_squeeze %dma_wait3A_47 : memref<1x5x64xi32, #tpu.memory_space<hbm>> -> memref<5x64xi32, #tpu.memory_space<hbm>>
      tpu.wait_dma2 semaphore(%run_scoped3A_32 : memref<!tpu.dma_semaphore, #tpu.memory_space<semaphore_mem>>) src(%dma_wait3A_48 : memref<5x64xi32, #tpu.memory_space<hbm>>) dst(%arg5 : memref<5x64xi32, #tpu.memory_space<vmem>>)
      tpu.yield
    }) : () -> ()
    %barrier3A = arith.constant 0 : index
    tpu.barrier barrier_id(%barrier3A)
    %add3A_12 = arith.constant 0 : i32
    %add3A_13 = arith.addi %mul3A_2, %add3A_12 : i32
    %dma_start3A = arith.constant 0 : i32
    %dma_start3A_14 = tpu.memref_slice %arg2[%add3A_13, %dma_start3A] : memref<10240x128xf32, #tpu.memory_space<hbm>> -> memref<64x128xf32, #tpu.memory_space<hbm>>
    %dma_start3A_15 = arith.constant 0 : i32
    %dma_start3A_16 = tpu.memref_slice %arg2[%add3A_13, %dma_start3A_15] : memref<10240x128xf32, #tpu.memory_space<hbm>> -> memref<64x128xf32, #tpu.memory_space<hbm>>
    tpu.enqueue_dma source(%dma_start3A_16 : memref<64x128xf32, #tpu.memory_space<hbm>>) target(%arg6 : memref<64x128xf32, #tpu.memory_space<vmem>>) target_semaphore(%arg8 : memref<!tpu.dma_semaphore, #tpu.memory_space<semaphore_mem>>)
    %scan3A_17 = arith.constant 0 : i32
    %scan3A_18 = arith.constant 2 : i32
    %scan3A_19 = arith.addi %scan3A_17, %scan3A_18 : i32
    %scan3A_20 = arith.constant 1 : i32
    scf.for %scan3A_32 = %scan3A_17 to %scan3A_19 step %scan3A_20  : i32 {
      %mul3A_33 = arith.constant 1 : i32
      %mul3A_34 = arith.muli %scan3A_32, %mul3A_33 : i32
      %add3A_35 = arith.constant 0 : i32
      %add3A_36 = arith.addi %add3A_35, %mul3A_34 : i32
      %mul3A_37 = arith.constant 2 : i32
      %mul3A_38 = arith.muli %mul3A_37, %add3A_36 : i32
      %add3A_39 = arith.constant 1 : i32
      %add3A_40 = arith.addi %mul3A_38, %add3A_39 : i32
      %mul3A_41 = arith.constant 64 : i32
      %mul3A_42 = arith.muli %add3A_40, %mul3A_41 : i32
      %add3A_43 = arith.addi %mul3A_2, %mul3A_42 : i32
      %dma_start3A_44 = arith.constant 0 : i32
      %dma_start3A_45 = tpu.memref_slice %arg2[%add3A_43, %dma_start3A_44] : memref<10240x128xf32, #tpu.memory_space<hbm>> -> memref<64x128xf32, #tpu.memory_space<hbm>>
      %dma_start3A_46 = arith.constant 0 : i32
      %dma_start3A_47 = tpu.memref_slice %arg2[%add3A_43, %dma_start3A_46] : memref<10240x128xf32, #tpu.memory_space<hbm>> -> memref<64x128xf32, #tpu.memory_space<hbm>>
      tpu.enqueue_dma source(%dma_start3A_47 : memref<64x128xf32, #tpu.memory_space<hbm>>) target(%arg7 : memref<64x128xf32, #tpu.memory_space<vmem>>) target_semaphore(%arg9 : memref<!tpu.dma_semaphore, #tpu.memory_space<semaphore_mem>>)
      %mul3A_48 = arith.constant 64 : i32
      %mul3A_49 = arith.muli %mul3A_38, %mul3A_48 : i32
      %add3A_50 = arith.addi %mul3A_2, %mul3A_49 : i32
      %dma_wait3A_51 = arith.constant 0 : i32
      %dma_wait3A_52 = tpu.memref_slice %arg2[%add3A_50, %dma_wait3A_51] : memref<10240x128xf32, #tpu.memory_space<hbm>> -> memref<64x128xf32, #tpu.memory_space<hbm>>
      %dma_wait3A_53 = arith.constant 0 : i32
      %dma_wait3A_54 = tpu.memref_slice %arg2[%add3A_50, %dma_wait3A_53] : memref<10240x128xf32, #tpu.memory_space<hbm>> -> memref<64x128xf32, #tpu.memory_space<hbm>>
      tpu.wait_dma2 semaphore(%arg8 : memref<!tpu.dma_semaphore, #tpu.memory_space<semaphore_mem>>) src(%dma_wait3A_54 : memref<64x128xf32, #tpu.memory_space<hbm>>) dst(%arg6 : memref<64x128xf32, #tpu.memory_space<vmem>>)
      "tpu.region"() ({
        %run_scoped3A_75 = tpu.sem_alloc : memref<!tpu.dma_semaphore, #tpu.memory_space<semaphore_mem>>
        %dma_start3A_76 = arith.constant 0 : i32
        %dma_start3A_77 = tpu.memref_slice %arg5[%mul3A_38, %dma_start3A_76] : memref<5x64xi32, #tpu.memory_space<vmem>> -> memref<1x64xi32, #tpu.memory_space<vmem>>
        %dma_start3A_78 = tpu.memref_squeeze %dma_start3A_77 : memref<1x64xi32, #tpu.memory_space<vmem>> -> memref<64xi32, #tpu.memory_space<vmem>>
        %dma_start3A_79 = arith.constant 0 : i32
        %dma_start3A_80 = arith.constant 0 : i32
        %dma_start3A_81 = tpu.memref_slice %arg10[%dma_start3A_79, %dma_start3A_80] : memref<10240x128xf32, #tpu.memory_space<vmem_shared>> -> memref<10240x128xf32, #tpu.memory_space<vmem_shared>>
        tpu.enqueue_indirect_dma source(%arg6 : memref<64x128xf32, #tpu.memory_space<vmem>>) target(%dma_start3A_81 : memref<10240x128xf32, #tpu.memory_space<vmem_shared>>) offsets(%dma_start3A_78 : memref<64xi32, #tpu.memory_space<vmem>>) semaphore(%run_scoped3A_75 : memref<!tpu.dma_semaphore, #tpu.memory_space<semaphore_mem>>) {add = true}
        %dma_wait3A_82 = arith.constant 0 : i32
        %dma_wait3A_83 = tpu.memref_slice %arg5[%mul3A_38, %dma_wait3A_82] : memref<5x64xi32, #tpu.memory_space<vmem>> -> memref<1x64xi32, #tpu.memory_space<vmem>>
        %dma_wait3A_84 = tpu.memref_squeeze %dma_wait3A_83 : memref<1x64xi32, #tpu.memory_space<vmem>> -> memref<64xi32, #tpu.memory_space<vmem>>
        %dma_wait3A_85 = arith.constant 0 : i32
        %dma_wait3A_86 = arith.constant 0 : i32
        %dma_wait3A_87 = tpu.memref_slice %arg10[%dma_wait3A_85, %dma_wait3A_86] : memref<10240x128xf32, #tpu.memory_space<vmem_shared>> -> memref<10240x128xf32, #tpu.memory_space<vmem_shared>>
        tpu.wait_indirect_dma semaphore(%run_scoped3A_75 : memref<!tpu.dma_semaphore, #tpu.memory_space<semaphore_mem>>) src(%arg6 : memref<64x128xf32, #tpu.memory_space<vmem>>) dst(%dma_wait3A_87 : memref<10240x128xf32, #tpu.memory_space<vmem_shared>>)
        tpu.yield
      }) : () -> ()
      %add3A_55 = arith.constant 2 : i32
      %add3A_56 = arith.addi %mul3A_38, %add3A_55 : i32
      %mul3A_57 = arith.constant 64 : i32
      %mul3A_58 = arith.muli %add3A_56, %mul3A_57 : i32
      %add3A_59 = arith.addi %mul3A_2, %mul3A_58 : i32
      %dma_start3A_60 = arith.constant 0 : i32
      %dma_start3A_61 = tpu.memref_slice %arg2[%add3A_59, %dma_start3A_60] : memref<10240x128xf32, #tpu.memory_space<hbm>> -> memref<64x128xf32, #tpu.memory_space<hbm>>
      %dma_start3A_62 = arith.constant 0 : i32
      %dma_start3A_63 = tpu.memref_slice %arg2[%add3A_59, %dma_start3A_62] : memref<10240x128xf32, #tpu.memory_space<hbm>> -> memref<64x128xf32, #tpu.memory_space<hbm>>
      tpu.enqueue_dma source(%dma_start3A_63 : memref<64x128xf32, #tpu.memory_space<hbm>>) target(%arg6 : memref<64x128xf32, #tpu.memory_space<vmem>>) target_semaphore(%arg8 : memref<!tpu.dma_semaphore, #tpu.memory_space<semaphore_mem>>)
      %add3A_64 = arith.constant 1 : i32
      %add3A_65 = arith.addi %mul3A_38, %add3A_64 : i32
      %mul3A_66 = arith.constant 64 : i32
      %mul3A_67 = arith.muli %add3A_65, %mul3A_66 : i32
      %add3A_68 = arith.addi %mul3A_2, %mul3A_67 : i32
      %dma_wait3A_69 = arith.constant 0 : i32
      %dma_wait3A_70 = tpu.memref_slice %arg2[%add3A_68, %dma_wait3A_69] : memref<10240x128xf32, #tpu.memory_space<hbm>> -> memref<64x128xf32, #tpu.memory_space<hbm>>
      %dma_wait3A_71 = arith.constant 0 : i32
      %dma_wait3A_72 = tpu.memref_slice %arg2[%add3A_68, %dma_wait3A_71] : memref<10240x128xf32, #tpu.memory_space<hbm>> -> memref<64x128xf32, #tpu.memory_space<hbm>>
      tpu.wait_dma2 semaphore(%arg9 : memref<!tpu.dma_semaphore, #tpu.memory_space<semaphore_mem>>) src(%dma_wait3A_72 : memref<64x128xf32, #tpu.memory_space<hbm>>) dst(%arg7 : memref<64x128xf32, #tpu.memory_space<vmem>>)
      %add3A_73 = arith.constant 1 : i32
      %add3A_74 = arith.addi %mul3A_38, %add3A_73 : i32
      "tpu.region"() ({
        %run_scoped3A_75 = tpu.sem_alloc : memref<!tpu.dma_semaphore, #tpu.memory_space<semaphore_mem>>
        %dma_start3A_76 = arith.constant 0 : i32
        %dma_start3A_77 = tpu.memref_slice %arg5[%add3A_74, %dma_start3A_76] : memref<5x64xi32, #tpu.memory_space<vmem>> -> memref<1x64xi32, #tpu.memory_space<vmem>>
        %dma_start3A_78 = tpu.memref_squeeze %dma_start3A_77 : memref<1x64xi32, #tpu.memory_space<vmem>> -> memref<64xi32, #tpu.memory_space<vmem>>
        %dma_start3A_79 = arith.constant 0 : i32
        %dma_start3A_80 = arith.constant 0 : i32
        %dma_start3A_81 = tpu.memref_slice %arg10[%dma_start3A_79, %dma_start3A_80] : memref<10240x128xf32, #tpu.memory_space<vmem_shared>> -> memref<10240x128xf32, #tpu.memory_space<vmem_shared>>
        tpu.enqueue_indirect_dma source(%arg7 : memref<64x128xf32, #tpu.memory_space<vmem>>) target(%dma_start3A_81 : memref<10240x128xf32, #tpu.memory_space<vmem_shared>>) offsets(%dma_start3A_78 : memref<64xi32, #tpu.memory_space<vmem>>) semaphore(%run_scoped3A_75 : memref<!tpu.dma_semaphore, #tpu.memory_space<semaphore_mem>>) {add = true}
        %dma_wait3A_82 = arith.constant 0 : i32
        %dma_wait3A_83 = tpu.memref_slice %arg5[%add3A_74, %dma_wait3A_82] : memref<5x64xi32, #tpu.memory_space<vmem>> -> memref<1x64xi32, #tpu.memory_space<vmem>>
        %dma_wait3A_84 = tpu.memref_squeeze %dma_wait3A_83 : memref<1x64xi32, #tpu.memory_space<vmem>> -> memref<64xi32, #tpu.memory_space<vmem>>
        %dma_wait3A_85 = arith.constant 0 : i32
        %dma_wait3A_86 = arith.constant 0 : i32
        %dma_wait3A_87 = tpu.memref_slice %arg10[%dma_wait3A_85, %dma_wait3A_86] : memref<10240x128xf32, #tpu.memory_space<vmem_shared>> -> memref<10240x128xf32, #tpu.memory_space<vmem_shared>>
        tpu.wait_indirect_dma semaphore(%run_scoped3A_75 : memref<!tpu.dma_semaphore, #tpu.memory_space<semaphore_mem>>) src(%arg7 : memref<64x128xf32, #tpu.memory_space<vmem>>) dst(%dma_wait3A_87 : memref<10240x128xf32, #tpu.memory_space<vmem_shared>>)
        tpu.yield
      }) : () -> ()
    }
    %scan3A_21 = arith.constant 2 : i32
    %add3A_22 = arith.constant 256 : i32
    %add3A_23 = arith.addi %mul3A_2, %add3A_22 : i32
    %dma_wait3A = arith.constant 0 : i32
    %dma_wait3A_24 = tpu.memref_slice %arg2[%add3A_23, %dma_wait3A] : memref<10240x128xf32, #tpu.memory_space<hbm>> -> memref<64x128xf32, #tpu.memory_space<hbm>>
    %dma_wait3A_25 = arith.constant 0 : i32
    %dma_wait3A_26 = tpu.memref_slice %arg2[%add3A_23, %dma_wait3A_25] : memref<10240x128xf32, #tpu.memory_space<hbm>> -> memref<64x128xf32, #tpu.memory_space<hbm>>
    tpu.wait_dma2 semaphore(%arg8 : memref<!tpu.dma_semaphore, #tpu.memory_space<semaphore_mem>>) src(%dma_wait3A_26 : memref<64x128xf32, #tpu.memory_space<hbm>>) dst(%arg6 : memref<64x128xf32, #tpu.memory_space<vmem>>)
    %run_scoped3A = arith.constant 4 : i32
    "tpu.region"() ({
      %run_scoped3A_32 = tpu.sem_alloc : memref<!tpu.dma_semaphore, #tpu.memory_space<semaphore_mem>>
      %dma_start3A_33 = arith.constant 0 : i32
      %dma_start3A_34 = tpu.memref_slice %arg5[%run_scoped3A, %dma_start3A_33] : memref<5x64xi32, #tpu.memory_space<vmem>> -> memref<1x64xi32, #tpu.memory_space<vmem>>
      %dma_start3A_35 = tpu.memref_squeeze %dma_start3A_34 : memref<1x64xi32, #tpu.memory_space<vmem>> -> memref<64xi32, #tpu.memory_space<vmem>>
      %dma_start3A_36 = arith.constant 0 : i32
      %dma_start3A_37 = arith.constant 0 : i32
      %dma_start3A_38 = tpu.memref_slice %arg10[%dma_start3A_36, %dma_start3A_37] : memref<10240x128xf32, #tpu.memory_space<vmem_shared>> -> memref<10240x128xf32, #tpu.memory_space<vmem_shared>>
      tpu.enqueue_indirect_dma source(%arg6 : memref<64x128xf32, #tpu.memory_space<vmem>>) target(%dma_start3A_38 : memref<10240x128xf32, #tpu.memory_space<vmem_shared>>) offsets(%dma_start3A_35 : memref<64xi32, #tpu.memory_space<vmem>>) semaphore(%run_scoped3A_32 : memref<!tpu.dma_semaphore, #tpu.memory_space<semaphore_mem>>) {add = true}
      %dma_wait3A_39 = arith.constant 0 : i32
      %dma_wait3A_40 = tpu.memref_slice %arg5[%run_scoped3A, %dma_wait3A_39] : memref<5x64xi32, #tpu.memory_space<vmem>> -> memref<1x64xi32, #tpu.memory_space<vmem>>
      %dma_wait3A_41 = tpu.memref_squeeze %dma_wait3A_40 : memref<1x64xi32, #tpu.memory_space<vmem>> -> memref<64xi32, #tpu.memory_space<vmem>>
      %dma_wait3A_42 = arith.constant 0 : i32
      %dma_wait3A_43 = arith.constant 0 : i32
      %dma_wait3A_44 = tpu.memref_slice %arg10[%dma_wait3A_42, %dma_wait3A_43] : memref<10240x128xf32, #tpu.memory_space<vmem_shared>> -> memref<10240x128xf32, #tpu.memory_space<vmem_shared>>
      tpu.wait_indirect_dma semaphore(%run_scoped3A_32 : memref<!tpu.dma_semaphore, #tpu.memory_space<semaphore_mem>>) src(%arg6 : memref<64x128xf32, #tpu.memory_space<vmem>>) dst(%dma_wait3A_44 : memref<10240x128xf32, #tpu.memory_space<vmem_shared>>)
      tpu.yield
    }) : () -> ()
    %barrier3A_27 = arith.constant 0 : index
    tpu.barrier barrier_id(%barrier3A_27)
    %mul3A_28 = arith.constant 640 : i32
    %mul3A_29 = arith.muli %arg1, %mul3A_28 : i32
    %mul3A_30 = arith.constant 640 : i32
    %mul3A_31 = arith.muli %arg1, %mul3A_30 : i32
    "tpu.region"() ({
      %run_scoped3A_32 = tpu.sem_alloc : memref<!tpu.dma_semaphore, #tpu.memory_space<semaphore_mem>>
      %dma_start3A_33 = arith.constant 0 : i32
      %dma_start3A_34 = tpu.memref_slice %arg4[%arg0, %mul3A_31, %dma_start3A_33] : memref<2x10240x128xf32, #tpu.memory_space<hbm>> -> memref<1x640x128xf32, #tpu.memory_space<hbm>>
      %dma_start3A_35 = tpu.memref_squeeze %dma_start3A_34 : memref<1x640x128xf32, #tpu.memory_space<hbm>> -> memref<640x128xf32, #tpu.memory_space<hbm>>
      %dma_start3A_36 = arith.constant 0 : i32
      %dma_start3A_37 = tpu.memref_slice %arg10[%mul3A_29, %dma_start3A_36] : memref<10240x128xf32, #tpu.memory_space<vmem_shared>> -> memref<640x128xf32, #tpu.memory_space<vmem_shared>>
      tpu.enqueue_dma source(%dma_start3A_37 : memref<640x128xf32, #tpu.memory_space<vmem_shared>>) target(%dma_start3A_35 : memref<640x128xf32, #tpu.memory_space<hbm>>) target_semaphore(%run_scoped3A_32 : memref<!tpu.dma_semaphore, #tpu.memory_space<semaphore_mem>>)
      %dma_wait3A_38 = arith.constant 0 : i32
      %dma_wait3A_39 = tpu.memref_slice %arg4[%arg0, %mul3A_31, %dma_wait3A_38] : memref<2x10240x128xf32, #tpu.memory_space<hbm>> -> memref<1x640x128xf32, #tpu.memory_space<hbm>>
      %dma_wait3A_40 = tpu.memref_squeeze %dma_wait3A_39 : memref<1x640x128xf32, #tpu.memory_space<hbm>> -> memref<640x128xf32, #tpu.memory_space<hbm>>
      %dma_wait3A_41 = arith.constant 0 : i32
      %dma_wait3A_42 = tpu.memref_slice %arg10[%mul3A_29, %dma_wait3A_41] : memref<10240x128xf32, #tpu.memory_space<vmem_shared>> -> memref<640x128xf32, #tpu.memory_space<vmem_shared>>
      tpu.wait_dma2 semaphore(%run_scoped3A_32 : memref<!tpu.dma_semaphore, #tpu.memory_space<semaphore_mem>>) src(%dma_wait3A_42 : memref<640x128xf32, #tpu.memory_space<vmem_shared>>) dst(%dma_wait3A_40 : memref<640x128xf32, #tpu.memory_space<hbm>>)
      tpu.yield
    }) : () -> ()
    return
  }
}

#map = affine_map<(d0, d1) -> (0, 0)>
#map1 = affine_map<(d0, d1) -> (0, 0, 0)>
module attributes {stable_mosaic.version = 14 : i64} {
  func.func @k(%arg0: i32, %arg1: i32, %arg2: memref<10000x128xf32, #tpu.memory_space<hbm>>, %arg3: memref<32x80x128xi32, #tpu.memory_space<hbm>>, %arg4: memref<32x80x128xi32, #tpu.memory_space<hbm>>, %arg5: memref<2x10240x128xf32, #tpu.memory_space<hbm>>, %arg6: memref<40x128xi32, #tpu.memory_space<vmem>>, %arg7: memref<40x128xi32, #tpu.memory_space<vmem>>, %arg8: memref<128x128xf32, #tpu.memory_space<vmem>>, %arg9: memref<128x128xf32, #tpu.memory_space<vmem>>, %arg10: memref<!tpu.dma_semaphore, #tpu.memory_space<semaphore_mem>>, %arg11: memref<!tpu.dma_semaphore, #tpu.memory_space<semaphore_mem>>, %arg12: memref<10240x128xf32, #tpu.memory_space<vmem_shared>>) attributes {dimension_semantics = [#tpu.dimension_semantics<core_parallel>, #tpu.dimension_semantics<subcore_parallel>], iteration_bounds = array<i64: 2, 16>, scalar_prefetch = 0 : i64, scratch_operands = 7 : i64, tpu.core_type = #tpu.core_type<sc_vector_subcore>, window_params = [{transform_indices = #map}, {transform_indices = #map1}, {transform_indices = #map1}, {transform_indices = #map1}]} {
    %mul3A = arith.constant 16 : i32
    %mul3A_0 = arith.muli %arg0, %mul3A : i32
    %add3A = arith.addi %mul3A_0, %arg1 : i32
    %scan3A = arith.constant 0 : i32
    %scan3A_1 = arith.constant 128 : i32
    %scan3A_2 = arith.addi %scan3A, %scan3A_1 : i32
    %scan3A_3 = arith.constant 1 : i32
    scf.for %scan3A_82 = %scan3A to %scan3A_2 step %scan3A_3  : i32 {
      %mul3A_83 = arith.constant 1 : i32
      %mul3A_84 = arith.muli %scan3A_82, %mul3A_83 : i32
      %add3A_85 = arith.constant 0 : i32
      %add3A_86 = arith.addi %add3A_85, %mul3A_84 : i32
      %scan3A_87 = arith.constant 0 : i32
      %scan3A_88 = arith.constant 8 : i32
      %scan3A_89 = arith.addi %scan3A_87, %scan3A_88 : i32
      %scan3A_90 = arith.constant 1 : i32
      scf.for %scan3A_92 = %scan3A_87 to %scan3A_89 step %scan3A_90  : i32 {
        %mul3A_93 = arith.constant 1 : i32
        %mul3A_94 = arith.muli %scan3A_92, %mul3A_93 : i32
        %add3A_95 = arith.constant 0 : i32
        %add3A_96 = arith.addi %add3A_95, %mul3A_94 : i32
        %broadcast_in_dim3A = arith.constant 0.000000e+00 : f32
        %broadcast_in_dim3A_97 = vector.broadcast %broadcast_in_dim3A : f32 to vector<16xf32>
        %mul3A_98 = arith.constant 16 : i32
        %mul3A_99 = arith.muli %add3A_96, %mul3A_98 : i32
        %swap3A = arith.index_cast %add3A_86 : i32 to index
        %swap3A_100 = arith.index_cast %mul3A_99 : i32 to index
        %swap3A_101 = tpu.vector_load %arg8[%swap3A, %swap3A_100] {strides = array<i32>} : memref<128x128xf32, #tpu.memory_space<vmem>>, vector<1x16xf32>,
        %swap3A_102 = vector.shape_cast %swap3A_101 : vector<1x16xf32> to vector<16xf32>
        %swap3A_103 = vector.shape_cast %broadcast_in_dim3A_97 : vector<16xf32> to vector<1x16xf32>
        tpu.vector_store %arg8[%swap3A, %swap3A_100], %swap3A_103 {strides = array<i32>} : memref<128x128xf32, #tpu.memory_space<vmem>>, vector<1x16xf32>,
      }
      %scan3A_91 = arith.constant 8 : i32
    }
    %scan3A_4 = arith.constant 128 : i32
    %scan3A_5 = arith.constant 0 : i32
    %scan3A_6 = arith.constant 5 : i32
    %scan3A_7 = arith.addi %scan3A_5, %scan3A_6 : i32
    %scan3A_8 = arith.constant 1 : i32
    scf.for %scan3A_82 = %scan3A_5 to %scan3A_7 step %scan3A_8  : i32 {
      %mul3A_83 = arith.constant 1 : i32
      %mul3A_84 = arith.muli %scan3A_82, %mul3A_83 : i32
      %add3A_85 = arith.constant 0 : i32
      %add3A_86 = arith.addi %add3A_85, %mul3A_84 : i32
      %mul3A_87 = arith.constant 640 : i32
      %mul3A_88 = arith.muli %arg1, %mul3A_87 : i32
      %mul3A_89 = arith.constant 128 : i32
      %mul3A_90 = arith.muli %add3A_86, %mul3A_89 : i32
      %add3A_91 = arith.addi %mul3A_88, %mul3A_90 : i32
      "tpu.region"() ({
        %run_scoped3A_92 = tpu.sem_alloc : memref<!tpu.dma_semaphore, #tpu.memory_space<semaphore_mem>>
        %dma_start3A_93 = arith.constant 0 : i32
        %dma_start3A_94 = tpu.memref_slice %arg12[%add3A_91, %dma_start3A_93] : memref<10240x128xf32, #tpu.memory_space<vmem_shared>> -> memref<128x128xf32, #tpu.memory_space<vmem_shared>>
        %dma_start3A_95 = arith.constant 0 : i32
        %dma_start3A_96 = tpu.memref_slice %arg12[%add3A_91, %dma_start3A_95] : memref<10240x128xf32, #tpu.memory_space<vmem_shared>> -> memref<128x128xf32, #tpu.memory_space<vmem_shared>>
        tpu.enqueue_dma source(%arg8 : memref<128x128xf32, #tpu.memory_space<vmem>>) target(%dma_start3A_96 : memref<128x128xf32, #tpu.memory_space<vmem_shared>>) target_semaphore(%run_scoped3A_92 : memref<!tpu.dma_semaphore, #tpu.memory_space<semaphore_mem>>)
        %dma_wait3A_97 = arith.constant 0 : i32
        %dma_wait3A_98 = tpu.memref_slice %arg12[%add3A_91, %dma_wait3A_97] : memref<10240x128xf32, #tpu.memory_space<vmem_shared>> -> memref<128x128xf32, #tpu.memory_space<vmem_shared>>
        %dma_wait3A_99 = arith.constant 0 : i32
        %dma_wait3A_100 = tpu.memref_slice %arg12[%add3A_91, %dma_wait3A_99] : memref<10240x128xf32, #tpu.memory_space<vmem_shared>> -> memref<128x128xf32, #tpu.memory_space<vmem_shared>>
        tpu.wait_dma2 semaphore(%run_scoped3A_92 : memref<!tpu.dma_semaphore, #tpu.memory_space<semaphore_mem>>) src(%arg8 : memref<128x128xf32, #tpu.memory_space<vmem>>) dst(%dma_wait3A_100 : memref<128x128xf32, #tpu.memory_space<vmem_shared>>)
        tpu.yield
      }) : () -> ()
    }
    %scan3A_9 = arith.constant 5 : i32
    %barrier3A = arith.constant 0 : index
    tpu.barrier barrier_id(%barrier3A)
    "tpu.region"() ({
      %run_scoped3A_82 = tpu.sem_alloc : memref<!tpu.dma_semaphore, #tpu.memory_space<semaphore_mem>>
      %dma_start3A_83 = arith.constant 0 : i32
      %dma_start3A_84 = arith.constant 0 : i32
      %dma_start3A_85 = tpu.memref_slice %arg3[%add3A, %dma_start3A_83, %dma_start3A_84] : memref<32x80x128xi32, #tpu.memory_space<hbm>> -> memref<1x40x128xi32, #tpu.memory_space<hbm>>
      %dma_start3A_86 = tpu.memref_squeeze %dma_start3A_85 : memref<1x40x128xi32, #tpu.memory_space<hbm>> -> memref<40x128xi32, #tpu.memory_space<hbm>>
      %dma_start3A_87 = arith.constant 0 : i32
      %dma_start3A_88 = arith.constant 0 : i32
      %dma_start3A_89 = tpu.memref_slice %arg3[%add3A, %dma_start3A_87, %dma_start3A_88] : memref<32x80x128xi32, #tpu.memory_space<hbm>> -> memref<1x40x128xi32, #tpu.memory_space<hbm>>
      %dma_start3A_90 = tpu.memref_squeeze %dma_start3A_89 : memref<1x40x128xi32, #tpu.memory_space<hbm>> -> memref<40x128xi32, #tpu.memory_space<hbm>>
      tpu.enqueue_dma source(%dma_start3A_90 : memref<40x128xi32, #tpu.memory_space<hbm>>) target(%arg6 : memref<40x128xi32, #tpu.memory_space<vmem>>) target_semaphore(%run_scoped3A_82 : memref<!tpu.dma_semaphore, #tpu.memory_space<semaphore_mem>>)
      %dma_wait3A_91 = arith.constant 0 : i32
      %dma_wait3A_92 = arith.constant 0 : i32
      %dma_wait3A_93 = tpu.memref_slice %arg3[%add3A, %dma_wait3A_91, %dma_wait3A_92] : memref<32x80x128xi32, #tpu.memory_space<hbm>> -> memref<1x40x128xi32, #tpu.memory_space<hbm>>
      %dma_wait3A_94 = tpu.memref_squeeze %dma_wait3A_93 : memref<1x40x128xi32, #tpu.memory_space<hbm>> -> memref<40x128xi32, #tpu.memory_space<hbm>>
      %dma_wait3A_95 = arith.constant 0 : i32
      %dma_wait3A_96 = arith.constant 0 : i32
      %dma_wait3A_97 = tpu.memref_slice %arg3[%add3A, %dma_wait3A_95, %dma_wait3A_96] : memref<32x80x128xi32, #tpu.memory_space<hbm>> -> memref<1x40x128xi32, #tpu.memory_space<hbm>>
      %dma_wait3A_98 = tpu.memref_squeeze %dma_wait3A_97 : memref<1x40x128xi32, #tpu.memory_space<hbm>> -> memref<40x128xi32, #tpu.memory_space<hbm>>
      tpu.wait_dma2 semaphore(%run_scoped3A_82 : memref<!tpu.dma_semaphore, #tpu.memory_space<semaphore_mem>>) src(%dma_wait3A_98 : memref<40x128xi32, #tpu.memory_space<hbm>>) dst(%arg6 : memref<40x128xi32, #tpu.memory_space<vmem>>)
      tpu.yield
    }) : () -> ()
    "tpu.region"() ({
      %run_scoped3A_82 = tpu.sem_alloc : memref<!tpu.dma_semaphore, #tpu.memory_space<semaphore_mem>>
      %dma_start3A_83 = arith.constant 0 : i32
      %dma_start3A_84 = arith.constant 0 : i32
      %dma_start3A_85 = tpu.memref_slice %arg4[%add3A, %dma_start3A_83, %dma_start3A_84] : memref<32x80x128xi32, #tpu.memory_space<hbm>> -> memref<1x40x128xi32, #tpu.memory_space<hbm>>
      %dma_start3A_86 = tpu.memref_squeeze %dma_start3A_85 : memref<1x40x128xi32, #tpu.memory_space<hbm>> -> memref<40x128xi32, #tpu.memory_space<hbm>>
      %dma_start3A_87 = arith.constant 0 : i32
      %dma_start3A_88 = arith.constant 0 : i32
      %dma_start3A_89 = tpu.memref_slice %arg4[%add3A, %dma_start3A_87, %dma_start3A_88] : memref<32x80x128xi32, #tpu.memory_space<hbm>> -> memref<1x40x128xi32, #tpu.memory_space<hbm>>
      %dma_start3A_90 = tpu.memref_squeeze %dma_start3A_89 : memref<1x40x128xi32, #tpu.memory_space<hbm>> -> memref<40x128xi32, #tpu.memory_space<hbm>>
      tpu.enqueue_dma source(%dma_start3A_90 : memref<40x128xi32, #tpu.memory_space<hbm>>) target(%arg7 : memref<40x128xi32, #tpu.memory_space<vmem>>) target_semaphore(%run_scoped3A_82 : memref<!tpu.dma_semaphore, #tpu.memory_space<semaphore_mem>>)
      %dma_wait3A_91 = arith.constant 0 : i32
      %dma_wait3A_92 = arith.constant 0 : i32
      %dma_wait3A_93 = tpu.memref_slice %arg4[%add3A, %dma_wait3A_91, %dma_wait3A_92] : memref<32x80x128xi32, #tpu.memory_space<hbm>> -> memref<1x40x128xi32, #tpu.memory_space<hbm>>
      %dma_wait3A_94 = tpu.memref_squeeze %dma_wait3A_93 : memref<1x40x128xi32, #tpu.memory_space<hbm>> -> memref<40x128xi32, #tpu.memory_space<hbm>>
      %dma_wait3A_95 = arith.constant 0 : i32
      %dma_wait3A_96 = arith.constant 0 : i32
      %dma_wait3A_97 = tpu.memref_slice %arg4[%add3A, %dma_wait3A_95, %dma_wait3A_96] : memref<32x80x128xi32, #tpu.memory_space<hbm>> -> memref<1x40x128xi32, #tpu.memory_space<hbm>>
      %dma_wait3A_98 = tpu.memref_squeeze %dma_wait3A_97 : memref<1x40x128xi32, #tpu.memory_space<hbm>> -> memref<40x128xi32, #tpu.memory_space<hbm>>
      tpu.wait_dma2 semaphore(%run_scoped3A_82 : memref<!tpu.dma_semaphore, #tpu.memory_space<semaphore_mem>>) src(%dma_wait3A_98 : memref<40x128xi32, #tpu.memory_space<hbm>>) dst(%arg7 : memref<40x128xi32, #tpu.memory_space<vmem>>)
      tpu.yield
    }) : () -> ()
    %dma_start3A = arith.constant 0 : i32
    %dma_start3A_10 = arith.constant 0 : i32
    %dma_start3A_11 = tpu.memref_slice %arg6[%dma_start3A, %dma_start3A_10] : memref<40x128xi32, #tpu.memory_space<vmem>> -> memref<1x128xi32, #tpu.memory_space<vmem>>
    %dma_start3A_12 = tpu.memref_squeeze %dma_start3A_11 : memref<1x128xi32, #tpu.memory_space<vmem>> -> memref<128xi32, #tpu.memory_space<vmem>>
    %dma_start3A_13 = arith.constant 0 : i32
    %dma_start3A_14 = arith.constant 0 : i32
    %dma_start3A_15 = tpu.memref_slice %arg2[%dma_start3A_13, %dma_start3A_14] : memref<10000x128xf32, #tpu.memory_space<hbm>> -> memref<10000x128xf32, #tpu.memory_space<hbm>>
    tpu.enqueue_indirect_dma source(%dma_start3A_15 : memref<10000x128xf32, #tpu.memory_space<hbm>>) target(%arg8 : memref<128x128xf32, #tpu.memory_space<vmem>>) offsets(%dma_start3A_12 : memref<128xi32, #tpu.memory_space<vmem>>) semaphore(%arg10 : memref<!tpu.dma_semaphore, #tpu.memory_space<semaphore_mem>>)
    %scan3A_16 = arith.constant 0 : i32
    %scan3A_17 = arith.constant 19 : i32
    %scan3A_18 = arith.addi %scan3A_16, %scan3A_17 : i32
    %scan3A_19 = arith.constant 1 : i32
    scf.for %scan3A_82 = %scan3A_16 to %scan3A_18 step %scan3A_19  : i32 {
      %mul3A_83 = arith.constant 1 : i32
      %mul3A_84 = arith.muli %scan3A_82, %mul3A_83 : i32
      %add3A_85 = arith.constant 0 : i32
      %add3A_86 = arith.addi %add3A_85, %mul3A_84 : i32
      %mul3A_87 = arith.constant 2 : i32
      %mul3A_88 = arith.muli %mul3A_87, %add3A_86 : i32
      %add3A_89 = arith.constant 1 : i32
      %add3A_90 = arith.addi %mul3A_88, %add3A_89 : i32
      %dma_start3A_91 = arith.constant 0 : i32
      %dma_start3A_92 = tpu.memref_slice %arg6[%add3A_90, %dma_start3A_91] : memref<40x128xi32, #tpu.memory_space<vmem>> -> memref<1x128xi32, #tpu.memory_space<vmem>>
      %dma_start3A_93 = tpu.memref_squeeze %dma_start3A_92 : memref<1x128xi32, #tpu.memory_space<vmem>> -> memref<128xi32, #tpu.memory_space<vmem>>
      %dma_start3A_94 = arith.constant 0 : i32
      %dma_start3A_95 = arith.constant 0 : i32
      %dma_start3A_96 = tpu.memref_slice %arg2[%dma_start3A_94, %dma_start3A_95] : memref<10000x128xf32, #tpu.memory_space<hbm>> -> memref<10000x128xf32, #tpu.memory_space<hbm>>
      tpu.enqueue_indirect_dma source(%dma_start3A_96 : memref<10000x128xf32, #tpu.memory_space<hbm>>) target(%arg9 : memref<128x128xf32, #tpu.memory_space<vmem>>) offsets(%dma_start3A_93 : memref<128xi32, #tpu.memory_space<vmem>>) semaphore(%arg11 : memref<!tpu.dma_semaphore, #tpu.memory_space<semaphore_mem>>)
      %dma_wait3A_97 = arith.constant 0 : i32
      %dma_wait3A_98 = tpu.memref_slice %arg6[%mul3A_88, %dma_wait3A_97] : memref<40x128xi32, #tpu.memory_space<vmem>> -> memref<1x128xi32, #tpu.memory_space<vmem>>
      %dma_wait3A_99 = tpu.memref_squeeze %dma_wait3A_98 : memref<1x128xi32, #tpu.memory_space<vmem>> -> memref<128xi32, #tpu.memory_space<vmem>>
      %dma_wait3A_100 = arith.constant 0 : i32
      %dma_wait3A_101 = arith.constant 0 : i32
      %dma_wait3A_102 = tpu.memref_slice %arg2[%dma_wait3A_100, %dma_wait3A_101] : memref<10000x128xf32, #tpu.memory_space<hbm>> -> memref<10000x128xf32, #tpu.memory_space<hbm>>
      tpu.wait_indirect_dma semaphore(%arg10 : memref<!tpu.dma_semaphore, #tpu.memory_space<semaphore_mem>>) src(%dma_wait3A_102 : memref<10000x128xf32, #tpu.memory_space<hbm>>) dst(%arg8 : memref<128x128xf32, #tpu.memory_space<vmem>>)
      "tpu.region"() ({
        %run_scoped3A_121 = tpu.sem_alloc : memref<!tpu.dma_semaphore, #tpu.memory_space<semaphore_mem>>
        %dma_start3A_122 = arith.constant 0 : i32
        %dma_start3A_123 = tpu.memref_slice %arg7[%mul3A_88, %dma_start3A_122] : memref<40x128xi32, #tpu.memory_space<vmem>> -> memref<1x128xi32, #tpu.memory_space<vmem>>
        %dma_start3A_124 = tpu.memref_squeeze %dma_start3A_123 : memref<1x128xi32, #tpu.memory_space<vmem>> -> memref<128xi32, #tpu.memory_space<vmem>>
        %dma_start3A_125 = arith.constant 0 : i32
        %dma_start3A_126 = arith.constant 0 : i32
        %dma_start3A_127 = tpu.memref_slice %arg12[%dma_start3A_125, %dma_start3A_126] : memref<10240x128xf32, #tpu.memory_space<vmem_shared>> -> memref<10240x128xf32, #tpu.memory_space<vmem_shared>>
        tpu.enqueue_indirect_dma source(%arg8 : memref<128x128xf32, #tpu.memory_space<vmem>>) target(%dma_start3A_127 : memref<10240x128xf32, #tpu.memory_space<vmem_shared>>) offsets(%dma_start3A_124 : memref<128xi32, #tpu.memory_space<vmem>>) semaphore(%run_scoped3A_121 : memref<!tpu.dma_semaphore, #tpu.memory_space<semaphore_mem>>) {add = true}
        %dma_wait3A_128 = arith.constant 0 : i32
        %dma_wait3A_129 = tpu.memref_slice %arg7[%mul3A_88, %dma_wait3A_128] : memref<40x128xi32, #tpu.memory_space<vmem>> -> memref<1x128xi32, #tpu.memory_space<vmem>>
        %dma_wait3A_130 = tpu.memref_squeeze %dma_wait3A_129 : memref<1x128xi32, #tpu.memory_space<vmem>> -> memref<128xi32, #tpu.memory_space<vmem>>
        %dma_wait3A_131 = arith.constant 0 : i32
        %dma_wait3A_132 = arith.constant 0 : i32
        %dma_wait3A_133 = tpu.memref_slice %arg12[%dma_wait3A_131, %dma_wait3A_132] : memref<10240x128xf32, #tpu.memory_space<vmem_shared>> -> memref<10240x128xf32, #tpu.memory_space<vmem_shared>>
        tpu.wait_indirect_dma semaphore(%run_scoped3A_121 : memref<!tpu.dma_semaphore, #tpu.memory_space<semaphore_mem>>) src(%arg8 : memref<128x128xf32, #tpu.memory_space<vmem>>) dst(%dma_wait3A_133 : memref<10240x128xf32, #tpu.memory_space<vmem_shared>>)
        tpu.yield
      }) : () -> ()
      %add3A_103 = arith.constant 2 : i32
      %add3A_104 = arith.addi %mul3A_88, %add3A_103 : i32
      %dma_start3A_105 = arith.constant 0 : i32
      %dma_start3A_106 = tpu.memref_slice %arg6[%add3A_104, %dma_start3A_105] : memref<40x128xi32, #tpu.memory_space<vmem>> -> memref<1x128xi32, #tpu.memory_space<vmem>>
      %dma_start3A_107 = tpu.memref_squeeze %dma_start3A_106 : memref<1x128xi32, #tpu.memory_space<vmem>> -> memref<128xi32, #tpu.memory_space<vmem>>
      %dma_start3A_108 = arith.constant 0 : i32
      %dma_start3A_109 = arith.constant 0 : i32
      %dma_start3A_110 = tpu.memref_slice %arg2[%dma_start3A_108, %dma_start3A_109] : memref<10000x128xf32, #tpu.memory_space<hbm>> -> memref<10000x128xf32, #tpu.memory_space<hbm>>
      tpu.enqueue_indirect_dma source(%dma_start3A_110 : memref<10000x128xf32, #tpu.memory_space<hbm>>) target(%arg8 : memref<128x128xf32, #tpu.memory_space<vmem>>) offsets(%dma_start3A_107 : memref<128xi32, #tpu.memory_space<vmem>>) semaphore(%arg10 : memref<!tpu.dma_semaphore, #tpu.memory_space<semaphore_mem>>)
      %add3A_111 = arith.constant 1 : i32
      %add3A_112 = arith.addi %mul3A_88, %add3A_111 : i32
      %dma_wait3A_113 = arith.constant 0 : i32
      %dma_wait3A_114 = tpu.memref_slice %arg6[%add3A_112, %dma_wait3A_113] : memref<40x128xi32, #tpu.memory_space<vmem>> -> memref<1x128xi32, #tpu.memory_space<vmem>>
      %dma_wait3A_115 = tpu.memref_squeeze %dma_wait3A_114 : memref<1x128xi32, #tpu.memory_space<vmem>> -> memref<128xi32, #tpu.memory_space<vmem>>
      %dma_wait3A_116 = arith.constant 0 : i32
      %dma_wait3A_117 = arith.constant 0 : i32
      %dma_wait3A_118 = tpu.memref_slice %arg2[%dma_wait3A_116, %dma_wait3A_117] : memref<10000x128xf32, #tpu.memory_space<hbm>> -> memref<10000x128xf32, #tpu.memory_space<hbm>>
      tpu.wait_indirect_dma semaphore(%arg11 : memref<!tpu.dma_semaphore, #tpu.memory_space<semaphore_mem>>) src(%dma_wait3A_118 : memref<10000x128xf32, #tpu.memory_space<hbm>>) dst(%arg9 : memref<128x128xf32, #tpu.memory_space<vmem>>)
      %add3A_119 = arith.constant 1 : i32
      %add3A_120 = arith.addi %mul3A_88, %add3A_119 : i32
      "tpu.region"() ({
        %run_scoped3A_121 = tpu.sem_alloc : memref<!tpu.dma_semaphore, #tpu.memory_space<semaphore_mem>>
        %dma_start3A_122 = arith.constant 0 : i32
        %dma_start3A_123 = tpu.memref_slice %arg7[%add3A_120, %dma_start3A_122] : memref<40x128xi32, #tpu.memory_space<vmem>> -> memref<1x128xi32, #tpu.memory_space<vmem>>
        %dma_start3A_124 = tpu.memref_squeeze %dma_start3A_123 : memref<1x128xi32, #tpu.memory_space<vmem>> -> memref<128xi32, #tpu.memory_space<vmem>>
        %dma_start3A_125 = arith.constant 0 : i32
        %dma_start3A_126 = arith.constant 0 : i32
        %dma_start3A_127 = tpu.memref_slice %arg12[%dma_start3A_125, %dma_start3A_126] : memref<10240x128xf32, #tpu.memory_space<vmem_shared>> -> memref<10240x128xf32, #tpu.memory_space<vmem_shared>>
        tpu.enqueue_indirect_dma source(%arg9 : memref<128x128xf32, #tpu.memory_space<vmem>>) target(%dma_start3A_127 : memref<10240x128xf32, #tpu.memory_space<vmem_shared>>) offsets(%dma_start3A_124 : memref<128xi32, #tpu.memory_space<vmem>>) semaphore(%run_scoped3A_121 : memref<!tpu.dma_semaphore, #tpu.memory_space<semaphore_mem>>) {add = true}
        %dma_wait3A_128 = arith.constant 0 : i32
        %dma_wait3A_129 = tpu.memref_slice %arg7[%add3A_120, %dma_wait3A_128] : memref<40x128xi32, #tpu.memory_space<vmem>> -> memref<1x128xi32, #tpu.memory_space<vmem>>
        %dma_wait3A_130 = tpu.memref_squeeze %dma_wait3A_129 : memref<1x128xi32, #tpu.memory_space<vmem>> -> memref<128xi32, #tpu.memory_space<vmem>>
        %dma_wait3A_131 = arith.constant 0 : i32
        %dma_wait3A_132 = arith.constant 0 : i32
        %dma_wait3A_133 = tpu.memref_slice %arg12[%dma_wait3A_131, %dma_wait3A_132] : memref<10240x128xf32, #tpu.memory_space<vmem_shared>> -> memref<10240x128xf32, #tpu.memory_space<vmem_shared>>
        tpu.wait_indirect_dma semaphore(%run_scoped3A_121 : memref<!tpu.dma_semaphore, #tpu.memory_space<semaphore_mem>>) src(%arg9 : memref<128x128xf32, #tpu.memory_space<vmem>>) dst(%dma_wait3A_133 : memref<10240x128xf32, #tpu.memory_space<vmem_shared>>)
        tpu.yield
      }) : () -> ()
    }
    %scan3A_20 = arith.constant 19 : i32
    %dma_start3A_21 = arith.constant 39 : i32
    %dma_start3A_22 = arith.constant 0 : i32
    %dma_start3A_23 = tpu.memref_slice %arg6[%dma_start3A_21, %dma_start3A_22] : memref<40x128xi32, #tpu.memory_space<vmem>> -> memref<1x128xi32, #tpu.memory_space<vmem>>
    %dma_start3A_24 = tpu.memref_squeeze %dma_start3A_23 : memref<1x128xi32, #tpu.memory_space<vmem>> -> memref<128xi32, #tpu.memory_space<vmem>>
    %dma_start3A_25 = arith.constant 0 : i32
    %dma_start3A_26 = arith.constant 0 : i32
    %dma_start3A_27 = tpu.memref_slice %arg2[%dma_start3A_25, %dma_start3A_26] : memref<10000x128xf32, #tpu.memory_space<hbm>> -> memref<10000x128xf32, #tpu.memory_space<hbm>>
    tpu.enqueue_indirect_dma source(%dma_start3A_27 : memref<10000x128xf32, #tpu.memory_space<hbm>>) target(%arg9 : memref<128x128xf32, #tpu.memory_space<vmem>>) offsets(%dma_start3A_24 : memref<128xi32, #tpu.memory_space<vmem>>) semaphore(%arg11 : memref<!tpu.dma_semaphore, #tpu.memory_space<semaphore_mem>>)
    %dma_wait3A = arith.constant 38 : i32
    %dma_wait3A_28 = arith.constant 0 : i32
    %dma_wait3A_29 = tpu.memref_slice %arg6[%dma_wait3A, %dma_wait3A_28] : memref<40x128xi32, #tpu.memory_space<vmem>> -> memref<1x128xi32, #tpu.memory_space<vmem>>
    %dma_wait3A_30 = tpu.memref_squeeze %dma_wait3A_29 : memref<1x128xi32, #tpu.memory_space<vmem>> -> memref<128xi32, #tpu.memory_space<vmem>>
    %dma_wait3A_31 = arith.constant 0 : i32
    %dma_wait3A_32 = arith.constant 0 : i32
    %dma_wait3A_33 = tpu.memref_slice %arg2[%dma_wait3A_31, %dma_wait3A_32] : memref<10000x128xf32, #tpu.memory_space<hbm>> -> memref<10000x128xf32, #tpu.memory_space<hbm>>
    tpu.wait_indirect_dma semaphore(%arg10 : memref<!tpu.dma_semaphore, #tpu.memory_space<semaphore_mem>>) src(%dma_wait3A_33 : memref<10000x128xf32, #tpu.memory_space<hbm>>) dst(%arg8 : memref<128x128xf32, #tpu.memory_space<vmem>>)
    %run_scoped3A = arith.constant 38 : i32
    "tpu.region"() ({
      %run_scoped3A_82 = tpu.sem_alloc : memref<!tpu.dma_semaphore, #tpu.memory_space<semaphore_mem>>
      %dma_start3A_83 = arith.constant 0 : i32
      %dma_start3A_84 = tpu.memref_slice %arg7[%run_scoped3A, %dma_start3A_83] : memref<40x128xi32, #tpu.memory_space<vmem>> -> memref<1x128xi32, #tpu.memory_space<vmem>>
      %dma_start3A_85 = tpu.memref_squeeze %dma_start3A_84 : memref<1x128xi32, #tpu.memory_space<vmem>> -> memref<128xi32, #tpu.memory_space<vmem>>
      %dma_start3A_86 = arith.constant 0 : i32
      %dma_start3A_87 = arith.constant 0 : i32
      %dma_start3A_88 = tpu.memref_slice %arg12[%dma_start3A_86, %dma_start3A_87] : memref<10240x128xf32, #tpu.memory_space<vmem_shared>> -> memref<10240x128xf32, #tpu.memory_space<vmem_shared>>
      tpu.enqueue_indirect_dma source(%arg8 : memref<128x128xf32, #tpu.memory_space<vmem>>) target(%dma_start3A_88 : memref<10240x128xf32, #tpu.memory_space<vmem_shared>>) offsets(%dma_start3A_85 : memref<128xi32, #tpu.memory_space<vmem>>) semaphore(%run_scoped3A_82 : memref<!tpu.dma_semaphore, #tpu.memory_space<semaphore_mem>>) {add = true}
      %dma_wait3A_89 = arith.constant 0 : i32
      %dma_wait3A_90 = tpu.memref_slice %arg7[%run_scoped3A, %dma_wait3A_89] : memref<40x128xi32, #tpu.memory_space<vmem>> -> memref<1x128xi32, #tpu.memory_space<vmem>>
      %dma_wait3A_91 = tpu.memref_squeeze %dma_wait3A_90 : memref<1x128xi32, #tpu.memory_space<vmem>> -> memref<128xi32, #tpu.memory_space<vmem>>
      %dma_wait3A_92 = arith.constant 0 : i32
      %dma_wait3A_93 = arith.constant 0 : i32
      %dma_wait3A_94 = tpu.memref_slice %arg12[%dma_wait3A_92, %dma_wait3A_93] : memref<10240x128xf32, #tpu.memory_space<vmem_shared>> -> memref<10240x128xf32, #tpu.memory_space<vmem_shared>>
      tpu.wait_indirect_dma semaphore(%run_scoped3A_82 : memref<!tpu.dma_semaphore, #tpu.memory_space<semaphore_mem>>) src(%arg8 : memref<128x128xf32, #tpu.memory_space<vmem>>) dst(%dma_wait3A_94 : memref<10240x128xf32, #tpu.memory_space<vmem_shared>>)
      tpu.yield
    }) : () -> ()
    %dma_wait3A_34 = arith.constant 39 : i32
    %dma_wait3A_35 = arith.constant 0 : i32
    %dma_wait3A_36 = tpu.memref_slice %arg6[%dma_wait3A_34, %dma_wait3A_35] : memref<40x128xi32, #tpu.memory_space<vmem>> -> memref<1x128xi32, #tpu.memory_space<vmem>>
    %dma_wait3A_37 = tpu.memref_squeeze %dma_wait3A_36 : memref<1x128xi32, #tpu.memory_space<vmem>> -> memref<128xi32, #tpu.memory_space<vmem>>
    %dma_wait3A_38 = arith.constant 0 : i32
    %dma_wait3A_39 = arith.constant 0 : i32
    %dma_wait3A_40 = tpu.memref_slice %arg2[%dma_wait3A_38, %dma_wait3A_39] : memref<10000x128xf32, #tpu.memory_space<hbm>> -> memref<10000x128xf32, #tpu.memory_space<hbm>>
    tpu.wait_indirect_dma semaphore(%arg11 : memref<!tpu.dma_semaphore, #tpu.memory_space<semaphore_mem>>) src(%dma_wait3A_40 : memref<10000x128xf32, #tpu.memory_space<hbm>>) dst(%arg9 : memref<128x128xf32, #tpu.memory_space<vmem>>)
    %run_scoped3A_41 = arith.constant 39 : i32
    "tpu.region"() ({
      %run_scoped3A_82 = tpu.sem_alloc : memref<!tpu.dma_semaphore, #tpu.memory_space<semaphore_mem>>
      %dma_start3A_83 = arith.constant 0 : i32
      %dma_start3A_84 = tpu.memref_slice %arg7[%run_scoped3A_41, %dma_start3A_83] : memref<40x128xi32, #tpu.memory_space<vmem>> -> memref<1x128xi32, #tpu.memory_space<vmem>>
      %dma_start3A_85 = tpu.memref_squeeze %dma_start3A_84 : memref<1x128xi32, #tpu.memory_space<vmem>> -> memref<128xi32, #tpu.memory_space<vmem>>
      %dma_start3A_86 = arith.constant 0 : i32
      %dma_start3A_87 = arith.constant 0 : i32
      %dma_start3A_88 = tpu.memref_slice %arg12[%dma_start3A_86, %dma_start3A_87] : memref<10240x128xf32, #tpu.memory_space<vmem_shared>> -> memref<10240x128xf32, #tpu.memory_space<vmem_shared>>
      tpu.enqueue_indirect_dma source(%arg9 : memref<128x128xf32, #tpu.memory_space<vmem>>) target(%dma_start3A_88 : memref<10240x128xf32, #tpu.memory_space<vmem_shared>>) offsets(%dma_start3A_85 : memref<128xi32, #tpu.memory_space<vmem>>) semaphore(%run_scoped3A_82 : memref<!tpu.dma_semaphore, #tpu.memory_space<semaphore_mem>>) {add = true}
      %dma_wait3A_89 = arith.constant 0 : i32
      %dma_wait3A_90 = tpu.memref_slice %arg7[%run_scoped3A_41, %dma_wait3A_89] : memref<40x128xi32, #tpu.memory_space<vmem>> -> memref<1x128xi32, #tpu.memory_space<vmem>>
      %dma_wait3A_91 = tpu.memref_squeeze %dma_wait3A_90 : memref<1x128xi32, #tpu.memory_space<vmem>> -> memref<128xi32, #tpu.memory_space<vmem>>
      %dma_wait3A_92 = arith.constant 0 : i32
      %dma_wait3A_93 = arith.constant 0 : i32
      %dma_wait3A_94 = tpu.memref_slice %arg12[%dma_wait3A_92, %dma_wait3A_93] : memref<10240x128xf32, #tpu.memory_space<vmem_shared>> -> memref<10240x128xf32, #tpu.memory_space<vmem_shared>>
      tpu.wait_indirect_dma semaphore(%run_scoped3A_82 : memref<!tpu.dma_semaphore, #tpu.memory_space<semaphore_mem>>) src(%arg9 : memref<128x128xf32, #tpu.memory_space<vmem>>) dst(%dma_wait3A_94 : memref<10240x128xf32, #tpu.memory_space<vmem_shared>>)
      tpu.yield
    }) : () -> ()
    "tpu.region"() ({
      %run_scoped3A_82 = tpu.sem_alloc : memref<!tpu.dma_semaphore, #tpu.memory_space<semaphore_mem>>
      %dma_start3A_83 = arith.constant 40 : i32
      %dma_start3A_84 = arith.constant 0 : i32
      %dma_start3A_85 = tpu.memref_slice %arg3[%add3A, %dma_start3A_83, %dma_start3A_84] : memref<32x80x128xi32, #tpu.memory_space<hbm>> -> memref<1x40x128xi32, #tpu.memory_space<hbm>>
      %dma_start3A_86 = tpu.memref_squeeze %dma_start3A_85 : memref<1x40x128xi32, #tpu.memory_space<hbm>> -> memref<40x128xi32, #tpu.memory_space<hbm>>
      %dma_start3A_87 = arith.constant 40 : i32
      %dma_start3A_88 = arith.constant 0 : i32
      %dma_start3A_89 = tpu.memref_slice %arg3[%add3A, %dma_start3A_87, %dma_start3A_88] : memref<32x80x128xi32, #tpu.memory_space<hbm>> -> memref<1x40x128xi32, #tpu.memory_space<hbm>>
      %dma_start3A_90 = tpu.memref_squeeze %dma_start3A_89 : memref<1x40x128xi32, #tpu.memory_space<hbm>> -> memref<40x128xi32, #tpu.memory_space<hbm>>
      tpu.enqueue_dma source(%dma_start3A_90 : memref<40x128xi32, #tpu.memory_space<hbm>>) target(%arg6 : memref<40x128xi32, #tpu.memory_space<vmem>>) target_semaphore(%run_scoped3A_82 : memref<!tpu.dma_semaphore, #tpu.memory_space<semaphore_mem>>)
      %dma_wait3A_91 = arith.constant 40 : i32
      %dma_wait3A_92 = arith.constant 0 : i32
      %dma_wait3A_93 = tpu.memref_slice %arg3[%add3A, %dma_wait3A_91, %dma_wait3A_92] : memref<32x80x128xi32, #tpu.memory_space<hbm>> -> memref<1x40x128xi32, #tpu.memory_space<hbm>>
      %dma_wait3A_94 = tpu.memref_squeeze %dma_wait3A_93 : memref<1x40x128xi32, #tpu.memory_space<hbm>> -> memref<40x128xi32, #tpu.memory_space<hbm>>
      %dma_wait3A_95 = arith.constant 40 : i32
      %dma_wait3A_96 = arith.constant 0 : i32
      %dma_wait3A_97 = tpu.memref_slice %arg3[%add3A, %dma_wait3A_95, %dma_wait3A_96] : memref<32x80x128xi32, #tpu.memory_space<hbm>> -> memref<1x40x128xi32, #tpu.memory_space<hbm>>
      %dma_wait3A_98 = tpu.memref_squeeze %dma_wait3A_97 : memref<1x40x128xi32, #tpu.memory_space<hbm>> -> memref<40x128xi32, #tpu.memory_space<hbm>>
      tpu.wait_dma2 semaphore(%run_scoped3A_82 : memref<!tpu.dma_semaphore, #tpu.memory_space<semaphore_mem>>) src(%dma_wait3A_98 : memref<40x128xi32, #tpu.memory_space<hbm>>) dst(%arg6 : memref<40x128xi32, #tpu.memory_space<vmem>>)
      tpu.yield
    }) : () -> ()
    "tpu.region"() ({
      %run_scoped3A_82 = tpu.sem_alloc : memref<!tpu.dma_semaphore, #tpu.memory_space<semaphore_mem>>
      %dma_start3A_83 = arith.constant 40 : i32
      %dma_start3A_84 = arith.constant 0 : i32
      %dma_start3A_85 = tpu.memref_slice %arg4[%add3A, %dma_start3A_83, %dma_start3A_84] : memref<32x80x128xi32, #tpu.memory_space<hbm>> -> memref<1x40x128xi32, #tpu.memory_space<hbm>>
      %dma_start3A_86 = tpu.memref_squeeze %dma_start3A_85 : memref<1x40x128xi32, #tpu.memory_space<hbm>> -> memref<40x128xi32, #tpu.memory_space<hbm>>
      %dma_start3A_87 = arith.constant 40 : i32
      %dma_start3A_88 = arith.constant 0 : i32
      %dma_start3A_89 = tpu.memref_slice %arg4[%add3A, %dma_start3A_87, %dma_start3A_88] : memref<32x80x128xi32, #tpu.memory_space<hbm>> -> memref<1x40x128xi32, #tpu.memory_space<hbm>>
      %dma_start3A_90 = tpu.memref_squeeze %dma_start3A_89 : memref<1x40x128xi32, #tpu.memory_space<hbm>> -> memref<40x128xi32, #tpu.memory_space<hbm>>
      tpu.enqueue_dma source(%dma_start3A_90 : memref<40x128xi32, #tpu.memory_space<hbm>>) target(%arg7 : memref<40x128xi32, #tpu.memory_space<vmem>>) target_semaphore(%run_scoped3A_82 : memref<!tpu.dma_semaphore, #tpu.memory_space<semaphore_mem>>)
      %dma_wait3A_91 = arith.constant 40 : i32
      %dma_wait3A_92 = arith.constant 0 : i32
      %dma_wait3A_93 = tpu.memref_slice %arg4[%add3A, %dma_wait3A_91, %dma_wait3A_92] : memref<32x80x128xi32, #tpu.memory_space<hbm>> -> memref<1x40x128xi32, #tpu.memory_space<hbm>>
      %dma_wait3A_94 = tpu.memref_squeeze %dma_wait3A_93 : memref<1x40x128xi32, #tpu.memory_space<hbm>> -> memref<40x128xi32, #tpu.memory_space<hbm>>
      %dma_wait3A_95 = arith.constant 40 : i32
      %dma_wait3A_96 = arith.constant 0 : i32
      %dma_wait3A_97 = tpu.memref_slice %arg4[%add3A, %dma_wait3A_95, %dma_wait3A_96] : memref<32x80x128xi32, #tpu.memory_space<hbm>> -> memref<1x40x128xi32, #tpu.memory_space<hbm>>
      %dma_wait3A_98 = tpu.memref_squeeze %dma_wait3A_97 : memref<1x40x128xi32, #tpu.memory_space<hbm>> -> memref<40x128xi32, #tpu.memory_space<hbm>>
      tpu.wait_dma2 semaphore(%run_scoped3A_82 : memref<!tpu.dma_semaphore, #tpu.memory_space<semaphore_mem>>) src(%dma_wait3A_98 : memref<40x128xi32, #tpu.memory_space<hbm>>) dst(%arg7 : memref<40x128xi32, #tpu.memory_space<vmem>>)
      tpu.yield
    }) : () -> ()
    %dma_start3A_42 = arith.constant 0 : i32
    %dma_start3A_43 = arith.constant 0 : i32
    %dma_start3A_44 = tpu.memref_slice %arg6[%dma_start3A_42, %dma_start3A_43] : memref<40x128xi32, #tpu.memory_space<vmem>> -> memref<1x128xi32, #tpu.memory_space<vmem>>
    %dma_start3A_45 = tpu.memref_squeeze %dma_start3A_44 : memref<1x128xi32, #tpu.memory_space<vmem>> -> memref<128xi32, #tpu.memory_space<vmem>>
    %dma_start3A_46 = arith.constant 0 : i32
    %dma_start3A_47 = arith.constant 0 : i32
    %dma_start3A_48 = tpu.memref_slice %arg2[%dma_start3A_46, %dma_start3A_47] : memref<10000x128xf32, #tpu.memory_space<hbm>> -> memref<10000x128xf32, #tpu.memory_space<hbm>>
    tpu.enqueue_indirect_dma source(%dma_start3A_48 : memref<10000x128xf32, #tpu.memory_space<hbm>>) target(%arg8 : memref<128x128xf32, #tpu.memory_space<vmem>>) offsets(%dma_start3A_45 : memref<128xi32, #tpu.memory_space<vmem>>) semaphore(%arg10 : memref<!tpu.dma_semaphore, #tpu.memory_space<semaphore_mem>>)
    %scan3A_49 = arith.constant 0 : i32
    %scan3A_50 = arith.constant 19 : i32
    %scan3A_51 = arith.addi %scan3A_49, %scan3A_50 : i32
    %scan3A_52 = arith.constant 1 : i32
    scf.for %scan3A_82 = %scan3A_49 to %scan3A_51 step %scan3A_52  : i32 {
      %mul3A_83 = arith.constant 1 : i32
      %mul3A_84 = arith.muli %scan3A_82, %mul3A_83 : i32
      %add3A_85 = arith.constant 0 : i32
      %add3A_86 = arith.addi %add3A_85, %mul3A_84 : i32
      %mul3A_87 = arith.constant 2 : i32
      %mul3A_88 = arith.muli %mul3A_87, %add3A_86 : i32
      %add3A_89 = arith.constant 1 : i32
      %add3A_90 = arith.addi %mul3A_88, %add3A_89 : i32
      %dma_start3A_91 = arith.constant 0 : i32
      %dma_start3A_92 = tpu.memref_slice %arg6[%add3A_90, %dma_start3A_91] : memref<40x128xi32, #tpu.memory_space<vmem>> -> memref<1x128xi32, #tpu.memory_space<vmem>>
      %dma_start3A_93 = tpu.memref_squeeze %dma_start3A_92 : memref<1x128xi32, #tpu.memory_space<vmem>> -> memref<128xi32, #tpu.memory_space<vmem>>
      %dma_start3A_94 = arith.constant 0 : i32
      %dma_start3A_95 = arith.constant 0 : i32
      %dma_start3A_96 = tpu.memref_slice %arg2[%dma_start3A_94, %dma_start3A_95] : memref<10000x128xf32, #tpu.memory_space<hbm>> -> memref<10000x128xf32, #tpu.memory_space<hbm>>
      tpu.enqueue_indirect_dma source(%dma_start3A_96 : memref<10000x128xf32, #tpu.memory_space<hbm>>) target(%arg9 : memref<128x128xf32, #tpu.memory_space<vmem>>) offsets(%dma_start3A_93 : memref<128xi32, #tpu.memory_space<vmem>>) semaphore(%arg11 : memref<!tpu.dma_semaphore, #tpu.memory_space<semaphore_mem>>)
      %dma_wait3A_97 = arith.constant 0 : i32
      %dma_wait3A_98 = tpu.memref_slice %arg6[%mul3A_88, %dma_wait3A_97] : memref<40x128xi32, #tpu.memory_space<vmem>> -> memref<1x128xi32, #tpu.memory_space<vmem>>
      %dma_wait3A_99 = tpu.memref_squeeze %dma_wait3A_98 : memref<1x128xi32, #tpu.memory_space<vmem>> -> memref<128xi32, #tpu.memory_space<vmem>>
      %dma_wait3A_100 = arith.constant 0 : i32
      %dma_wait3A_101 = arith.constant 0 : i32
      %dma_wait3A_102 = tpu.memref_slice %arg2[%dma_wait3A_100, %dma_wait3A_101] : memref<10000x128xf32, #tpu.memory_space<hbm>> -> memref<10000x128xf32, #tpu.memory_space<hbm>>
      tpu.wait_indirect_dma semaphore(%arg10 : memref<!tpu.dma_semaphore, #tpu.memory_space<semaphore_mem>>) src(%dma_wait3A_102 : memref<10000x128xf32, #tpu.memory_space<hbm>>) dst(%arg8 : memref<128x128xf32, #tpu.memory_space<vmem>>)
      "tpu.region"() ({
        %run_scoped3A_121 = tpu.sem_alloc : memref<!tpu.dma_semaphore, #tpu.memory_space<semaphore_mem>>
        %dma_start3A_122 = arith.constant 0 : i32
        %dma_start3A_123 = tpu.memref_slice %arg7[%mul3A_88, %dma_start3A_122] : memref<40x128xi32, #tpu.memory_space<vmem>> -> memref<1x128xi32, #tpu.memory_space<vmem>>
        %dma_start3A_124 = tpu.memref_squeeze %dma_start3A_123 : memref<1x128xi32, #tpu.memory_space<vmem>> -> memref<128xi32, #tpu.memory_space<vmem>>
        %dma_start3A_125 = arith.constant 0 : i32
        %dma_start3A_126 = arith.constant 0 : i32
        %dma_start3A_127 = tpu.memref_slice %arg12[%dma_start3A_125, %dma_start3A_126] : memref<10240x128xf32, #tpu.memory_space<vmem_shared>> -> memref<10240x128xf32, #tpu.memory_space<vmem_shared>>
        tpu.enqueue_indirect_dma source(%arg8 : memref<128x128xf32, #tpu.memory_space<vmem>>) target(%dma_start3A_127 : memref<10240x128xf32, #tpu.memory_space<vmem_shared>>) offsets(%dma_start3A_124 : memref<128xi32, #tpu.memory_space<vmem>>) semaphore(%run_scoped3A_121 : memref<!tpu.dma_semaphore, #tpu.memory_space<semaphore_mem>>) {add = true}
        %dma_wait3A_128 = arith.constant 0 : i32
        %dma_wait3A_129 = tpu.memref_slice %arg7[%mul3A_88, %dma_wait3A_128] : memref<40x128xi32, #tpu.memory_space<vmem>> -> memref<1x128xi32, #tpu.memory_space<vmem>>
        %dma_wait3A_130 = tpu.memref_squeeze %dma_wait3A_129 : memref<1x128xi32, #tpu.memory_space<vmem>> -> memref<128xi32, #tpu.memory_space<vmem>>
        %dma_wait3A_131 = arith.constant 0 : i32
        %dma_wait3A_132 = arith.constant 0 : i32
        %dma_wait3A_133 = tpu.memref_slice %arg12[%dma_wait3A_131, %dma_wait3A_132] : memref<10240x128xf32, #tpu.memory_space<vmem_shared>> -> memref<10240x128xf32, #tpu.memory_space<vmem_shared>>
        tpu.wait_indirect_dma semaphore(%run_scoped3A_121 : memref<!tpu.dma_semaphore, #tpu.memory_space<semaphore_mem>>) src(%arg8 : memref<128x128xf32, #tpu.memory_space<vmem>>) dst(%dma_wait3A_133 : memref<10240x128xf32, #tpu.memory_space<vmem_shared>>)
        tpu.yield
      }) : () -> ()
      %add3A_103 = arith.constant 2 : i32
      %add3A_104 = arith.addi %mul3A_88, %add3A_103 : i32
      %dma_start3A_105 = arith.constant 0 : i32
      %dma_start3A_106 = tpu.memref_slice %arg6[%add3A_104, %dma_start3A_105] : memref<40x128xi32, #tpu.memory_space<vmem>> -> memref<1x128xi32, #tpu.memory_space<vmem>>
      %dma_start3A_107 = tpu.memref_squeeze %dma_start3A_106 : memref<1x128xi32, #tpu.memory_space<vmem>> -> memref<128xi32, #tpu.memory_space<vmem>>
      %dma_start3A_108 = arith.constant 0 : i32
      %dma_start3A_109 = arith.constant 0 : i32
      %dma_start3A_110 = tpu.memref_slice %arg2[%dma_start3A_108, %dma_start3A_109] : memref<10000x128xf32, #tpu.memory_space<hbm>> -> memref<10000x128xf32, #tpu.memory_space<hbm>>
      tpu.enqueue_indirect_dma source(%dma_start3A_110 : memref<10000x128xf32, #tpu.memory_space<hbm>>) target(%arg8 : memref<128x128xf32, #tpu.memory_space<vmem>>) offsets(%dma_start3A_107 : memref<128xi32, #tpu.memory_space<vmem>>) semaphore(%arg10 : memref<!tpu.dma_semaphore, #tpu.memory_space<semaphore_mem>>)
      %add3A_111 = arith.constant 1 : i32
      %add3A_112 = arith.addi %mul3A_88, %add3A_111 : i32
      %dma_wait3A_113 = arith.constant 0 : i32
      %dma_wait3A_114 = tpu.memref_slice %arg6[%add3A_112, %dma_wait3A_113] : memref<40x128xi32, #tpu.memory_space<vmem>> -> memref<1x128xi32, #tpu.memory_space<vmem>>
      %dma_wait3A_115 = tpu.memref_squeeze %dma_wait3A_114 : memref<1x128xi32, #tpu.memory_space<vmem>> -> memref<128xi32, #tpu.memory_space<vmem>>
      %dma_wait3A_116 = arith.constant 0 : i32
      %dma_wait3A_117 = arith.constant 0 : i32
      %dma_wait3A_118 = tpu.memref_slice %arg2[%dma_wait3A_116, %dma_wait3A_117] : memref<10000x128xf32, #tpu.memory_space<hbm>> -> memref<10000x128xf32, #tpu.memory_space<hbm>>
      tpu.wait_indirect_dma semaphore(%arg11 : memref<!tpu.dma_semaphore, #tpu.memory_space<semaphore_mem>>) src(%dma_wait3A_118 : memref<10000x128xf32, #tpu.memory_space<hbm>>) dst(%arg9 : memref<128x128xf32, #tpu.memory_space<vmem>>)
      %add3A_119 = arith.constant 1 : i32
      %add3A_120 = arith.addi %mul3A_88, %add3A_119 : i32
      "tpu.region"() ({
        %run_scoped3A_121 = tpu.sem_alloc : memref<!tpu.dma_semaphore, #tpu.memory_space<semaphore_mem>>
        %dma_start3A_122 = arith.constant 0 : i32
        %dma_start3A_123 = tpu.memref_slice %arg7[%add3A_120, %dma_start3A_122] : memref<40x128xi32, #tpu.memory_space<vmem>> -> memref<1x128xi32, #tpu.memory_space<vmem>>
        %dma_start3A_124 = tpu.memref_squeeze %dma_start3A_123 : memref<1x128xi32, #tpu.memory_space<vmem>> -> memref<128xi32, #tpu.memory_space<vmem>>
        %dma_start3A_125 = arith.constant 0 : i32
        %dma_start3A_126 = arith.constant 0 : i32
        %dma_start3A_127 = tpu.memref_slice %arg12[%dma_start3A_125, %dma_start3A_126] : memref<10240x128xf32, #tpu.memory_space<vmem_shared>> -> memref<10240x128xf32, #tpu.memory_space<vmem_shared>>
        tpu.enqueue_indirect_dma source(%arg9 : memref<128x128xf32, #tpu.memory_space<vmem>>) target(%dma_start3A_127 : memref<10240x128xf32, #tpu.memory_space<vmem_shared>>) offsets(%dma_start3A_124 : memref<128xi32, #tpu.memory_space<vmem>>) semaphore(%run_scoped3A_121 : memref<!tpu.dma_semaphore, #tpu.memory_space<semaphore_mem>>) {add = true}
        %dma_wait3A_128 = arith.constant 0 : i32
        %dma_wait3A_129 = tpu.memref_slice %arg7[%add3A_120, %dma_wait3A_128] : memref<40x128xi32, #tpu.memory_space<vmem>> -> memref<1x128xi32, #tpu.memory_space<vmem>>
        %dma_wait3A_130 = tpu.memref_squeeze %dma_wait3A_129 : memref<1x128xi32, #tpu.memory_space<vmem>> -> memref<128xi32, #tpu.memory_space<vmem>>
        %dma_wait3A_131 = arith.constant 0 : i32
        %dma_wait3A_132 = arith.constant 0 : i32
        %dma_wait3A_133 = tpu.memref_slice %arg12[%dma_wait3A_131, %dma_wait3A_132] : memref<10240x128xf32, #tpu.memory_space<vmem_shared>> -> memref<10240x128xf32, #tpu.memory_space<vmem_shared>>
        tpu.wait_indirect_dma semaphore(%run_scoped3A_121 : memref<!tpu.dma_semaphore, #tpu.memory_space<semaphore_mem>>) src(%arg9 : memref<128x128xf32, #tpu.memory_space<vmem>>) dst(%dma_wait3A_133 : memref<10240x128xf32, #tpu.memory_space<vmem_shared>>)
        tpu.yield
      }) : () -> ()
    }
    %scan3A_53 = arith.constant 19 : i32
    %dma_start3A_54 = arith.constant 39 : i32
    %dma_start3A_55 = arith.constant 0 : i32
    %dma_start3A_56 = tpu.memref_slice %arg6[%dma_start3A_54, %dma_start3A_55] : memref<40x128xi32, #tpu.memory_space<vmem>> -> memref<1x128xi32, #tpu.memory_space<vmem>>
    %dma_start3A_57 = tpu.memref_squeeze %dma_start3A_56 : memref<1x128xi32, #tpu.memory_space<vmem>> -> memref<128xi32, #tpu.memory_space<vmem>>
    %dma_start3A_58 = arith.constant 0 : i32
    %dma_start3A_59 = arith.constant 0 : i32
    %dma_start3A_60 = tpu.memref_slice %arg2[%dma_start3A_58, %dma_start3A_59] : memref<10000x128xf32, #tpu.memory_space<hbm>> -> memref<10000x128xf32, #tpu.memory_space<hbm>>
    tpu.enqueue_indirect_dma source(%dma_start3A_60 : memref<10000x128xf32, #tpu.memory_space<hbm>>) target(%arg9 : memref<128x128xf32, #tpu.memory_space<vmem>>) offsets(%dma_start3A_57 : memref<128xi32, #tpu.memory_space<vmem>>) semaphore(%arg11 : memref<!tpu.dma_semaphore, #tpu.memory_space<semaphore_mem>>)
    %dma_wait3A_61 = arith.constant 38 : i32
    %dma_wait3A_62 = arith.constant 0 : i32
    %dma_wait3A_63 = tpu.memref_slice %arg6[%dma_wait3A_61, %dma_wait3A_62] : memref<40x128xi32, #tpu.memory_space<vmem>> -> memref<1x128xi32, #tpu.memory_space<vmem>>
    %dma_wait3A_64 = tpu.memref_squeeze %dma_wait3A_63 : memref<1x128xi32, #tpu.memory_space<vmem>> -> memref<128xi32, #tpu.memory_space<vmem>>
    %dma_wait3A_65 = arith.constant 0 : i32
    %dma_wait3A_66 = arith.constant 0 : i32
    %dma_wait3A_67 = tpu.memref_slice %arg2[%dma_wait3A_65, %dma_wait3A_66] : memref<10000x128xf32, #tpu.memory_space<hbm>> -> memref<10000x128xf32, #tpu.memory_space<hbm>>
    tpu.wait_indirect_dma semaphore(%arg10 : memref<!tpu.dma_semaphore, #tpu.memory_space<semaphore_mem>>) src(%dma_wait3A_67 : memref<10000x128xf32, #tpu.memory_space<hbm>>) dst(%arg8 : memref<128x128xf32, #tpu.memory_space<vmem>>)
    %run_scoped3A_68 = arith.constant 38 : i32
    "tpu.region"() ({
      %run_scoped3A_82 = tpu.sem_alloc : memref<!tpu.dma_semaphore, #tpu.memory_space<semaphore_mem>>
      %dma_start3A_83 = arith.constant 0 : i32
      %dma_start3A_84 = tpu.memref_slice %arg7[%run_scoped3A_68, %dma_start3A_83] : memref<40x128xi32, #tpu.memory_space<vmem>> -> memref<1x128xi32, #tpu.memory_space<vmem>>
      %dma_start3A_85 = tpu.memref_squeeze %dma_start3A_84 : memref<1x128xi32, #tpu.memory_space<vmem>> -> memref<128xi32, #tpu.memory_space<vmem>>
      %dma_start3A_86 = arith.constant 0 : i32
      %dma_start3A_87 = arith.constant 0 : i32
      %dma_start3A_88 = tpu.memref_slice %arg12[%dma_start3A_86, %dma_start3A_87] : memref<10240x128xf32, #tpu.memory_space<vmem_shared>> -> memref<10240x128xf32, #tpu.memory_space<vmem_shared>>
      tpu.enqueue_indirect_dma source(%arg8 : memref<128x128xf32, #tpu.memory_space<vmem>>) target(%dma_start3A_88 : memref<10240x128xf32, #tpu.memory_space<vmem_shared>>) offsets(%dma_start3A_85 : memref<128xi32, #tpu.memory_space<vmem>>) semaphore(%run_scoped3A_82 : memref<!tpu.dma_semaphore, #tpu.memory_space<semaphore_mem>>) {add = true}
      %dma_wait3A_89 = arith.constant 0 : i32
      %dma_wait3A_90 = tpu.memref_slice %arg7[%run_scoped3A_68, %dma_wait3A_89] : memref<40x128xi32, #tpu.memory_space<vmem>> -> memref<1x128xi32, #tpu.memory_space<vmem>>
      %dma_wait3A_91 = tpu.memref_squeeze %dma_wait3A_90 : memref<1x128xi32, #tpu.memory_space<vmem>> -> memref<128xi32, #tpu.memory_space<vmem>>
      %dma_wait3A_92 = arith.constant 0 : i32
      %dma_wait3A_93 = arith.constant 0 : i32
      %dma_wait3A_94 = tpu.memref_slice %arg12[%dma_wait3A_92, %dma_wait3A_93] : memref<10240x128xf32, #tpu.memory_space<vmem_shared>> -> memref<10240x128xf32, #tpu.memory_space<vmem_shared>>
      tpu.wait_indirect_dma semaphore(%run_scoped3A_82 : memref<!tpu.dma_semaphore, #tpu.memory_space<semaphore_mem>>) src(%arg8 : memref<128x128xf32, #tpu.memory_space<vmem>>) dst(%dma_wait3A_94 : memref<10240x128xf32, #tpu.memory_space<vmem_shared>>)
      tpu.yield
    }) : () -> ()
    %dma_wait3A_69 = arith.constant 39 : i32
    %dma_wait3A_70 = arith.constant 0 : i32
    %dma_wait3A_71 = tpu.memref_slice %arg6[%dma_wait3A_69, %dma_wait3A_70] : memref<40x128xi32, #tpu.memory_space<vmem>> -> memref<1x128xi32, #tpu.memory_space<vmem>>
    %dma_wait3A_72 = tpu.memref_squeeze %dma_wait3A_71 : memref<1x128xi32, #tpu.memory_space<vmem>> -> memref<128xi32, #tpu.memory_space<vmem>>
    %dma_wait3A_73 = arith.constant 0 : i32
    %dma_wait3A_74 = arith.constant 0 : i32
    %dma_wait3A_75 = tpu.memref_slice %arg2[%dma_wait3A_73, %dma_wait3A_74] : memref<10000x128xf32, #tpu.memory_space<hbm>> -> memref<10000x128xf32, #tpu.memory_space<hbm>>
    tpu.wait_indirect_dma semaphore(%arg11 : memref<!tpu.dma_semaphore, #tpu.memory_space<semaphore_mem>>) src(%dma_wait3A_75 : memref<10000x128xf32, #tpu.memory_space<hbm>>) dst(%arg9 : memref<128x128xf32, #tpu.memory_space<vmem>>)
    %run_scoped3A_76 = arith.constant 39 : i32
    "tpu.region"() ({
      %run_scoped3A_82 = tpu.sem_alloc : memref<!tpu.dma_semaphore, #tpu.memory_space<semaphore_mem>>
      %dma_start3A_83 = arith.constant 0 : i32
      %dma_start3A_84 = tpu.memref_slice %arg7[%run_scoped3A_76, %dma_start3A_83] : memref<40x128xi32, #tpu.memory_space<vmem>> -> memref<1x128xi32, #tpu.memory_space<vmem>>
      %dma_start3A_85 = tpu.memref_squeeze %dma_start3A_84 : memref<1x128xi32, #tpu.memory_space<vmem>> -> memref<128xi32, #tpu.memory_space<vmem>>
      %dma_start3A_86 = arith.constant 0 : i32
      %dma_start3A_87 = arith.constant 0 : i32
      %dma_start3A_88 = tpu.memref_slice %arg12[%dma_start3A_86, %dma_start3A_87] : memref<10240x128xf32, #tpu.memory_space<vmem_shared>> -> memref<10240x128xf32, #tpu.memory_space<vmem_shared>>
      tpu.enqueue_indirect_dma source(%arg9 : memref<128x128xf32, #tpu.memory_space<vmem>>) target(%dma_start3A_88 : memref<10240x128xf32, #tpu.memory_space<vmem_shared>>) offsets(%dma_start3A_85 : memref<128xi32, #tpu.memory_space<vmem>>) semaphore(%run_scoped3A_82 : memref<!tpu.dma_semaphore, #tpu.memory_space<semaphore_mem>>) {add = true}
      %dma_wait3A_89 = arith.constant 0 : i32
      %dma_wait3A_90 = tpu.memref_slice %arg7[%run_scoped3A_76, %dma_wait3A_89] : memref<40x128xi32, #tpu.memory_space<vmem>> -> memref<1x128xi32, #tpu.memory_space<vmem>>
      %dma_wait3A_91 = tpu.memref_squeeze %dma_wait3A_90 : memref<1x128xi32, #tpu.memory_space<vmem>> -> memref<128xi32, #tpu.memory_space<vmem>>
      %dma_wait3A_92 = arith.constant 0 : i32
      %dma_wait3A_93 = arith.constant 0 : i32
      %dma_wait3A_94 = tpu.memref_slice %arg12[%dma_wait3A_92, %dma_wait3A_93] : memref<10240x128xf32, #tpu.memory_space<vmem_shared>> -> memref<10240x128xf32, #tpu.memory_space<vmem_shared>>
      tpu.wait_indirect_dma semaphore(%run_scoped3A_82 : memref<!tpu.dma_semaphore, #tpu.memory_space<semaphore_mem>>) src(%arg9 : memref<128x128xf32, #tpu.memory_space<vmem>>) dst(%dma_wait3A_94 : memref<10240x128xf32, #tpu.memory_space<vmem_shared>>)
      tpu.yield
    }) : () -> ()
    %barrier3A_77 = arith.constant 0 : index
    tpu.barrier barrier_id(%barrier3A_77)
    %mul3A_78 = arith.constant 640 : i32
    %mul3A_79 = arith.muli %arg1, %mul3A_78 : i32
    %mul3A_80 = arith.constant 640 : i32
    %mul3A_81 = arith.muli %arg1, %mul3A_80 : i32
    "tpu.region"() ({
      %run_scoped3A_82 = tpu.sem_alloc : memref<!tpu.dma_semaphore, #tpu.memory_space<semaphore_mem>>
      %dma_start3A_83 = arith.constant 0 : i32
      %dma_start3A_84 = tpu.memref_slice %arg5[%arg0, %mul3A_81, %dma_start3A_83] : memref<2x10240x128xf32, #tpu.memory_space<hbm>> -> memref<1x640x128xf32, #tpu.memory_space<hbm>>
      %dma_start3A_85 = tpu.memref_squeeze %dma_start3A_84 : memref<1x640x128xf32, #tpu.memory_space<hbm>> -> memref<640x128xf32, #tpu.memory_space<hbm>>
      %dma_start3A_86 = arith.constant 0 : i32
      %dma_start3A_87 = tpu.memref_slice %arg12[%mul3A_79, %dma_start3A_86] : memref<10240x128xf32, #tpu.memory_space<vmem_shared>> -> memref<640x128xf32, #tpu.memory_space<vmem_shared>>
      tpu.enqueue_dma source(%dma_start3A_87 : memref<640x128xf32, #tpu.memory_space<vmem_shared>>) target(%dma_start3A_85 : memref<640x128xf32, #tpu.memory_space<hbm>>) target_semaphore(%run_scoped3A_82 : memref<!tpu.dma_semaphore, #tpu.memory_space<semaphore_mem>>)
      %dma_wait3A_88 = arith.constant 0 : i32
      %dma_wait3A_89 = tpu.memref_slice %arg5[%arg0, %mul3A_81, %dma_wait3A_88] : memref<2x10240x128xf32, #tpu.memory_space<hbm>> -> memref<1x640x128xf32, #tpu.memory_space<hbm>>
      %dma_wait3A_90 = tpu.memref_squeeze %dma_wait3A_89 : memref<1x640x128xf32, #tpu.memory_space<hbm>> -> memref<640x128xf32, #tpu.memory_space<hbm>>
      %dma_wait3A_91 = arith.constant 0 : i32
      %dma_wait3A_92 = tpu.memref_slice %arg12[%mul3A_79, %dma_wait3A_91] : memref<10240x128xf32, #tpu.memory_space<vmem_shared>> -> memref<640x128xf32, #tpu.memory_space<vmem_shared>>
      tpu.wait_dma2 semaphore(%run_scoped3A_82 : memref<!tpu.dma_semaphore, #tpu.memory_space<semaphore_mem>>) src(%dma_wait3A_92 : memref<640x128xf32, #tpu.memory_space<vmem_shared>>) dst(%dma_wait3A_90 : memref<640x128xf32, #tpu.memory_space<hbm>>)
      tpu.yield
    }) : () -> ()
    return
  }
}

module attributes {stable_mosaic.version = 14 : i64} {
  func.func @_mid_body(%arg0: memref<2x10240x128xf32, #tpu.memory_space<vmem>>, %arg1: memref<10000x128xf32, #tpu.memory_space<vmem>>, %arg2: memref<10000x1xf32, #tpu.memory_space<vmem>>, %arg3: memref<1x128xf32, #tpu.memory_space<vmem>>, %arg4: memref<128x128xf32, #tpu.memory_space<vmem>>, %arg5: memref<10000x128xf32, #tpu.memory_space<vmem>>) attributes {dimension_semantics = [], scalar_prefetch = 0 : i64, scratch_operands = 0 : i64, tpu.core_type = #tpu.core_type<tc>} {
    %get3A = arith.constant 0 : index
    %get3A_0 = arith.constant 0 : index
    %get3A_1 = arith.constant 0 : index
    %get3A_2 = vector.load %arg0[%get3A, %get3A_0, %get3A_1] : memref<2x10240x128xf32, #tpu.memory_space<vmem>>, vector<1x10000x128xf32>
    %get3A_3 = vector.shape_cast %get3A_2 : vector<1x10000x128xf32> to vector<10000x128xf32>
    %get3A_4 = arith.constant 1 : index
    %get3A_5 = arith.constant 0 : index
    %get3A_6 = arith.constant 0 : index
    %get3A_7 = vector.load %arg0[%get3A_4, %get3A_5, %get3A_6] : memref<2x10240x128xf32, #tpu.memory_space<vmem>>, vector<1x10000x128xf32>
    %get3A_8 = vector.shape_cast %get3A_7 : vector<1x10000x128xf32> to vector<10000x128xf32>
    %add3A = arith.addf %get3A_3, %get3A_8 : vector<10000x128xf32>
    %get3A_9 = arith.constant 0 : index
    %get3A_10 = arith.constant 0 : index
    %get3A_11 = vector.load %arg1[%get3A_9, %get3A_10] : memref<10000x128xf32, #tpu.memory_space<vmem>>, vector<10000x128xf32>
    %add3A_12 = arith.addf %add3A, %get3A_11 : vector<10000x128xf32>
    %get3A_13 = arith.constant 0 : index
    %get3A_14 = arith.constant 0 : index
    %get3A_15 = vector.load %arg2[%get3A_13, %get3A_14] : memref<10000x1xf32, #tpu.memory_space<vmem>>, vector<10000x1xf32>
    %mul3A = vector.broadcast %get3A_15 : vector<10000x1xf32> to vector<10000x128xf32>
    %mul3A_16 = arith.mulf %mul3A, %add3A_12 : vector<10000x128xf32>
    %get3A_17 = arith.constant 0 : index
    %get3A_18 = arith.constant 0 : index
    %get3A_19 = vector.load %arg3[%get3A_17, %get3A_18] : memref<1x128xf32, #tpu.memory_space<vmem>>, vector<1x128xf32>
    %add3A_20 = vector.broadcast %get3A_19 : vector<1x128xf32> to vector<10000x128xf32>
    %add3A_21 = arith.addf %mul3A_16, %add3A_20 : vector<10000x128xf32>
    %max3A = arith.constant 0.000000e+00 : f32
    %max3A_22 = vector.broadcast %max3A : f32 to vector<10000x128xf32>
    %max3A_23 = arith.maximumf %add3A_21, %max3A_22 : vector<10000x128xf32>
    %get3A_24 = arith.constant 0 : index
    %get3A_25 = arith.constant 0 : index
    %get3A_26 = vector.load %arg2[%get3A_24, %get3A_25] : memref<10000x1xf32, #tpu.memory_space<vmem>>, vector<10000x1xf32>
    %get3A_27 = arith.constant 0 : index
    %get3A_28 = arith.constant 0 : index
    %get3A_29 = vector.load %arg4[%get3A_27, %get3A_28] : memref<128x128xf32, #tpu.memory_space<vmem>>, vector<128x128xf32>
    %dot_general3A = arith.constant dense<0.000000e+00> : vector<10000x128xf32>
    %dot_general3A_30 = tpu.matmul %max3A_23, %get3A_29, %dot_general3A {dimension_numbers = #tpu.dot_dimension_numbers<[1], [0], [0], [1], [0, 0, 1, 1], [], []>, transpose_lhs_hint = false} : vector<10000x128xf32>, vector<128x128xf32>, vector<10000x128xf32> -> vector<10000x128xf32>
    %mul3A_31 = vector.broadcast %get3A_26 : vector<10000x1xf32> to vector<10000x128xf32>
    %mul3A_32 = arith.mulf %mul3A_31, %dot_general3A_30 : vector<10000x128xf32>
    %swap3A = arith.constant 0 : index
    %swap3A_33 = arith.constant 0 : index
    %swap3A_34 = vector.load %arg5[%swap3A, %swap3A_33] : memref<10000x128xf32, #tpu.memory_space<vmem>>, vector<10000x128xf32>
    tpu.vector_store %arg5[%swap3A, %swap3A_33], %mul3A_32 {strides = array<i32>} : memref<10000x128xf32, #tpu.memory_space<vmem>>, vector<10000x128xf32>,
    return
  }
}

module attributes {stable_mosaic.version = 14 : i64} {
  func.func @_mm_scale_body(%arg0: memref<32x2x10240xf32, #tpu.memory_space<vmem>>, %arg1: memref<10000x128xf32, #tpu.memory_space<vmem>>, %arg2: memref<128x128xf32, #tpu.memory_space<vmem>>, %arg3: memref<10000x128xf32, #tpu.memory_space<vmem>>, %arg4: memref<10000x1xf32, #tpu.memory_space<vmem>>) attributes {dimension_semantics = [], scalar_prefetch = 0 : i64, scratch_operands = 0 : i64, tpu.core_type = #tpu.core_type<tc>} {
    %get3A = arith.constant 0 : index
    %get3A_0 = arith.constant 0 : index
    %get3A_1 = arith.constant 0 : index
    %get3A_2 = vector.load %arg0[%get3A, %get3A_0, %get3A_1] : memref<32x2x10240xf32, #tpu.memory_space<vmem>>, vector<32x1x10000xf32>
    %get3A_3 = vector.shape_cast %get3A_2 : vector<32x1x10000xf32> to vector<32x10000xf32>
    %reduce_sum3A = arith.constant dense<0.000000e+00> : vector<10000xf32>
    %reduce_sum3A_4 = vector.multi_reduction <add>, %get3A_3, %reduce_sum3A [0] : vector<32x10000xf32> to vector<10000xf32>
    %broadcast_in_dim3A = vector.shape_cast %reduce_sum3A_4 : vector<10000xf32> to vector<10000x1xf32>
    %add3A = arith.constant 1.000000e+00 : f32
    %add3A_5 = vector.broadcast %add3A : f32 to vector<10000x1xf32>
    %add3A_6 = arith.addf %broadcast_in_dim3A, %add3A_5 : vector<10000x1xf32>
    %max3A = arith.constant 1.000000e+00 : f32
    %max3A_7 = vector.broadcast %max3A : f32 to vector<10000x1xf32>
    %max3A_8 = arith.maximumf %add3A_6, %max3A_7 : vector<10000x1xf32>
    %rsqrt3A = math.rsqrt %max3A_8 : vector<10000x1xf32>
    %swap3A = arith.constant 0 : index
    %swap3A_9 = arith.constant 0 : index
    %swap3A_10 = vector.load %arg4[%swap3A, %swap3A_9] : memref<10000x1xf32, #tpu.memory_space<vmem>>, vector<10000x1xf32>
    tpu.vector_store %arg4[%swap3A, %swap3A_9], %rsqrt3A {strides = array<i32>} : memref<10000x1xf32, #tpu.memory_space<vmem>>, vector<10000x1xf32>,
    %get3A_11 = arith.constant 0 : index
    %get3A_12 = arith.constant 0 : index
    %get3A_13 = vector.load %arg1[%get3A_11, %get3A_12] : memref<10000x128xf32, #tpu.memory_space<vmem>>, vector<10000x128xf32>
    %get3A_14 = arith.constant 0 : index
    %get3A_15 = arith.constant 0 : index
    %get3A_16 = vector.load %arg2[%get3A_14, %get3A_15] : memref<128x128xf32, #tpu.memory_space<vmem>>, vector<128x128xf32>
    %dot_general3A = arith.constant dense<0.000000e+00> : vector<10000x128xf32>
    %dot_general3A_17 = tpu.matmul %get3A_13, %get3A_16, %dot_general3A {dimension_numbers = #tpu.dot_dimension_numbers<[1], [0], [0], [1], [0, 0, 1, 1], [], []>, transpose_lhs_hint = false} : vector<10000x128xf32>, vector<128x128xf32>, vector<10000x128xf32> -> vector<10000x128xf32>
    %mul3A = vector.broadcast %rsqrt3A : vector<10000x1xf32> to vector<10000x128xf32>
    %mul3A_18 = arith.mulf %mul3A, %dot_general3A_17 : vector<10000x128xf32>
    %swap3A_19 = arith.constant 0 : index
    %swap3A_20 = arith.constant 0 : index
    %swap3A_21 = vector.load %arg3[%swap3A_19, %swap3A_20] : memref<10000x128xf32, #tpu.memory_space<vmem>>, vector<10000x128xf32>
    tpu.vector_store %arg3[%swap3A_19, %swap3A_20], %mul3A_18 {strides = array<i32>} : memref<10000x128xf32, #tpu.memory_space<vmem>>, vector<10000x128xf32>,
    return
  }
}

module attributes {stable_mosaic.version = 14 : i64} {
  func.func @_final_body(%arg0: memref<2x10240x128xf32, #tpu.memory_space<vmem>>, %arg1: memref<10000x128xf32, #tpu.memory_space<vmem>>, %arg2: memref<10000x1xf32, #tpu.memory_space<vmem>>, %arg3: memref<1x128xf32, #tpu.memory_space<vmem>>, %arg4: memref<10240x128xf32, #tpu.memory_space<vmem>>) attributes {dimension_semantics = [], scalar_prefetch = 0 : i64, scratch_operands = 0 : i64, tpu.core_type = #tpu.core_type<tc>} {
    %get3A = arith.constant 0 : index
    %get3A_0 = arith.constant 0 : index
    %get3A_1 = arith.constant 0 : index
    %get3A_2 = vector.load %arg0[%get3A, %get3A_0, %get3A_1] : memref<2x10240x128xf32, #tpu.memory_space<vmem>>, vector<1x10000x128xf32>
    %get3A_3 = vector.shape_cast %get3A_2 : vector<1x10000x128xf32> to vector<10000x128xf32>
    %get3A_4 = arith.constant 1 : index
    %get3A_5 = arith.constant 0 : index
    %get3A_6 = arith.constant 0 : index
    %get3A_7 = vector.load %arg0[%get3A_4, %get3A_5, %get3A_6] : memref<2x10240x128xf32, #tpu.memory_space<vmem>>, vector<1x10000x128xf32>
    %get3A_8 = vector.shape_cast %get3A_7 : vector<1x10000x128xf32> to vector<10000x128xf32>
    %add3A = arith.addf %get3A_3, %get3A_8 : vector<10000x128xf32>
    %get3A_9 = arith.constant 0 : index
    %get3A_10 = arith.constant 0 : index
    %get3A_11 = vector.load %arg1[%get3A_9, %get3A_10] : memref<10000x128xf32, #tpu.memory_space<vmem>>, vector<10000x128xf32>
    %add3A_12 = arith.addf %add3A, %get3A_11 : vector<10000x128xf32>
    %get3A_13 = arith.constant 0 : index
    %get3A_14 = arith.constant 0 : index
    %get3A_15 = vector.load %arg2[%get3A_13, %get3A_14] : memref<10000x1xf32, #tpu.memory_space<vmem>>, vector<10000x1xf32>
    %mul3A = vector.broadcast %get3A_15 : vector<10000x1xf32> to vector<10000x128xf32>
    %mul3A_16 = arith.mulf %mul3A, %add3A_12 : vector<10000x128xf32>
    %get3A_17 = arith.constant 0 : index
    %get3A_18 = arith.constant 0 : index
    %get3A_19 = vector.load %arg3[%get3A_17, %get3A_18] : memref<1x128xf32, #tpu.memory_space<vmem>>, vector<1x128xf32>
    %add3A_20 = vector.broadcast %get3A_19 : vector<1x128xf32> to vector<10000x128xf32>
    %add3A_21 = arith.addf %mul3A_16, %add3A_20 : vector<10000x128xf32>
    %max3A = arith.constant 0.000000e+00 : f32
    %max3A_22 = vector.broadcast %max3A : f32 to vector<10000x128xf32>
    %max3A_23 = arith.maximumf %add3A_21, %max3A_22 : vector<10000x128xf32>
    %broadcast_in_dim3A = arith.constant 0.000000e+00 : f32
    %broadcast_in_dim3A_24 = vector.broadcast %broadcast_in_dim3A : f32 to vector<240x128xf32>
    %concatenate3A = tpu.concatenate %max3A_23, %broadcast_in_dim3A_24 in 0 : vector<10000x128xf32>, vector<240x128xf32> -> vector<10240x128xf32>
    %swap3A = arith.constant 0 : index
    %swap3A_25 = arith.constant 0 : index
    %swap3A_26 = vector.load %arg4[%swap3A, %swap3A_25] : memref<10240x128xf32, #tpu.memory_space<vmem>>, vector<10240x128xf32>
    tpu.vector_store %arg4[%swap3A, %swap3A_25], %concatenate3A {strides = array<i32>} : memref<10240x128xf32, #tpu.memory_space<vmem>>, vector<10240x128xf32>,
    return
  }
}

module attributes {stable_mosaic.version = 14 : i64} {
  func.func @_div_body(%arg0: memref<2x10240x128xf32, #tpu.memory_space<vmem>>, %arg1: memref<32x2x10240xf32, #tpu.memory_space<vmem>>, %arg2: memref<10000x128xf32, #tpu.memory_space<vmem>>) attributes {dimension_semantics = [], scalar_prefetch = 0 : i64, scratch_operands = 0 : i64, tpu.core_type = #tpu.core_type<tc>} {
    %get3A = arith.constant 0 : index
    %get3A_0 = arith.constant 0 : index
    %get3A_1 = arith.constant 0 : index
    %get3A_2 = vector.load %arg0[%get3A, %get3A_0, %get3A_1] : memref<2x10240x128xf32, #tpu.memory_space<vmem>>, vector<1x10000x128xf32>
    %get3A_3 = vector.shape_cast %get3A_2 : vector<1x10000x128xf32> to vector<10000x128xf32>
    %get3A_4 = arith.constant 1 : index
    %get3A_5 = arith.constant 0 : index
    %get3A_6 = arith.constant 0 : index
    %get3A_7 = vector.load %arg0[%get3A_4, %get3A_5, %get3A_6] : memref<2x10240x128xf32, #tpu.memory_space<vmem>>, vector<1x10000x128xf32>
    %get3A_8 = vector.shape_cast %get3A_7 : vector<1x10000x128xf32> to vector<10000x128xf32>
    %add3A = arith.addf %get3A_3, %get3A_8 : vector<10000x128xf32>
    %get3A_9 = arith.constant 0 : index
    %get3A_10 = arith.constant 1 : index
    %get3A_11 = arith.constant 0 : index
    %get3A_12 = vector.load %arg1[%get3A_9, %get3A_10, %get3A_11] : memref<32x2x10240xf32, #tpu.memory_space<vmem>>, vector<32x1x10000xf32>
    %get3A_13 = vector.shape_cast %get3A_12 : vector<32x1x10000xf32> to vector<32x10000xf32>
    %reduce_sum3A = arith.constant dense<0.000000e+00> : vector<10000xf32>
    %reduce_sum3A_14 = vector.multi_reduction <add>, %get3A_13, %reduce_sum3A [0] : vector<32x10000xf32> to vector<10000xf32>
    %broadcast_in_dim3A = vector.shape_cast %reduce_sum3A_14 : vector<10000xf32> to vector<10000x1xf32>
    %max3A = arith.constant 1.000000e+00 : f32
    %max3A_15 = vector.broadcast %max3A : f32 to vector<10000x1xf32>
    %max3A_16 = arith.maximumf %broadcast_in_dim3A, %max3A_15 : vector<10000x1xf32>
    %div3A = vector.broadcast %max3A_16 : vector<10000x1xf32> to vector<10000x128xf32>
    %div3A_17 = arith.divf %add3A, %div3A : vector<10000x128xf32>
    %swap3A = arith.constant 0 : index
    %swap3A_18 = arith.constant 0 : index
    %swap3A_19 = vector.load %arg2[%swap3A, %swap3A_18] : memref<10000x128xf32, #tpu.memory_space<vmem>>, vector<10000x128xf32>
    tpu.vector_store %arg2[%swap3A, %swap3A_18], %div3A_17 {strides = array<i32>} : memref<10000x128xf32, #tpu.memory_space<vmem>>, vector<10000x128xf32>,
    return
  }
}

</mosaic_0001>

<sc_bundles>
// kernel: kernel.10.cloned.1.call-start
scs
__scs_entry_jumppad:
0x0: {  	(pc) =	sbr.rel $0x88, $3  }
0x1: {  	(tag) =	ssettag $0x0;
	lr =	simm.s32 $0x1  }
0x2: {  	[smem:$0x3F9A] =	sst lr;
	_ =	strace $0xD0000000  }
0x3: {  	_ = 	snop  }
0x4: {  	_ = 	snop  }
0x5: {  	_ = 	snop  }
0x6: {  	_ = 	snop  }
0x7: {  	_ = 	snop  }
__scs_overlays_trampoline_lowered:
0x8: {  	[smem:$0x3FA9] =	sst s0  }
0x9: {  	[smem:$0x3FAA] =	sst s1  }
0xa: {  	[smem:$0x3FAB] =	sst s2  }
0xb: {  	[smem:$0x3FAC] =	sst s3  }
0xc: {  	[smem:$0x3FAD] =	sst s4  }
0xd: {  	[smem:$0x3FAE] =	sst s5  }
0xe: {  	[smem:$0x3FAF] =	sst s6  }
0xf: {  	[smem:$0x3FB0] =	sst s7  }
0x10: {  	[smem:$0x3FB1] =	sst s8  }
0x11: {  	[smem:$0x3FB2] =	sst s9;
	s0 =	simm.s32 @!p0 $0x0  }
0x12: {  	s1 =	sld [smem:$0x3F98];
	s0 =	simm.s32 @p0 $0x1  }
0x13: {  	[smem:$0x3FB3] =	sst s0;
	s0 =	simm.s32 @!p1 $0x0  }
0x14: {  	s2 =	sld [smem:$0x3F97];
	s0 =	simm.s32 @p1 $0x1  }
0x15: {  	[smem:$0x3FB4] =	sst s0;
	s0 =	simm.s32 @!p2 $0x0  }
0x16: {  	s3 =	sld [smem:$0x3FDB];
	s0 =	simm.s32 @p2 $0x1  }
0x17: {  	s4 =	simm.s32 $0x1BF5;
	[smem:$0x3FB6] =	sst s0  }
0x18: {  	s0 =	sld [smem:$0x3F99];
	_ =	swait.ge [sflag:s4], $0x0  }
0x19: {  	s7 =	sld [smem:$0x3F9A]  }
0x1a: {  	s8 =	sadd.s32 $0xFFFFE003, lr  }
0x1b: {  	s9 =	sadd.s32 $0xFFFFFEF7, lr;
	s5 =	simm.s32 $0xFFFFFFFF;
	p2 =	slt.u32 s8, $0xFFFFF086  }
0x1c: {  	p1 =	slt.u32 s9, $0xF7A;
	s5 =	simm.s32 @!p2 $0x0  }
0x1d: {  	s5 =	simm.s32 @p1 $0x1;
	p0 =	seq.s32 s7, s2  }
0x1e: {  	s7 =	smul.u32 @!p0 $0xF7A, s2;
	p2 =	seq.s32 @!p0 s5, $0x0  }
0x1f: {  	s9 =	smul.u32 $0xF7A, s1;
	s8 =	simm.s32 @!p0 $0x1BF5;
	p2 =	por !p2, p0  }
0x20: {  	[sflag:s8] =	ssyncset.s32 @!p0 $0xFFFFF086;
	s6 =	sadd.s32 @!p0 s3, s7;
	s7 =	simm.s32 @!p0 $0x108  }
0x21: {  	s3 =	sadd.s32 s3, s9;
	s6 =	sadd.s32 @!p0 $0x88, s6;
	s7 =	simm.s32 @p2 $0x1082  }
0x22: {  	[simem:s7], [sflag:s8] =	dma.local @!p0 [hbm:s6], $0xF7A  }
0x23: {  	s9 =	sor.u32 $0xD0000000, s2;
	s6 =	simm.s32 $0x108;
	_ =	swait.ge @!p0 [sflag:s8], $0x0  }
0x24: {  	s3 =	sadd.s32 $0x88, s3;
	s6 =	simm.s32 @!p1 $0x1082;
	[sflag:s4] =	ssyncset.s32 $0xFFFFF086  }
0x25: {  	[simem:s6], [sflag:s4] =	dma.local [hbm:s3], $0xF7A  }
0x26: {  	[smem:$0x3F9A] =	sst s1;
	(tag) =	ssettag s2;
	_ =	strace s9  }
0x27: {  	s1 =	sld [smem:$0x3FAA]  }
0x28: {  	s2 =	sld [smem:$0x3FAB]  }
0x29: {  	s4 =	sld [smem:$0x3FAD]  }
0x2a: {  	p0 =	seq.s32 s5, $0x0;
	s5 =	sld [smem:$0x3FAE]  }
0x2b: {  	s6 =	sld [smem:$0x3FAF]  }
0x2c: {  	s7 =	sld [smem:$0x3FB0]  }
0x2d: {  	s3 =	simm.s32 $0x108;
	s8 =	sld [smem:$0x3FB1]  }
0x2e: {  	s3 =	simm.s32 @!p0 $0x1082;
	s9 =	sld [smem:$0x3FB2]  }
0x2f: {  	lr =	sadd.s32 s0, s3;
	s0 =	sld [smem:$0x3FA9]  }
0x30: {  	s3 =	sld [smem:$0x3FAC]  }
0x31: {  	[smem:$0x3FB5] =	sst s10  }
0x32: {  	s10 =	sld [smem:$0x3FB3];
	_ =	sdelay $0x3  }
0x33: {  	p0 =	seq.s32 s10, $0x1;
	s10 =	sld [smem:$0x3FB5];
	_ =	sdelay $0x3  }
0x34: {  	[smem:$0x3FB5] =	sst s10  }
0x35: {  	s10 =	sld [smem:$0x3FB4];
	_ =	sdelay $0x3  }
0x36: {  	p1 =	seq.s32 s10, $0x1;
	s10 =	sld [smem:$0x3FB5];
	_ =	sdelay $0x3  }
0x37: {  	[smem:$0x3FB5] =	sst s10  }
0x38: {  	s10 =	sld [smem:$0x3FB6]  }
0x39: {  	_ = 	snop;
	(pc) =	sbr.ind lr, $3  }
0x3a: {  	_ = 	snop  }
0x3b: {  	_ = 	snop  }
0x3c: {  	p2 =	seq.s32 s10, $0x1;
	s10 =	sld [smem:$0x3FB5]  }
0x3d: {  	_ =	shalt  }
0x3e: {  	_ =	shalt  }
0x3f: {  	_ =	shalt  }
0x40: {  	_ =	shalt  }
0x41: {  	_ =	shalt  }
0x42: {  	_ =	shalt  }
0x43: {  	_ =	shalt  }
0x44: {  	_ =	shalt  }
0x45: {  	_ =	shalt  }
0x46: {  	_ =	shalt  }
0x47: {  	_ =	shalt  }
0x48: {  	_ =	shalt  }
0x49: {  	_ =	shalt  }
0x4a: {  	_ =	shalt  }
0x4b: {  	_ =	shalt  }
0x4c: {  	_ =	shalt  }
0x4d: {  	_ =	shalt  }
0x4e: {  	_ =	shalt  }
0x4f: {  	_ =	shalt  }
0x50: {  	_ =	shalt  }
0x51: {  	_ =	shalt  }
0x52: {  	_ =	shalt  }
0x53: {  	_ =	shalt  }
0x54: {  	_ =	shalt  }
0x55: {  	_ =	shalt  }
0x56: {  	_ =	shalt  }
0x57: {  	_ =	shalt  }
0x58: {  	_ =	shalt  }
0x59: {  	_ =	shalt  }
0x5a: {  	_ =	shalt  }
0x5b: {  	_ =	shalt  }
0x5c: {  	_ =	shalt  }
0x5d: {  	_ =	shalt  }
0x5e: {  	_ =	shalt  }
0x5f: {  	_ =	shalt  }
0x60: {  	_ =	shalt  }
0x61: {  	_ =	shalt  }
0x62: {  	_ =	shalt  }
0x63: {  	_ =	shalt  }
0x64: {  	_ =	shalt  }
0x65: {  	_ =	shalt  }
0x66: {  	_ =	shalt  }
0x67: {  	_ =	shalt  }
0x68: {  	_ =	shalt  }
0x69: {  	_ =	shalt  }
0x6a: {  	_ =	shalt  }
0x6b: {  	_ =	shalt  }
0x6c: {  	_ =	shalt  }
0x6d: {  	_ =	shalt  }
0x6e: {  	_ =	shalt  }
0x6f: {  	_ =	shalt  }
0x70: {  	_ =	shalt  }
0x71: {  	_ =	shalt  }
0x72: {  	_ =	shalt  }
0x73: {  	_ =	shalt  }
0x74: {  	_ =	shalt  }
0x75: {  	_ =	shalt  }
0x76: {  	_ =	shalt  }
0x77: {  	_ =	shalt  }
0x78: {  	_ =	shalt  }
0x79: {  	_ =	shalt  }
0x7a: {  	_ =	shalt  }
0x7b: {  	_ =	shalt  }
0x7c: {  	_ =	shalt  }
0x7d: {  	_ =	shalt  }
0x7e: {  	_ =	shalt  }
0x7f: {  	_ =	shalt  }
0x80: {  	_ =	shalt  }
0x81: {  	_ =	shalt  }
0x82: {  	_ =	shalt  }
0x83: {  	_ =	shalt  }
0x84: {  	_ =	shalt  }
0x85: {  	_ =	shalt  }
0x86: {  	_ =	shalt  }
0x87: {  	_ =	shalt  }
.Lfunc_end0:
.L_simem_size_0:
called_computation_lowered:
.L_overlay_start_0:
0x88: {  	s2 =	sld [smem:$0x3FD9]  }
0x89: {  	s3 =	sld [smem:$0x3FFE];
	_ =	sdelay $0x1  }
0x8a: {  	s1 =	srdreg.scid  }
0x8b: {  	s0 =	sand.u32 $0x1, s1  }
0x8c: {  	s17 =	sshll.u32 s0, $0xA;
	s2 =	sadd.s32 s3, s2  }
0x8d: {  	s2 =	sadd.s32 s2, s17  }
0x8e: {  	[smem:$0x3FC1] =	sst s2  }
0x8f: {  	_ = 	snop  }
0x90: {  	s2 =	sld [smem:$0x3FD0];
	(tm) =	ssettm $0x1  }
0x91: {  	s18 =	sld [smem:$0x3FFB];
	_ =	sdelay $0x3  }
0x92: {  	_ =	strace s18  }
0x93: {  	s3 =	sld [smem:$0x3FFC];
	_ =	sdelay $0x3  }
0x94: {  	_ =	strace s3  }
0x95: {  	s3 =	sld [smem:$0x3FFD];
	_ =	sdelay $0x3  }
0x96: {  	_ =	strace s3  }
0x97: {  	_ =	strace $0x8FFFFFFF  }
0x98: {  	s19 =	sld [smem:$0x3FDB];
	_ =	sdelay $0x1  }
0x99: {  	s4 =	simm.s32 $_scs_section_size  }
0x9a: {  	s5 =	simm.s32 $_size__tile_overlayer_lowered;
	s6 =	simm.s32 $_tile_overlayer_lowered  }
0x9b: {  	s22 =	simm.s32 $0x1BFF;
	s21 =	sshll.u32 s6, $0x1;
	s3 =	sadd.s32 s4, s19  }
0x9c: {  	s7 =	simm.s32 $0x0;
	s20 =	sshll.u32 s5, $0x1;
	s5 =	sadd.s32 s21, s3  }
0x9d: {  	[timem:s7], [sflag:s22] =	dma.local [hbm:s5], s20  }
0x9e: {  	_ =	swait.ge [sflag:s22], s20  }
0x9f: {  	s4 =	ssub.s32 $0x0, s20;
	[sflag:s22] =	ssyncset.done $0x0  }
0xa0: {  	[sflag:s22] =	ssyncadd.s32 s4;
	_ =	sdelay $0x1  }
0xa1: {  	s23 =	simm.s32 $0x1B8B  }
0xa2: {  	_ =	swait.ge [sflag:s23], $0x1  }
0xa3: {  	[sflag:s23] =	ssyncset.done $0x0  }
0xa4: {  	s25 =	simm.s32 $0x1B8E;
	s24 =	sld [smem:$0x3FFE];
	[sflag:s23] =	ssyncadd.s32 $0xFFFFFFFF  }
0xa5: {  	s26 =	simm.s32 $execute0_lowered;
	[smem:$0x3FD2] =	sst s25  }
0xa6: {  	s5 =	sshll.u32 s26, $0x1;
	_ =	strace $0x80000046;
	[dreg:$0x1] =	wrdreg $0xFFFFFFFF  }
0xa7: {  	s28 =	simm.s32 $_size_execute0_lowered;
	s3 =	sadd.s32 s3, s5;
	[dreg:$0x0] =	wrdreg $0x0  }
0xa8: {  	s5 =	sshll.u32 s28, $0x1;
	[dreg:$0x2] =	wrdreg s3  }
0xa9: {  	[dreg:$0x3] =	wrdreg s5  }
0xaa: {  	[dreg:$0x4] =	wrdreg $0xC0  }
0xab: {  	_ =	task [dreg:s7], $0x5FFFF  }
0xac: {  	[dreg:$0x1] =	wrdreg $0xFFFFFFFF  }
0xad: {  	[dreg:$0x0] =	wrdreg $0x60  }
0xae: {  	[dreg:$0x2] =	wrdreg s24  }
0xaf: {  	[dreg:$0x3] =	wrdreg s2  }
0xb0: {  	[dreg:$0x4] =	wrdreg $0x9  }
0xb1: {  	_ =	task.clear_ibuf [dreg:s7], $0x5FFFF;
	_ =	strace $0x90000046  }
0xb2: {  	s29 =	simm.s32 $0x9;
	_ =	strace $0x80000048  }
0xb3: {  	_ =	swait.ge [sflag:s29], $0x1  }
0xb4: {  	[sflag:s29] =	ssyncadd.s32 $0xFFFFFFFF  }
0xb5: {  	_ =	strace $0x90000048  }
0xb6: {  	_ =	sfence  }
0xb7: {  	s30 =	sld [smem:$0x0];
	_ =	sdelay $0x2  }
0xb8: {  	s31 =	sshll.u32 s1, $0xD;
	s1 =	sshrl.u32 s1, $0x2  }
0xb9: {  	s3 =	sand.u32 $0x4000, s31;
	s1 =	sadd.s32 s1, s30  }
0xba: {  	s0 =	sor.u32 s3, s0;
	s1 =	sshll.u32 s1, $0x11  }
0xbb: {  	s0 =	sor.u32 s1, s0  }
0xbc: {  	s0 =	sadd.s32 $0x8F2B, s0  }
0xbd: {  	[sflag:s0] =	ssyncadd.remote.s32 $0x1  }
0xbe: {  	_ =	sfence.sel $0xFFFF  }
0xbf: {  	[dreg:$0x0] =	wrdreg $0xFFFFFFFF;
	(pc) =	sbr.abs _section_cstart, $3  }
0xc0: {  	[dreg:$0x1] =	wrdreg $0xFFFFFFFF  }
0xc1: {  	_ =	task.clear_ibuf [dreg:s7], $0x2FFFF;
	_ =	strace $0x9FFFFFFF  }
0xc2: {  	(tm) =	ssettm $0x7FFFFFFF  }
0xc3: {  	_ =	shalt  }
tec
execute0_lowered:
.L_overlay_start_1:
0x0: {  	(tag) =	ssettag $0x1  }
0x1: {  	s3 =	rddreg [dreg:$0x0]  }
0x2: {  	s4 =	rddreg [dreg:$0x1]  }
0x3: {  	s1 =	srdreg.scid;
	s0 =	rddreg [dreg:$0x2]  }
0x4: {  	s2 =	simm.s32 $0x0;
	s10 =	simm.s32 $0x2A00;
	s11 =	simm.s32 $0x5200  }
0x5: {  	s12 =	simm.s32 $0x80;
	s13 =	simm.s32 $0x100;
	s5 =	sand.u32 $0x1, s1  }
0x6: {  	s14 =	simm.s32 $0x0;
	s1 =	stileid.u32;
	s7 =	smul.u32 $0x50000, s5  }
0x7: {  	[smem:$0x7FF] =	sst s2;
	s6 =	sshll.u32 s5, $0x4;
	s8 =	smul.u32 $0x5000, s1  }
0x8: {  	_ =	strace $0x80000047;
	s5 =	ssub.s32 $0x2, s5;
	s6 =	sor.u32 s1, s6  }
0x9: {  	s30 =	sshrl.u32 s5, $0x1;
	s9 =	smul.u32 $0x500, s6;
	s7 =	sadd.s32 s8, s7  }
0xa: {  	s31 =	sshll.u32 s6, $0x6;
	s8 =	simm.s32 $0x1;
	s7 =	sshrl.u32 s7, $0x3  }
0xb: {  	s4 =	sadd.s32 s4, s31;
	s29 =	sadd.s32 s9, s3;
	s7 =	sadd.s32 s7, s3  }
0xc: {  	s9 =	ssub.s32 s5, s30;
	s3 =	sadd.s32 $0x3400, s29;
	s5 =	sadd.s32 $0x17400, s7  }
0xd: {  	v0 =	vimm.f32 $0.0e+00;
	v1 =	vimm.f32 $1.000000000e+00;
	s6 =	sadd.s32 $0x17410, s7;
	s7 =	smax.u32 s9, $0x1;
	s9 =	simm.s32 $0x2800  }
.LBB2_1:
0xe: {  	[tilespmem:s2], [sflag:$0x1] =	stream.linear.gather [hbm4b:s3+s2], $0x2800, $0x38;
	[tilespmem:$0x7A00] =	vst v63  }
0xf: {  	_ =	swait.ge [sflag:s8], $0x2800  }
0x10: {  	[sflag:s8] =	ssyncset.done $0x0  }
0x11: {  	[sflag:s8] =	ssyncadd.s32 $0xFFFFD800  }
0x12: {  	[tilespmem:s9], [sflag:$0x1] =	stream.linear.gather [hbm4b:s4+s2], $0x200, $0x38;
	[tilespmem:$0x7A00] =	vst v63  }
0x13: {  	_ =	swait.ge [sflag:s8], $0x200  }
0x14: {  	[sflag:s8] =	ssyncset.done $0x0  }
0x15: {  	s15 =	simm.s32 $0x0;
	[sflag:s8] =	ssyncadd.s32 $0xFFFFFE00  }
.LBB2_2:
0x16: {  	p0 =	sne.s32 s15, $0x9FC0  }
.Ltmp0:
0x17: {  	_ = 	snop;
	(pc) =	sbr.rel @p0 .LBB2_2-.Ltmp0, $4  }
0x18: {  	_ = 	snop  }
0x19: {  	s16 =	sshra.s32 s15, $0x2  }
0x1a: {  	[tilespmem:s16+$0x2A00] =	vst v0  }
0x1b: {  	s15 =	sadd.s32 $0x40, s15;
	[tilespmem:s16+$0x5200] =	vst v0  }
0x1c: {  	s15 =	simm.s32 $0x1C0  }
.LBB2_4:
0x1d: {  	s16 =	sshra.s32 s15, $0x2  }
0x1e: {  	v2 =	vld [tilespmem:s16+$0xFFFFFF90];
	_ =	sdelay $0x7  }
0x1f: {  	[tilespmem:v2+s10+$0x0] =	vst.idx.add.f32.msk $0xffff, v1  }
0x20: {  	v2 =	vld [tilespmem:s16+$0xFFFFFFA0];
	_ =	sdelay $0x7  }
0x21: {  	[tilespmem:v2+s10+$0x0] =	vst.idx.add.f32.msk $0xffff, v1  }
0x22: {  	v2 =	vld [tilespmem:s16+$0xFFFFFFB0];
	_ =	sdelay $0x7  }
0x23: {  	[tilespmem:v2+s10+$0x0] =	vst.idx.add.f32.msk $0xffff, v1  }
0x24: {  	v2 =	vld [tilespmem:s16+$0xFFFFFFC0];
	_ =	sdelay $0x7  }
0x25: {  	[tilespmem:v2+s10+$0x0] =	vst.idx.add.f32.msk $0xffff, v1  }
0x26: {  	v2 =	vld [tilespmem:s16+$0xFFFFFFD0];
	_ =	sdelay $0x7  }
0x27: {  	[tilespmem:v2+s10+$0x0] =	vst.idx.add.f32.msk $0xffff, v1  }
0x28: {  	v2 =	vld [tilespmem:s16+$0xFFFFFFE0];
	_ =	sdelay $0x7  }
0x29: {  	[tilespmem:v2+s10+$0x0] =	vst.idx.add.f32.msk $0xffff, v1  }
0x2a: {  	v2 =	vld [tilespmem:s16+$0xFFFFFFF0];
	_ =	sdelay $0x7  }
0x2b: {  	[tilespmem:v2+s10+$0x0] =	vst.idx.add.f32.msk $0xffff, v1  }
0x2c: {  	v2 =	vld [tilespmem:s16+$0x0];
	_ =	sdelay $0x2  }
0x2d: {  	p0 =	sne.s32 s15, $0x9FC0  }
.Ltmp1:
0x2e: {  	_ = 	snop;
	(pc) =	sbr.rel @p0 .LBB2_4-.Ltmp1, $2  }
0x2f: {  	_ =	sdelay $0x2  }
0x30: {  	s15 =	sadd.s32 $0x200, s15;
	[tilespmem:v2+s10+$0x0] =	vst.idx.add.f32.msk $0xffff, v1  }
0x31: {  	v2 =	vld [tilespmem:$0x2800];
	_ =	sdelay $0x7  }
0x32: {  	[tilespmem:v2+s11+$0x0] =	vst.idx.add.f32.msk $0xffff, v1  }
0x33: {  	v2 =	vld [tilespmem:$0x2810];
	_ =	sdelay $0x7  }
0x34: {  	[tilespmem:v2+s11+$0x0] =	vst.idx.add.f32.msk $0xffff, v1  }
0x35: {  	v2 =	vld [tilespmem:$0x2820];
	_ =	sdelay $0x7  }
0x36: {  	[tilespmem:v2+s11+$0x0] =	vst.idx.add.f32.msk $0xffff, v1  }
0x37: {  	v2 =	vld [tilespmem:$0x2830];
	_ =	sdelay $0x7  }
0x38: {  	[tilespmem:v2+s11+$0x0] =	vst.idx.add.f32.msk $0xffff, v1  }
0x39: {  	v2 =	vld [tilespmem:$0x2840];
	_ =	sdelay $0x7  }
0x3a: {  	[tilespmem:v2+s11+$0x0] =	vst.idx.add.f32.msk $0xffff, v1  }
0x3b: {  	v2 =	vld [tilespmem:$0x2850];
	_ =	sdelay $0x7  }
0x3c: {  	[tilespmem:v2+s11+$0x0] =	vst.idx.add.f32.msk $0xffff, v1  }
0x3d: {  	v2 =	vld [tilespmem:$0x2860];
	_ =	sdelay $0x7  }
0x3e: {  	[tilespmem:v2+s11+$0x0] =	vst.idx.add.f32.msk $0xffff, v1  }
0x3f: {  	v2 =	vld [tilespmem:$0x2870];
	_ =	sdelay $0x7  }
0x40: {  	[tilespmem:v2+s11+$0x0] =	vst.idx.add.f32.msk $0xffff, v1  }
0x41: {  	v2 =	vld [tilespmem:$0x2880];
	_ =	sdelay $0x7  }
0x42: {  	[tilespmem:v2+s11+$0x0] =	vst.idx.add.f32.msk $0xffff, v1  }
0x43: {  	v2 =	vld [tilespmem:$0x2890];
	_ =	sdelay $0x7  }
0x44: {  	[tilespmem:v2+s11+$0x0] =	vst.idx.add.f32.msk $0xffff, v1  }
0x45: {  	v2 =	vld [tilespmem:$0x28A0];
	_ =	sdelay $0x7  }
0x46: {  	[tilespmem:v2+s11+$0x0] =	vst.idx.add.f32.msk $0xffff, v1  }
0x47: {  	v2 =	vld [tilespmem:$0x28B0];
	_ =	sdelay $0x7  }
0x48: {  	[tilespmem:v2+s11+$0x0] =	vst.idx.add.f32.msk $0xffff, v1  }
0x49: {  	v2 =	vld [tilespmem:$0x28C0];
	_ =	sdelay $0x7  }
0x4a: {  	[tilespmem:v2+s11+$0x0] =	vst.idx.add.f32.msk $0xffff, v1  }
0x4b: {  	v2 =	vld [tilespmem:$0x28D0];
	_ =	sdelay $0x7  }
0x4c: {  	[tilespmem:v2+s11+$0x0] =	vst.idx.add.f32.msk $0xffff, v1  }
0x4d: {  	v2 =	vld [tilespmem:$0x28E0];
	_ =	sdelay $0x7  }
0x4e: {  	[tilespmem:v2+s11+$0x0] =	vst.idx.add.f32.msk $0xffff, v1  }
0x4f: {  	v2 =	vld [tilespmem:$0x28F0];
	_ =	sdelay $0x7  }
0x50: {  	[tilespmem:v2+s11+$0x0] =	vst.idx.add.f32.msk $0xffff, v1  }
0x51: {  	v2 =	vld [tilespmem:$0x2900];
	_ =	sdelay $0x7  }
0x52: {  	[tilespmem:v2+s11+$0x0] =	vst.idx.add.f32.msk $0xffff, v1  }
0x53: {  	v2 =	vld [tilespmem:$0x2910];
	_ =	sdelay $0x7  }
0x54: {  	[tilespmem:v2+s11+$0x0] =	vst.idx.add.f32.msk $0xffff, v1  }
0x55: {  	v2 =	vld [tilespmem:$0x2920];
	_ =	sdelay $0x7  }
0x56: {  	[tilespmem:v2+s11+$0x0] =	vst.idx.add.f32.msk $0xffff, v1  }
0x57: {  	v2 =	vld [tilespmem:$0x2930];
	_ =	sdelay $0x7  }
0x58: {  	[tilespmem:v2+s11+$0x0] =	vst.idx.add.f32.msk $0xffff, v1  }
0x59: {  	v2 =	vld [tilespmem:$0x2940];
	_ =	sdelay $0x7  }
0x5a: {  	[tilespmem:v2+s11+$0x0] =	vst.idx.add.f32.msk $0xffff, v1  }
0x5b: {  	v2 =	vld [tilespmem:$0x2950];
	_ =	sdelay $0x7  }
0x5c: {  	[tilespmem:v2+s11+$0x0] =	vst.idx.add.f32.msk $0xffff, v1  }
0x5d: {  	v2 =	vld [tilespmem:$0x2960];
	_ =	sdelay $0x7  }
0x5e: {  	[tilespmem:v2+s11+$0x0] =	vst.idx.add.f32.msk $0xffff, v1  }
0x5f: {  	v2 =	vld [tilespmem:$0x2970];
	_ =	sdelay $0x7  }
0x60: {  	[tilespmem:v2+s11+$0x0] =	vst.idx.add.f32.msk $0xffff, v1  }
0x61: {  	v2 =	vld [tilespmem:$0x2980];
	_ =	sdelay $0x7  }
0x62: {  	[tilespmem:v2+s11+$0x0] =	vst.idx.add.f32.msk $0xffff, v1  }
0x63: {  	v2 =	vld [tilespmem:$0x2990];
	_ =	sdelay $0x7  }
0x64: {  	[tilespmem:v2+s11+$0x0] =	vst.idx.add.f32.msk $0xffff, v1  }
0x65: {  	v2 =	vld [tilespmem:$0x29A0];
	_ =	sdelay $0x7  }
0x66: {  	[tilespmem:v2+s11+$0x0] =	vst.idx.add.f32.msk $0xffff, v1  }
0x67: {  	v2 =	vld [tilespmem:$0x29B0];
	_ =	sdelay $0x7  }
0x68: {  	[tilespmem:v2+s11+$0x0] =	vst.idx.add.f32.msk $0xffff, v1  }
0x69: {  	v2 =	vld [tilespmem:$0x29C0];
	_ =	sdelay $0x7  }
0x6a: {  	[tilespmem:v2+s11+$0x0] =	vst.idx.add.f32.msk $0xffff, v1  }
0x6b: {  	v2 =	vld [tilespmem:$0x29D0];
	_ =	sdelay $0x7  }
0x6c: {  	[tilespmem:v2+s11+$0x0] =	vst.idx.add.f32.msk $0xffff, v1  }
0x6d: {  	v2 =	vld [tilespmem:$0x29E0];
	_ =	sdelay $0x7  }
0x6e: {  	[tilespmem:v2+s11+$0x0] =	vst.idx.add.f32.msk $0xffff, v1  }
0x6f: {  	v2 =	vld [tilespmem:$0x29F0];
	_ =	sdelay $0x7  }
0x70: {  	[tilespmem:v2+s11+$0x0] =	vst.idx.add.f32.msk $0xffff, v1  }
0x71: {  	[hbm4b:s5+s12] =	stream.strided.scatter [tilespmem:s10], [sflag:$0x1], $0x2800, s13, s12, $0x38;
	[tilespmem:$0x7A00] =	vst v63  }
0x72: {  	s14 =	sadd.s32 $0x1, s14;
	_ =	swait.ge [sflag:s8], $0x2800  }
0x73: {  	p0 =	sne.s32 s14, s7;
	[sflag:s8] =	ssyncset.done $0x0  }
.Ltmp2:
0x74: {  	[sflag:s8] =	ssyncadd.s32 $0xFFFFD800;
	(pc) =	sbr.rel @p0 .LBB2_1-.Ltmp2, $4  }
0x75: {  	[hbm4b:s6+s12] =	stream.strided.scatter [tilespmem:s11], [sflag:$0x1], $0x2800, s13, s12, $0x38;
	[tilespmem:$0x7A00] =	vst v63  }
0x76: {  	_ =	swait.ge [sflag:s8], $0x2800  }
0x77: {  	[sflag:s8] =	ssyncset.done $0x0  }
0x78: {  	[sflag:s8] =	ssyncadd.s32 $0xFFFFD800  }
0x79: {  	_ =	sfence.sel $0x180000  }
0x7a: {  	[bflag:$0x0] =	sbarrier.arrive $0xFFFF  }
0x7b: {  	p0 =	sne.s32 s1, $0x0;
	_ =	strace $0x90000047  }
0x7c: {  	s0 =	sadd.s32 @!p0 $0x100000, s0;
	[bflag:$0x2] =	sbarrier.arrive $0xFFFF  }
0x7d: {  	[sflag:s0] =	ssyncadd.tile.s32 @!p0 $0x1;
	_ =	shalt  }
.Lfunc_end2:
_tile_overlayer_lowered:
.L_overlay_start_2:
0x7e: {  	(tag) =	ssettag $0x2  }
0x7f: {  	s0 =	rddreg [dreg:$0x0];
	s2 =	stileid.u32  }
0x80: {  	s1 =	rddreg [dreg:$0x1];
	p0 =	sne.s32 s2, $0x0  }
0x81: {  	s3 =	rddreg [dreg:$0x2];
	[bflag:$0x3] =	sbarrier.arrive $0xFFFF;
	s2 =	simm.s32 @!p0 $0x1C01  }
0x82: {  	[timem:s3], [sflag:s2] =	dma.local @!p0 [hbm:s0], s1  }
0x83: {  	s0 =	simm.s32 @!p0 $0x1  }
0x84: {  	_ =	swait.ge @!p0 [sflag:s0], s1  }
0x85: {  	s1 =	ssub.s32 @!p0 $0x0, s1;
	[sflag:s0] =	ssyncset.done @!p0 $0x0  }
0x86: {  	[sflag:s0] =	ssyncadd.s32 @!p0 s1  }
0x87: {  	[bflag:$0x3] =	sbarrier.arrive $0xFFFF  }
0x88: {  	_ =	shalt  }

// kernel: kernel.13.cloned.1.call-start
scs
__scs_entry_jumppad:
0x0: {  	(pc) =	sbr.rel $0x88, $3  }
0x1: {  	(tag) =	ssettag $0x0;
	lr =	simm.s32 $0x1  }
0x2: {  	[smem:$0x3F9A] =	sst lr;
	_ =	strace $0xD0000000  }
0x3: {  	_ = 	snop  }
0x4: {  	_ = 	snop  }
0x5: {  	_ = 	snop  }
0x6: {  	_ = 	snop  }
0x7: {  	_ = 	snop  }
__scs_overlays_trampoline_lowered:
0x8: {  	[smem:$0x3FA9] =	sst s0  }
0x9: {  	[smem:$0x3FAA] =	sst s1  }
0xa: {  	[smem:$0x3FAB] =	sst s2  }
0xb: {  	[smem:$0x3FAC] =	sst s3  }
0xc: {  	[smem:$0x3FAD] =	sst s4  }
0xd: {  	[smem:$0x3FAE] =	sst s5  }
0xe: {  	[smem:$0x3FAF] =	sst s6  }
0xf: {  	[smem:$0x3FB0] =	sst s7  }
0x10: {  	[smem:$0x3FB1] =	sst s8  }
0x11: {  	[smem:$0x3FB2] =	sst s9;
	s0 =	simm.s32 @!p0 $0x0  }
0x12: {  	s1 =	sld [smem:$0x3F98];
	s0 =	simm.s32 @p0 $0x1  }
0x13: {  	[smem:$0x3FB3] =	sst s0;
	s0 =	simm.s32 @!p1 $0x0  }
0x14: {  	s2 =	sld [smem:$0x3F97];
	s0 =	simm.s32 @p1 $0x1  }
0x15: {  	[smem:$0x3FB4] =	sst s0;
	s0 =	simm.s32 @!p2 $0x0  }
0x16: {  	s3 =	sld [smem:$0x3FDB];
	s0 =	simm.s32 @p2 $0x1  }
0x17: {  	s4 =	simm.s32 $0x1BF5;
	[smem:$0x3FB6] =	sst s0  }
0x18: {  	s0 =	sld [smem:$0x3F99];
	_ =	swait.ge [sflag:s4], $0x0  }
0x19: {  	s7 =	sld [smem:$0x3F9A]  }
0x1a: {  	s8 =	sadd.s32 $0xFFFFE003, lr  }
0x1b: {  	s9 =	sadd.s32 $0xFFFFFEF7, lr;
	s5 =	simm.s32 $0xFFFFFFFF;
	p2 =	slt.u32 s8, $0xFFFFF086  }
0x1c: {  	p1 =	slt.u32 s9, $0xF7A;
	s5 =	simm.s32 @!p2 $0x0  }
0x1d: {  	s5 =	simm.s32 @p1 $0x1;
	p0 =	seq.s32 s7, s2  }
0x1e: {  	s7 =	smul.u32 @!p0 $0xF7A, s2;
	p2 =	seq.s32 @!p0 s5, $0x0  }
0x1f: {  	s9 =	smul.u32 $0xF7A, s1;
	s8 =	simm.s32 @!p0 $0x1BF5;
	p2 =	por !p2, p0  }
0x20: {  	[sflag:s8] =	ssyncset.s32 @!p0 $0xFFFFF086;
	s6 =	sadd.s32 @!p0 s3, s7;
	s7 =	simm.s32 @!p0 $0x108  }
0x21: {  	s3 =	sadd.s32 s3, s9;
	s6 =	sadd.s32 @!p0 $0x88, s6;
	s7 =	simm.s32 @p2 $0x1082  }
0x22: {  	[simem:s7], [sflag:s8] =	dma.local @!p0 [hbm:s6], $0xF7A  }
0x23: {  	s9 =	sor.u32 $0xD0000000, s2;
	s6 =	simm.s32 $0x108;
	_ =	swait.ge @!p0 [sflag:s8], $0x0  }
0x24: {  	s3 =	sadd.s32 $0x88, s3;
	s6 =	simm.s32 @!p1 $0x1082;
	[sflag:s4] =	ssyncset.s32 $0xFFFFF086  }
0x25: {  	[simem:s6], [sflag:s4] =	dma.local [hbm:s3], $0xF7A  }
0x26: {  	[smem:$0x3F9A] =	sst s1;
	(tag) =	ssettag s2;
	_ =	strace s9  }
0x27: {  	s1 =	sld [smem:$0x3FAA]  }
0x28: {  	s2 =	sld [smem:$0x3FAB]  }
0x29: {  	s4 =	sld [smem:$0x3FAD]  }
0x2a: {  	p0 =	seq.s32 s5, $0x0;
	s5 =	sld [smem:$0x3FAE]  }
0x2b: {  	s6 =	sld [smem:$0x3FAF]  }
0x2c: {  	s7 =	sld [smem:$0x3FB0]  }
0x2d: {  	s3 =	simm.s32 $0x108;
	s8 =	sld [smem:$0x3FB1]  }
0x2e: {  	s3 =	simm.s32 @!p0 $0x1082;
	s9 =	sld [smem:$0x3FB2]  }
0x2f: {  	lr =	sadd.s32 s0, s3;
	s0 =	sld [smem:$0x3FA9]  }
0x30: {  	s3 =	sld [smem:$0x3FAC]  }
0x31: {  	[smem:$0x3FB5] =	sst s10  }
0x32: {  	s10 =	sld [smem:$0x3FB3];
	_ =	sdelay $0x3  }
0x33: {  	p0 =	seq.s32 s10, $0x1;
	s10 =	sld [smem:$0x3FB5];
	_ =	sdelay $0x3  }
0x34: {  	[smem:$0x3FB5] =	sst s10  }
0x35: {  	s10 =	sld [smem:$0x3FB4];
	_ =	sdelay $0x3  }
0x36: {  	p1 =	seq.s32 s10, $0x1;
	s10 =	sld [smem:$0x3FB5];
	_ =	sdelay $0x3  }
0x37: {  	[smem:$0x3FB5] =	sst s10  }
0x38: {  	s10 =	sld [smem:$0x3FB6]  }
0x39: {  	_ = 	snop;
	(pc) =	sbr.ind lr, $3  }
0x3a: {  	_ = 	snop  }
0x3b: {  	_ = 	snop  }
0x3c: {  	p2 =	seq.s32 s10, $0x1;
	s10 =	sld [smem:$0x3FB5]  }
0x3d: {  	_ =	shalt  }
0x3e: {  	_ =	shalt  }
0x3f: {  	_ =	shalt  }
0x40: {  	_ =	shalt  }
0x41: {  	_ =	shalt  }
0x42: {  	_ =	shalt  }
0x43: {  	_ =	shalt  }
0x44: {  	_ =	shalt  }
0x45: {  	_ =	shalt  }
0x46: {  	_ =	shalt  }
0x47: {  	_ =	shalt  }
0x48: {  	_ =	shalt  }
0x49: {  	_ =	shalt  }
0x4a: {  	_ =	shalt  }
0x4b: {  	_ =	shalt  }
0x4c: {  	_ =	shalt  }
0x4d: {  	_ =	shalt  }
0x4e: {  	_ =	shalt  }
0x4f: {  	_ =	shalt  }
0x50: {  	_ =	shalt  }
0x51: {  	_ =	shalt  }
0x52: {  	_ =	shalt  }
0x53: {  	_ =	shalt  }
0x54: {  	_ =	shalt  }
0x55: {  	_ =	shalt  }
0x56: {  	_ =	shalt  }
0x57: {  	_ =	shalt  }
0x58: {  	_ =	shalt  }
0x59: {  	_ =	shalt  }
0x5a: {  	_ =	shalt  }
0x5b: {  	_ =	shalt  }
0x5c: {  	_ =	shalt  }
0x5d: {  	_ =	shalt  }
0x5e: {  	_ =	shalt  }
0x5f: {  	_ =	shalt  }
0x60: {  	_ =	shalt  }
0x61: {  	_ =	shalt  }
0x62: {  	_ =	shalt  }
0x63: {  	_ =	shalt  }
0x64: {  	_ =	shalt  }
0x65: {  	_ =	shalt  }
0x66: {  	_ =	shalt  }
0x67: {  	_ =	shalt  }
0x68: {  	_ =	shalt  }
0x69: {  	_ =	shalt  }
0x6a: {  	_ =	shalt  }
0x6b: {  	_ =	shalt  }
0x6c: {  	_ =	shalt  }
0x6d: {  	_ =	shalt  }
0x6e: {  	_ =	shalt  }
0x6f: {  	_ =	shalt  }
0x70: {  	_ =	shalt  }
0x71: {  	_ =	shalt  }
0x72: {  	_ =	shalt  }
0x73: {  	_ =	shalt  }
0x74: {  	_ =	shalt  }
0x75: {  	_ =	shalt  }
0x76: {  	_ =	shalt  }
0x77: {  	_ =	shalt  }
0x78: {  	_ =	shalt  }
0x79: {  	_ =	shalt  }
0x7a: {  	_ =	shalt  }
0x7b: {  	_ =	shalt  }
0x7c: {  	_ =	shalt  }
0x7d: {  	_ =	shalt  }
0x7e: {  	_ =	shalt  }
0x7f: {  	_ =	shalt  }
0x80: {  	_ =	shalt  }
0x81: {  	_ =	shalt  }
0x82: {  	_ =	shalt  }
0x83: {  	_ =	shalt  }
0x84: {  	_ =	shalt  }
0x85: {  	_ =	shalt  }
0x86: {  	_ =	shalt  }
0x87: {  	_ =	shalt  }
.Lfunc_end0:
.L_simem_size_0:
called_computation.1_lowered:
.L_overlay_start_0:
0x88: {  	s2 =	sld [smem:$0x3FD9]  }
0x89: {  	s3 =	sld [smem:$0x3FFE];
	_ =	sdelay $0x1  }
0x8a: {  	s1 =	srdreg.scid  }
0x8b: {  	s0 =	sand.u32 $0x1, s1  }
0x8c: {  	s17 =	sshll.u32 s0, $0xA;
	s2 =	sadd.s32 s3, s2  }
0x8d: {  	s2 =	sadd.s32 s2, s17  }
0x8e: {  	[smem:$0x3FC1] =	sst s2  }
0x8f: {  	_ = 	snop  }
0x90: {  	s2 =	sld [smem:$0x3FD0];
	(tm) =	ssettm $0x1  }
0x91: {  	s18 =	sld [smem:$0x3FFB];
	_ =	sdelay $0x3  }
0x92: {  	_ =	strace s18  }
0x93: {  	s3 =	sld [smem:$0x3FFC];
	_ =	sdelay $0x3  }
0x94: {  	_ =	strace s3  }
0x95: {  	s3 =	sld [smem:$0x3FFD];
	_ =	sdelay $0x3  }
0x96: {  	_ =	strace s3  }
0x97: {  	_ =	strace $0x8FFFFFFF  }
0x98: {  	s19 =	sld [smem:$0x3FDB];
	_ =	sdelay $0x1  }
0x99: {  	s4 =	simm.s32 $_scs_section_size  }
0x9a: {  	s5 =	simm.s32 $_size__tile_overlayer_lowered;
	s6 =	simm.s32 $_tile_overlayer_lowered  }
0x9b: {  	s22 =	simm.s32 $0x1BFF;
	s21 =	sshll.u32 s6, $0x1;
	s3 =	sadd.s32 s4, s19  }
0x9c: {  	s7 =	simm.s32 $0x0;
	s20 =	sshll.u32 s5, $0x1;
	s5 =	sadd.s32 s21, s3  }
0x9d: {  	[timem:s7], [sflag:s22] =	dma.local [hbm:s5], s20  }
0x9e: {  	_ =	swait.ge [sflag:s22], s20  }
0x9f: {  	s4 =	ssub.s32 $0x0, s20;
	[sflag:s22] =	ssyncset.done $0x0  }
0xa0: {  	[sflag:s22] =	ssyncadd.s32 s4;
	_ =	sdelay $0x1  }
0xa1: {  	s23 =	simm.s32 $0x1B8B  }
0xa2: {  	_ =	swait.ge [sflag:s23], $0x1  }
0xa3: {  	[sflag:s23] =	ssyncset.done $0x0  }
0xa4: {  	s25 =	simm.s32 $0x1B8E;
	s24 =	sld [smem:$0x3FFE];
	[sflag:s23] =	ssyncadd.s32 $0xFFFFFFFF  }
0xa5: {  	s26 =	simm.s32 $execute0_lowered;
	[smem:$0x3FD2] =	sst s25  }
0xa6: {  	s5 =	sshll.u32 s26, $0x1;
	_ =	strace $0x80000049;
	[dreg:$0x1] =	wrdreg $0xFFFFFFFF  }
0xa7: {  	s28 =	simm.s32 $_size_execute0_lowered;
	s3 =	sadd.s32 s3, s5;
	[dreg:$0x0] =	wrdreg $0x0  }
0xa8: {  	s5 =	sshll.u32 s28, $0x1;
	[dreg:$0x2] =	wrdreg s3  }
0xa9: {  	[dreg:$0x3] =	wrdreg s5  }
0xaa: {  	[dreg:$0x4] =	wrdreg $0xC0  }
0xab: {  	_ =	task [dreg:s7], $0x5FFFF  }
0xac: {  	[dreg:$0x1] =	wrdreg $0xFFFFFFFF  }
0xad: {  	[dreg:$0x0] =	wrdreg $0x60  }
0xae: {  	[dreg:$0x2] =	wrdreg s2  }
0xaf: {  	[dreg:$0x3] =	wrdreg s24  }
0xb0: {  	[dreg:$0x4] =	wrdreg $0xA8000  }
0xb1: {  	[dreg:$0x5] =	wrdreg $0x9  }
0xb2: {  	_ =	task.clear_ibuf [dreg:s7], $0x6FFFF;
	_ =	strace $0x90000049  }
0xb3: {  	s29 =	simm.s32 $0x9;
	_ =	strace $0x8000004B  }
0xb4: {  	_ =	swait.ge [sflag:s29], $0x1  }
0xb5: {  	[sflag:s29] =	ssyncadd.s32 $0xFFFFFFFF  }
0xb6: {  	_ =	strace $0x9000004B  }
0xb7: {  	_ =	sfence  }
0xb8: {  	s30 =	sld [smem:$0x0];
	_ =	sdelay $0x2  }
0xb9: {  	s31 =	sshll.u32 s1, $0xD;
	s1 =	sshrl.u32 s1, $0x2  }
0xba: {  	s3 =	sand.u32 $0x4000, s31;
	s1 =	sadd.s32 s1, s30  }
0xbb: {  	s0 =	sor.u32 s3, s0;
	s1 =	sshll.u32 s1, $0x11  }
0xbc: {  	s0 =	sor.u32 s1, s0  }
0xbd: {  	s0 =	sadd.s32 $0x8F2B, s0  }
0xbe: {  	[sflag:s0] =	ssyncadd.remote.s32 $0x1  }
0xbf: {  	_ =	sfence.sel $0xFFFF  }
0xc0: {  	[dreg:$0x0] =	wrdreg $0xFFFFFFFF;
	(pc) =	sbr.abs _section_cstart, $3  }
0xc1: {  	[dreg:$0x1] =	wrdreg $0xFFFFFFFF  }
0xc2: {  	_ =	task.clear_ibuf [dreg:s7], $0x2FFFF;
	_ =	strace $0x9FFFFFFF  }
0xc3: {  	(tm) =	ssettm $0x7FFFFFFF  }
tec
execute0_lowered:
.L_overlay_start_1:
0x0: {  	(tag) =	ssettag $0x1  }
0x1: {  	s1 =	rddreg [dreg:$0x0]  }
0x2: {  	s5 =	rddreg [dreg:$0x1]  }
0x3: {  	s2 =	rddreg [dreg:$0x2]  }
0x4: {  	s0 =	rddreg [dreg:$0x3];
	s4 =	simm.s32 $0x0;
	s3 =	srdreg.scid  }
0x5: {  	s16 =	simm.s32 $0x2800;
	s17 =	simm.s32 $0x3;
	s18 =	simm.s32 $0x1400  }
0x6: {  	s19 =	simm.s32 $0x80;
	s20 =	simm.s32 $0x6800;
	s21 =	simm.s32 $0x1  }
0x7: {  	s22 =	simm.s32 $0x2;
	s23 =	simm.s32 $0x1380;
	s24 =	simm.s32 $0x2700  }
0x8: {  	s25 =	simm.s32 $0x2780;
	[smem:$0x7FF] =	sst s4;
	s6 =	sand.u32 $0x1, s3  }
0x9: {  	s3 =	stileid.u32;
	s9 =	sadd.s32 $0xD400, s5;
	s7 =	smul.u32 $0x140000, s6  }
0xa: {  	s10 =	sadd.s32 $0x3400, s5;
	s8 =	smul.u32 $0x14000, s3;
	s11 =	sshll.u32 s6, $0x4  }
0xb: {  	s28 =	smul.u32 $0x50000, s3;
	s6 =	ssub.s32 $0x2, s6;
	s26 =	sor.u32 s3, s11  }
0xc: {  	s29 =	sshrl.u32 s6, $0x1;
	s7 =	sadd.s32 s8, s7;
	s8 =	smul.u32 $0x2800, s26  }
0xd: {  	_ =	strace $0x8000004A;
	s30 =	sshrl.u32 s28, $0x2;
	s31 =	ssub.s32 s6, s29  }
0xe: {  	s7 =	sshrl.u32 s7, $0x3;
	s11 =	smax.u32 s31, $0x1;
	s8 =	sshrl.u32 s8, $0x3  }
0xf: {  	s12 =	sadd.s32 s7, s5;
	s5 =	sadd.s32 s30, s2;
	s6 =	sadd.s32 s9, s8  }
0x10: {  	s7 =	sadd.s32 s10, s8;
	s13 =	sadd.s32 $0x280, s8;
	s14 =	sadd.s32 $0xC000, s5  }
0x11: {  	s15 =	sadd.s32 $0x10000, s5;
	s8 =	sadd.s32 s9, s13;
	s9 =	sadd.s32 s10, s13  }
0x12: {  	v0 =	vimm.f32 $0.0e+00;
	s10 =	sadd.s32 $0x2B400, s12;
	s12 =	sadd.s32 $0x4000, s5;
	s13 =	sadd.s32 $0x8000, s5  }
.LBB2_1:
0x13: {  	s26 =	simm.s32 $0x0;
	s28 =	simm.s32 $0x200  }
.LBB2_2:
0x14: {  	p0 =	sne.s32 s28, $0xFE00;
	[tilespmem:s26+$0x2870] =	vst v0  }
0x15: {  	[tilespmem:s26+$0x2800] =	vst v0  }
0x16: {  	[tilespmem:s26+$0x2810] =	vst v0  }
.Ltmp0:
0x17: {  	[tilespmem:s26+$0x2820] =	vst v0;
	(pc) =	sbr.rel @p0 .LBB2_2-.Ltmp0, $4  }
0x18: {  	[tilespmem:s26+$0x2830] =	vst v0  }
0x19: {  	[tilespmem:s26+$0x2840] =	vst v0  }
0x1a: {  	[tilespmem:s26+$0x2850] =	vst v0  }
0x1b: {  	[tilespmem:s26+$0x2860] =	vst v0;
	s26 =	sshra.s32 s28, $0x2;
	s28 =	sadd.s32 $0x200, s28  }
0x1c: {  	[tilespmem:s26+$0x2870] =	vst v0  }
0x1d: {  	[tilespmem:s26+$0x2800] =	vst v0  }
0x1e: {  	[tilespmem:s26+$0x2810] =	vst v0  }
0x1f: {  	[tilespmem:s26+$0x2820] =	vst v0  }
0x20: {  	[tilespmem:s26+$0x2830] =	vst v0  }
0x21: {  	[tilespmem:s26+$0x2840] =	vst v0  }
0x22: {  	[tilespmem:s26+$0x2850] =	vst v0  }
0x23: {  	[tilespmem:s26+$0x2860] =	vst v0  }
0x24: {  	[spmem:s5] =	stream.linear.scatter [tilespmem:s16], [sflag:$0x3], $0x4000, $0x38;
	[tilespmem:$0x1E800] =	vst v63  }
0x25: {  	_ =	swait.ge [sflag:s17], $0x4000  }
0x26: {  	[sflag:s17] =	ssyncset.done $0x0  }
0x27: {  	[sflag:s17] =	ssyncadd.s32 $0xFFFFC000  }
0x28: {  	[spmem:s12] =	stream.linear.scatter [tilespmem:s16], [sflag:$0x3], $0x4000, $0x38;
	[tilespmem:$0x1E800] =	vst v63  }
0x29: {  	_ =	swait.ge [sflag:s17], $0x4000  }
0x2a: {  	[sflag:s17] =	ssyncset.done $0x0  }
0x2b: {  	[sflag:s17] =	ssyncadd.s32 $0xFFFFC000  }
0x2c: {  	[spmem:s13] =	stream.linear.scatter [tilespmem:s16], [sflag:$0x3], $0x4000, $0x38;
	[tilespmem:$0x1E800] =	vst v63  }
0x2d: {  	_ =	swait.ge [sflag:s17], $0x4000  }
0x2e: {  	[sflag:s17] =	ssyncset.done $0x0  }
0x2f: {  	[sflag:s17] =	ssyncadd.s32 $0xFFFFC000  }
0x30: {  	[spmem:s14] =	stream.linear.scatter [tilespmem:s16], [sflag:$0x3], $0x4000, $0x38;
	[tilespmem:$0x1E800] =	vst v63  }
0x31: {  	_ =	swait.ge [sflag:s17], $0x4000  }
0x32: {  	[sflag:s17] =	ssyncset.done $0x0  }
0x33: {  	[sflag:s17] =	ssyncadd.s32 $0xFFFFC000  }
0x34: {  	[spmem:s15] =	stream.linear.scatter [tilespmem:s16], [sflag:$0x3], $0x4000, $0x38;
	[tilespmem:$0x1E800] =	vst v63  }
0x35: {  	_ =	swait.ge [sflag:s17], $0x4000  }
0x36: {  	[sflag:s17] =	ssyncset.done $0x0  }
0x37: {  	[sflag:s17] =	ssyncadd.s32 $0xFFFFC000  }
0x38: {  	s30 =	simm.s32 $0x0;
	[bflag:$0x0] =	sbarrier.arrive $0xFFFF  }
0x39: {  	[tilespmem:s30], [sflag:$0x3] =	stream.linear.gather [hbm4b:s6+s30], $0x1400, $0x38;
	[tilespmem:$0x1E800] =	vst v63  }
0x3a: {  	_ =	swait.ge [sflag:s17], $0x1400  }
0x3b: {  	[sflag:s17] =	ssyncset.done $0x0  }
0x3c: {  	[sflag:s17] =	ssyncadd.s32 $0xFFFFEC00  }
0x3d: {  	[tilespmem:s18], [sflag:$0x3] =	stream.linear.gather [hbm4b:s7+s30], $0x1400, $0x38;
	[tilespmem:$0x1E800] =	vst v63  }
0x3e: {  	_ =	swait.ge [sflag:s17], $0x1400  }
0x3f: {  	[sflag:s17] =	ssyncset.done $0x0  }
0x40: {  	[sflag:s17] =	ssyncadd.s32 $0xFFFFEC00  }
0x41: {  	[tilespmem:s16], [sflag:$0x1] =	stream.indirect.gather [hbm4b:s1+s19], $0x80, s30, s19, $0xb8;
	[tilespmem:$0x1E800] =	vst v63  }
0x42: {  	s31 =	simm.s32 $0x80  }
0x43: {  	[tilespmem:s20], [sflag:$0x2] =	stream.indirect.gather [hbm4b:s1+s19], $0x80, s31, s19, $0xb8;
	[tilespmem:$0x1E800] =	vst v63  }
0x44: {  	_ =	swait.ge [sflag:s21], $0x4000  }
0x45: {  	[sflag:s21] =	ssyncset.done $0x0  }
0x46: {  	s29 =	simm.s32 $0x1400;
	[sflag:s21] =	ssyncadd.s32 $0xFFFFC000  }
0x47: {  	[spmem:s2] =	stream.indirect.scatter.add.f32 [tilespmem:s16], [sflag:$0x3], $0x80, s29, s19, $0xb8;
	[tilespmem:$0x1E800] =	vst v63  }
0x48: {  	_ =	swait.ge [sflag:s17], $0x4000  }
0x49: {  	[sflag:s17] =	ssyncset.done $0x0  }
0x4a: {  	s30 =	simm.s32 $0x100;
	[sflag:s17] =	ssyncadd.s32 $0xFFFFC000  }
0x4b: {  	[tilespmem:s16], [sflag:$0x1] =	stream.indirect.gather [hbm4b:s1+s19], $0x80, s30, s19, $0xb8;
	[tilespmem:$0x1E800] =	vst v63  }
0x4c: {  	_ =	swait.ge [sflag:s22], $0x4000  }
0x4d: {  	[sflag:s22] =	ssyncset.done $0x0  }
0x4e: {  	s31 =	simm.s32 $0x1480;
	[sflag:s22] =	ssyncadd.s32 $0xFFFFC000  }
0x4f: {  	[spmem:s2] =	stream.indirect.scatter.add.f32 [tilespmem:s20], [sflag:$0x3], $0x80, s31, s19, $0xb8;
	[tilespmem:$0x1E800] =	vst v63  }
0x50: {  	_ =	swait.ge [sflag:s17], $0x4000  }
0x51: {  	s28 =	simm.s32 $0x800;
	s26 =	simm.s32 $0x100;
	[sflag:s17] =	ssyncset.done $0x0  }
.LBB2_4:
0x52: {  	s29 =	sadd.s32 $0x80, s26  }
0x53: {  	[sflag:s17] =	ssyncadd.s32 $0xFFFFC000;
	s30 =	smov.u32 s28;
	s31 =	sadd.s32 $0x400, s28  }
0x54: {  	[tilespmem:s20], [sflag:$0x2] =	stream.indirect.gather [hbm4b:s1+s19], $0x80, s29, s19, $0xb8;
	[tilespmem:$0x1E800] =	vst v63  }
0x55: {  	p0 =	sne.s32 s28, $0x4800;
	_ =	swait.ge [sflag:s21], $0x4000  }
0x56: {  	[sflag:s21] =	ssyncset.done $0x0  }
0x57: {  	s28 =	sadd.s32 $0x1400, s26;
	[sflag:s21] =	ssyncadd.s32 $0xFFFFC000  }
0x58: {  	[spmem:s2] =	stream.indirect.scatter.add.f32 [tilespmem:s16], [sflag:$0x3], $0x80, s28, s19, $0xb8;
	[tilespmem:$0x1E800] =	vst v63  }
0x59: {  	_ =	swait.ge [sflag:s17], $0x4000  }
0x5a: {  	[sflag:s17] =	ssyncset.done $0x0  }
0x5b: {  	s28 =	sadd.s32 $0x100, s26;
	[sflag:s17] =	ssyncadd.s32 $0xFFFFC000  }
0x5c: {  	[tilespmem:s16], [sflag:$0x1] =	stream.indirect.gather [hbm4b:s1+s19], $0x80, s28, s19, $0xb8;
	[tilespmem:$0x1E800] =	vst v63  }
0x5d: {  	_ =	swait.ge [sflag:s22], $0x4000  }
.Ltmp1:
0x5e: {  	[sflag:s22] =	ssyncset.done $0x0;
	(pc) =	sbr.rel @p0 .LBB2_4-.Ltmp1, $4  }
0x5f: {  	s26 =	sadd.s32 $0x1480, s26;
	[sflag:s22] =	ssyncadd.s32 $0xFFFFC000  }
0x60: {  	[spmem:s2] =	stream.indirect.scatter.add.f32 [tilespmem:s20], [sflag:$0x3], $0x80, s26, s19, $0xb8;
	[tilespmem:$0x1E800] =	vst v63  }
0x61: {  	_ =	swait.ge [sflag:s17], $0x4000  }
0x62: {  	s28 =	smov.u32 s31;
	s26 =	sshra.s32 s30, $0x2;
	[sflag:s17] =	ssyncset.done $0x0  }
0x63: {  	s28 =	sadd.s32 $0x80, s26;
	[sflag:s17] =	ssyncadd.s32 $0xFFFFC000  }
0x64: {  	[tilespmem:s20], [sflag:$0x2] =	stream.indirect.gather [hbm4b:s1+s19], $0x80, s28, s19, $0xb8;
	[tilespmem:$0x1E800] =	vst v63  }
0x65: {  	_ =	swait.ge [sflag:s21], $0x4000  }
0x66: {  	[sflag:s21] =	ssyncset.done $0x0  }
0x67: {  	s28 =	sadd.s32 $0x1400, s26;
	[sflag:s21] =	ssyncadd.s32 $0xFFFFC000  }
0x68: {  	[spmem:s2] =	stream.indirect.scatter.add.f32 [tilespmem:s16], [sflag:$0x3], $0x80, s28, s19, $0xb8;
	[tilespmem:$0x1E800] =	vst v63  }
0x69: {  	_ =	swait.ge [sflag:s17], $0x4000  }
0x6a: {  	[sflag:s17] =	ssyncset.done $0x0  }
0x6b: {  	s28 =	sadd.s32 $0x100, s26;
	[sflag:s17] =	ssyncadd.s32 $0xFFFFC000  }
0x6c: {  	[tilespmem:s16], [sflag:$0x1] =	stream.indirect.gather [hbm4b:s1+s19], $0x80, s28, s19, $0xb8;
	[tilespmem:$0x1E800] =	vst v63  }
0x6d: {  	_ =	swait.ge [sflag:s22], $0x4000  }
0x6e: {  	[sflag:s22] =	ssyncset.done $0x0  }
0x6f: {  	s29 =	sadd.s32 $0x1480, s26;
	[sflag:s22] =	ssyncadd.s32 $0xFFFFC000  }
0x70: {  	[spmem:s2] =	stream.indirect.scatter.add.f32 [tilespmem:s20], [sflag:$0x3], $0x80, s29, s19, $0xb8;
	[tilespmem:$0x1E800] =	vst v63  }
0x71: {  	_ =	swait.ge [sflag:s17], $0x4000  }
0x72: {  	[sflag:s17] =	ssyncset.done $0x0  }
0x73: {  	[sflag:s17] =	ssyncadd.s32 $0xFFFFC000  }
0x74: {  	[tilespmem:s20], [sflag:$0x2] =	stream.indirect.gather [hbm4b:s1+s19], $0x80, s23, s19, $0xb8;
	[tilespmem:$0x1E800] =	vst v63  }
0x75: {  	_ =	swait.ge [sflag:s21], $0x4000  }
0x76: {  	[sflag:s21] =	ssyncset.done $0x0  }
0x77: {  	[sflag:s21] =	ssyncadd.s32 $0xFFFFC000  }
0x78: {  	[spmem:s2] =	stream.indirect.scatter.add.f32 [tilespmem:s16], [sflag:$0x3], $0x80, s24, s19, $0xb8;
	[tilespmem:$0x1E800] =	vst v63  }
0x79: {  	_ =	swait.ge [sflag:s17], $0x4000  }
0x7a: {  	[sflag:s17] =	ssyncset.done $0x0  }
0x7b: {  	[sflag:s17] =	ssyncadd.s32 $0xFFFFC000  }
0x7c: {  	_ =	swait.ge [sflag:s22], $0x4000  }
0x7d: {  	[sflag:s22] =	ssyncset.done $0x0  }
0x7e: {  	[sflag:s22] =	ssyncadd.s32 $0xFFFFC000  }
0x7f: {  	[spmem:s2] =	stream.indirect.scatter.add.f32 [tilespmem:s20], [sflag:$0x3], $0x80, s25, s19, $0xb8;
	[tilespmem:$0x1E800] =	vst v63  }
0x80: {  	_ =	swait.ge [sflag:s17], $0x4000  }
0x81: {  	[sflag:s17] =	ssyncset.done $0x0  }
0x82: {  	s30 =	simm.s32 $0x0;
	[sflag:s17] =	ssyncadd.s32 $0xFFFFC000  }
0x83: {  	[tilespmem:s30], [sflag:$0x3] =	stream.linear.gather [hbm4b:s8+s30], $0x1400, $0x38;
	[tilespmem:$0x1E800] =	vst v63  }
0x84: {  	_ =	swait.ge [sflag:s17], $0x1400  }
0x85: {  	[sflag:s17] =	ssyncset.done $0x0  }
0x86: {  	[sflag:s17] =	ssyncadd.s32 $0xFFFFEC00  }
0x87: {  	[tilespmem:s18], [sflag:$0x3] =	stream.linear.gather [hbm4b:s9+s30], $0x1400, $0x38;
	[tilespmem:$0x1E800] =	vst v63  }
0x88: {  	_ =	swait.ge [sflag:s17], $0x1400  }
0x89: {  	[sflag:s17] =	ssyncset.done $0x0  }
0x8a: {  	[sflag:s17] =	ssyncadd.s32 $0xFFFFEC00  }
0x8b: {  	[tilespmem:s16], [sflag:$0x1] =	stream.indirect.gather [hbm4b:s1+s19], $0x80, s30, s19, $0xb8;
	[tilespmem:$0x1E800] =	vst v63  }
0x8c: {  	s31 =	simm.s32 $0x80  }
0x8d: {  	[tilespmem:s20], [sflag:$0x2] =	stream.indirect.gather [hbm4b:s1+s19], $0x80, s31, s19, $0xb8;
	[tilespmem:$0x1E800] =	vst v63  }
0x8e: {  	_ =	swait.ge [sflag:s21], $0x4000  }
0x8f: {  	[sflag:s21] =	ssyncset.done $0x0  }
0x90: {  	s29 =	simm.s32 $0x1400;
	[sflag:s21] =	ssyncadd.s32 $0xFFFFC000  }
0x91: {  	[spmem:s2] =	stream.indirect.scatter.add.f32 [tilespmem:s16], [sflag:$0x3], $0x80, s29, s19, $0xb8;
	[tilespmem:$0x1E800] =	vst v63  }
0x92: {  	_ =	swait.ge [sflag:s17], $0x4000  }
0x93: {  	[sflag:s17] =	ssyncset.done $0x0  }
0x94: {  	s30 =	simm.s32 $0x100;
	[sflag:s17] =	ssyncadd.s32 $0xFFFFC000  }
0x95: {  	[tilespmem:s16], [sflag:$0x1] =	stream.indirect.gather [hbm4b:s1+s19], $0x80, s30, s19, $0xb8;
	[tilespmem:$0x1E800] =	vst v63  }
0x96: {  	_ =	swait.ge [sflag:s22], $0x4000  }
0x97: {  	[sflag:s22] =	ssyncset.done $0x0  }
0x98: {  	s31 =	simm.s32 $0x1480;
	[sflag:s22] =	ssyncadd.s32 $0xFFFFC000  }
0x99: {  	[spmem:s2] =	stream.indirect.scatter.add.f32 [tilespmem:s20], [sflag:$0x3], $0x80, s31, s19, $0xb8;
	[tilespmem:$0x1E800] =	vst v63  }
0x9a: {  	_ =	swait.ge [sflag:s17], $0x4000  }
0x9b: {  	s26 =	simm.s32 $0x100;
	s28 =	simm.s32 $0x800;
	[sflag:s17] =	ssyncset.done $0x0  }
.LBB2_6:
0x9c: {  	s29 =	sadd.s32 $0x80, s26  }
0x9d: {  	[sflag:s17] =	ssyncadd.s32 $0xFFFFC000;
	s30 =	smov.u32 s28;
	s31 =	sadd.s32 $0x400, s28  }
0x9e: {  	[tilespmem:s20], [sflag:$0x2] =	stream.indirect.gather [hbm4b:s1+s19], $0x80, s29, s19, $0xb8;
	[tilespmem:$0x1E800] =	vst v63  }
0x9f: {  	p0 =	sne.s32 s28, $0x4800;
	_ =	swait.ge [sflag:s21], $0x4000  }
0xa0: {  	[sflag:s21] =	ssyncset.done $0x0  }
0xa1: {  	s28 =	sadd.s32 $0x1400, s26;
	[sflag:s21] =	ssyncadd.s32 $0xFFFFC000  }
0xa2: {  	[spmem:s2] =	stream.indirect.scatter.add.f32 [tilespmem:s16], [sflag:$0x3], $0x80, s28, s19, $0xb8;
	[tilespmem:$0x1E800] =	vst v63  }
0xa3: {  	_ =	swait.ge [sflag:s17], $0x4000  }
0xa4: {  	[sflag:s17] =	ssyncset.done $0x0  }
0xa5: {  	s28 =	sadd.s32 $0x100, s26;
	[sflag:s17] =	ssyncadd.s32 $0xFFFFC000  }
0xa6: {  	[tilespmem:s16], [sflag:$0x1] =	stream.indirect.gather [hbm4b:s1+s19], $0x80, s28, s19, $0xb8;
	[tilespmem:$0x1E800] =	vst v63  }
0xa7: {  	_ =	swait.ge [sflag:s22], $0x4000  }
.Ltmp2:
0xa8: {  	[sflag:s22] =	ssyncset.done $0x0;
	(pc) =	sbr.rel @p0 .LBB2_6-.Ltmp2, $4  }
0xa9: {  	s26 =	sadd.s32 $0x1480, s26;
	[sflag:s22] =	ssyncadd.s32 $0xFFFFC000  }
0xaa: {  	[spmem:s2] =	stream.indirect.scatter.add.f32 [tilespmem:s20], [sflag:$0x3], $0x80, s26, s19, $0xb8;
	[tilespmem:$0x1E800] =	vst v63  }
0xab: {  	_ =	swait.ge [sflag:s17], $0x4000  }
0xac: {  	s28 =	smov.u32 s31;
	s26 =	sshra.s32 s30, $0x2;
	[sflag:s17] =	ssyncset.done $0x0  }
0xad: {  	s28 =	sadd.s32 $0x80, s26;
	[sflag:s17] =	ssyncadd.s32 $0xFFFFC000  }
0xae: {  	[tilespmem:s20], [sflag:$0x2] =	stream.indirect.gather [hbm4b:s1+s19], $0x80, s28, s19, $0xb8;
	[tilespmem:$0x1E800] =	vst v63  }
0xaf: {  	_ =	swait.ge [sflag:s21], $0x4000  }
0xb0: {  	[sflag:s21] =	ssyncset.done $0x0  }
0xb1: {  	s30 =	sadd.s32 $0x1400, s26;
	[sflag:s21] =	ssyncadd.s32 $0xFFFFC000  }
0xb2: {  	[spmem:s2] =	stream.indirect.scatter.add.f32 [tilespmem:s16], [sflag:$0x3], $0x80, s30, s19, $0xb8;
	[tilespmem:$0x1E800] =	vst v63  }
0xb3: {  	_ =	swait.ge [sflag:s17], $0x4000  }
0xb4: {  	[sflag:s17] =	ssyncset.done $0x0  }
0xb5: {  	s31 =	sadd.s32 $0x100, s26;
	[sflag:s17] =	ssyncadd.s32 $0xFFFFC000  }
0xb6: {  	[tilespmem:s16], [sflag:$0x1] =	stream.indirect.gather [hbm4b:s1+s19], $0x80, s31, s19, $0xb8;
	[tilespmem:$0x1E800] =	vst v63  }
0xb7: {  	_ =	swait.ge [sflag:s22], $0x4000  }
0xb8: {  	[sflag:s22] =	ssyncset.done $0x0  }
0xb9: {  	s29 =	sadd.s32 $0x1480, s26;
	[sflag:s22] =	ssyncadd.s32 $0xFFFFC000  }
0xba: {  	[spmem:s2] =	stream.indirect.scatter.add.f32 [tilespmem:s20], [sflag:$0x3], $0x80, s29, s19, $0xb8;
	[tilespmem:$0x1E800] =	vst v63  }
0xbb: {  	_ =	swait.ge [sflag:s17], $0x4000  }
0xbc: {  	[sflag:s17] =	ssyncset.done $0x0  }
0xbd: {  	[sflag:s17] =	ssyncadd.s32 $0xFFFFC000  }
0xbe: {  	[tilespmem:s20], [sflag:$0x2] =	stream.indirect.gather [hbm4b:s1+s19], $0x80, s23, s19, $0xb8;
	[tilespmem:$0x1E800] =	vst v63  }
0xbf: {  	_ =	swait.ge [sflag:s21], $0x4000  }
0xc0: {  	[sflag:s21] =	ssyncset.done $0x0  }
0xc1: {  	[sflag:s21] =	ssyncadd.s32 $0xFFFFC000  }
0xc2: {  	[spmem:s2] =	stream.indirect.scatter.add.f32 [tilespmem:s16], [sflag:$0x3], $0x80, s24, s19, $0xb8;
	[tilespmem:$0x1E800] =	vst v63  }
0xc3: {  	_ =	swait.ge [sflag:s17], $0x4000  }
0xc4: {  	[sflag:s17] =	ssyncset.done $0x0  }
0xc5: {  	[sflag:s17] =	ssyncadd.s32 $0xFFFFC000  }
0xc6: {  	_ =	swait.ge [sflag:s22], $0x4000  }
0xc7: {  	[sflag:s22] =	ssyncset.done $0x0  }
0xc8: {  	[sflag:s22] =	ssyncadd.s32 $0xFFFFC000  }
0xc9: {  	[spmem:s2] =	stream.indirect.scatter.add.f32 [tilespmem:s20], [sflag:$0x3], $0x80, s25, s19, $0xb8;
	[tilespmem:$0x1E800] =	vst v63  }
0xca: {  	_ =	swait.ge [sflag:s17], $0x4000  }
0xcb: {  	s4 =	sadd.s32 $0x1, s4;
	s30 =	sshll.u32 s3, $0x6;
	[sflag:s17] =	ssyncset.done $0x0  }
0xcc: {  	p0 =	sne.s32 s4, s11;
	s26 =	sor.u32 $0x1C03, s30;
	[sflag:s17] =	ssyncadd.s32 $0xFFFFC000  }
.Ltmp3:
0xcd: {  	s31 =	sshrl.u32 s5, $0x3;
	[bflag:$0x0] =	sbarrier.arrive $0xFFFF;
	(pc) =	sbr.rel @p0 .LBB2_1-.Ltmp3, $4  }
0xce: {  	[hbm:s10], [sflag:s26] =	dma.local [spmem:s31], $0x2800  }
0xcf: {  	_ =	swait.ge [sflag:s17], $0x2800  }
0xd0: {  	[sflag:s17] =	ssyncset.done $0x0  }
0xd1: {  	[sflag:s17] =	ssyncadd.s32 $0xFFFFD800  }
0xd2: {  	_ =	sfence.sel $0x180000  }
0xd3: {  	[bflag:$0x0] =	sbarrier.arrive $0xFFFF  }
0xd4: {  	p0 =	sne.s32 s3, $0x0;
	_ =	strace $0x9000004A  }
0xd5: {  	s0 =	sadd.s32 @!p0 $0x100000, s0;
	[bflag:$0x2] =	sbarrier.arrive $0xFFFF  }
0xd6: {  	[sflag:s0] =	ssyncadd.tile.s32 @!p0 $0x1;
	_ =	shalt  }
.Lfunc_end2:
_tile_overlayer_lowered:
.L_overlay_start_2:
0xd7: {  	(tag) =	ssettag $0x2  }
0xd8: {  	s0 =	rddreg [dreg:$0x0];
	s2 =	stileid.u32  }
0xd9: {  	s1 =	rddreg [dreg:$0x1];
	p0 =	sne.s32 s2, $0x0  }
0xda: {  	s3 =	rddreg [dreg:$0x2];
	[bflag:$0x3] =	sbarrier.arrive $0xFFFF;
	s2 =	simm.s32 @!p0 $0x1C03  }
0xdb: {  	[timem:s3], [sflag:s2] =	dma.local @!p0 [hbm:s0], s1  }
0xdc: {  	s0 =	simm.s32 @!p0 $0x3  }
0xdd: {  	_ =	swait.ge @!p0 [sflag:s0], s1  }
0xde: {  	s1 =	ssub.s32 @!p0 $0x0, s1;
	[sflag:s0] =	ssyncset.done @!p0 $0x0  }
0xdf: {  	[sflag:s0] =	ssyncadd.s32 @!p0 s1  }
0xe0: {  	[bflag:$0x3] =	sbarrier.arrive $0xFFFF  }
0xe1: {  	_ =	shalt  }

// kernel: kernel.16.cloned.1.call-start
scs
__scs_entry_jumppad:
0x0: {  	(pc) =	sbr.rel $0x88, $3  }
0x1: {  	(tag) =	ssettag $0x0;
	lr =	simm.s32 $0x1  }
0x2: {  	[smem:$0x3F9A] =	sst lr;
	_ =	strace $0xD0000000  }
0x3: {  	_ = 	snop  }
0x4: {  	_ = 	snop  }
0x5: {  	_ = 	snop  }
0x6: {  	_ = 	snop  }
0x7: {  	_ = 	snop  }
__scs_overlays_trampoline_lowered:
0x8: {  	[smem:$0x3FA9] =	sst s0  }
0x9: {  	[smem:$0x3FAA] =	sst s1  }
0xa: {  	[smem:$0x3FAB] =	sst s2  }
0xb: {  	[smem:$0x3FAC] =	sst s3  }
0xc: {  	[smem:$0x3FAD] =	sst s4  }
0xd: {  	[smem:$0x3FAE] =	sst s5  }
0xe: {  	[smem:$0x3FAF] =	sst s6  }
0xf: {  	[smem:$0x3FB0] =	sst s7  }
0x10: {  	[smem:$0x3FB1] =	sst s8  }
0x11: {  	[smem:$0x3FB2] =	sst s9;
	s0 =	simm.s32 @!p0 $0x0  }
0x12: {  	s1 =	sld [smem:$0x3F98];
	s0 =	simm.s32 @p0 $0x1  }
0x13: {  	[smem:$0x3FB3] =	sst s0;
	s0 =	simm.s32 @!p1 $0x0  }
0x14: {  	s2 =	sld [smem:$0x3F97];
	s0 =	simm.s32 @p1 $0x1  }
0x15: {  	[smem:$0x3FB4] =	sst s0;
	s0 =	simm.s32 @!p2 $0x0  }
0x16: {  	s3 =	sld [smem:$0x3FDB];
	s0 =	simm.s32 @p2 $0x1  }
0x17: {  	s4 =	simm.s32 $0x1BF5;
	[smem:$0x3FB6] =	sst s0  }
0x18: {  	s0 =	sld [smem:$0x3F99];
	_ =	swait.ge [sflag:s4], $0x0  }
0x19: {  	s7 =	sld [smem:$0x3F9A]  }
0x1a: {  	s8 =	sadd.s32 $0xFFFFE003, lr  }
0x1b: {  	s9 =	sadd.s32 $0xFFFFFEF7, lr;
	s5 =	simm.s32 $0xFFFFFFFF;
	p2 =	slt.u32 s8, $0xFFFFF086  }
0x1c: {  	p1 =	slt.u32 s9, $0xF7A;
	s5 =	simm.s32 @!p2 $0x0  }
0x1d: {  	s5 =	simm.s32 @p1 $0x1;
	p0 =	seq.s32 s7, s2  }
0x1e: {  	s7 =	smul.u32 @!p0 $0xF7A, s2;
	p2 =	seq.s32 @!p0 s5, $0x0  }
0x1f: {  	s9 =	smul.u32 $0xF7A, s1;
	s8 =	simm.s32 @!p0 $0x1BF5;
	p2 =	por !p2, p0  }
0x20: {  	[sflag:s8] =	ssyncset.s32 @!p0 $0xFFFFF086;
	s6 =	sadd.s32 @!p0 s3, s7;
	s7 =	simm.s32 @!p0 $0x108  }
0x21: {  	s3 =	sadd.s32 s3, s9;
	s6 =	sadd.s32 @!p0 $0x88, s6;
	s7 =	simm.s32 @p2 $0x1082  }
0x22: {  	[simem:s7], [sflag:s8] =	dma.local @!p0 [hbm:s6], $0xF7A  }
0x23: {  	s9 =	sor.u32 $0xD0000000, s2;
	s6 =	simm.s32 $0x108;
	_ =	swait.ge @!p0 [sflag:s8], $0x0  }
0x24: {  	s3 =	sadd.s32 $0x88, s3;
	s6 =	simm.s32 @!p1 $0x1082;
	[sflag:s4] =	ssyncset.s32 $0xFFFFF086  }
0x25: {  	[simem:s6], [sflag:s4] =	dma.local [hbm:s3], $0xF7A  }
0x26: {  	[smem:$0x3F9A] =	sst s1;
	(tag) =	ssettag s2;
	_ =	strace s9  }
0x27: {  	s1 =	sld [smem:$0x3FAA]  }
0x28: {  	s2 =	sld [smem:$0x3FAB]  }
0x29: {  	s4 =	sld [smem:$0x3FAD]  }
0x2a: {  	p0 =	seq.s32 s5, $0x0;
	s5 =	sld [smem:$0x3FAE]  }
0x2b: {  	s6 =	sld [smem:$0x3FAF]  }
0x2c: {  	s7 =	sld [smem:$0x3FB0]  }
0x2d: {  	s3 =	simm.s32 $0x108;
	s8 =	sld [smem:$0x3FB1]  }
0x2e: {  	s3 =	simm.s32 @!p0 $0x1082;
	s9 =	sld [smem:$0x3FB2]  }
0x2f: {  	lr =	sadd.s32 s0, s3;
	s0 =	sld [smem:$0x3FA9]  }
0x30: {  	s3 =	sld [smem:$0x3FAC]  }
0x31: {  	[smem:$0x3FB5] =	sst s10  }
0x32: {  	s10 =	sld [smem:$0x3FB3];
	_ =	sdelay $0x3  }
0x33: {  	p0 =	seq.s32 s10, $0x1;
	s10 =	sld [smem:$0x3FB5];
	_ =	sdelay $0x3  }
0x34: {  	[smem:$0x3FB5] =	sst s10  }
0x35: {  	s10 =	sld [smem:$0x3FB4];
	_ =	sdelay $0x3  }
0x36: {  	p1 =	seq.s32 s10, $0x1;
	s10 =	sld [smem:$0x3FB5];
	_ =	sdelay $0x3  }
0x37: {  	[smem:$0x3FB5] =	sst s10  }
0x38: {  	s10 =	sld [smem:$0x3FB6]  }
0x39: {  	_ = 	snop;
	(pc) =	sbr.ind lr, $3  }
0x3a: {  	_ = 	snop  }
0x3b: {  	_ = 	snop  }
0x3c: {  	p2 =	seq.s32 s10, $0x1;
	s10 =	sld [smem:$0x3FB5]  }
0x3d: {  	_ =	shalt  }
0x3e: {  	_ =	shalt  }
0x3f: {  	_ =	shalt  }
0x40: {  	_ =	shalt  }
0x41: {  	_ =	shalt  }
0x42: {  	_ =	shalt  }
0x43: {  	_ =	shalt  }
0x44: {  	_ =	shalt  }
0x45: {  	_ =	shalt  }
0x46: {  	_ =	shalt  }
0x47: {  	_ =	shalt  }
0x48: {  	_ =	shalt  }
0x49: {  	_ =	shalt  }
0x4a: {  	_ =	shalt  }
0x4b: {  	_ =	shalt  }
0x4c: {  	_ =	shalt  }
0x4d: {  	_ =	shalt  }
0x4e: {  	_ =	shalt  }
0x4f: {  	_ =	shalt  }
0x50: {  	_ =	shalt  }
0x51: {  	_ =	shalt  }
0x52: {  	_ =	shalt  }
0x53: {  	_ =	shalt  }
0x54: {  	_ =	shalt  }
0x55: {  	_ =	shalt  }
0x56: {  	_ =	shalt  }
0x57: {  	_ =	shalt  }
0x58: {  	_ =	shalt  }
0x59: {  	_ =	shalt  }
0x5a: {  	_ =	shalt  }
0x5b: {  	_ =	shalt  }
0x5c: {  	_ =	shalt  }
0x5d: {  	_ =	shalt  }
0x5e: {  	_ =	shalt  }
0x5f: {  	_ =	shalt  }
0x60: {  	_ =	shalt  }
0x61: {  	_ =	shalt  }
0x62: {  	_ =	shalt  }
0x63: {  	_ =	shalt  }
0x64: {  	_ =	shalt  }
0x65: {  	_ =	shalt  }
0x66: {  	_ =	shalt  }
0x67: {  	_ =	shalt  }
0x68: {  	_ =	shalt  }
0x69: {  	_ =	shalt  }
0x6a: {  	_ =	shalt  }
0x6b: {  	_ =	shalt  }
0x6c: {  	_ =	shalt  }
0x6d: {  	_ =	shalt  }
0x6e: {  	_ =	shalt  }
0x6f: {  	_ =	shalt  }
0x70: {  	_ =	shalt  }
0x71: {  	_ =	shalt  }
0x72: {  	_ =	shalt  }
0x73: {  	_ =	shalt  }
0x74: {  	_ =	shalt  }
0x75: {  	_ =	shalt  }
0x76: {  	_ =	shalt  }
0x77: {  	_ =	shalt  }
0x78: {  	_ =	shalt  }
0x79: {  	_ =	shalt  }
0x7a: {  	_ =	shalt  }
0x7b: {  	_ =	shalt  }
0x7c: {  	_ =	shalt  }
0x7d: {  	_ =	shalt  }
0x7e: {  	_ =	shalt  }
0x7f: {  	_ =	shalt  }
0x80: {  	_ =	shalt  }
0x81: {  	_ =	shalt  }
0x82: {  	_ =	shalt  }
0x83: {  	_ =	shalt  }
0x84: {  	_ =	shalt  }
0x85: {  	_ =	shalt  }
0x86: {  	_ =	shalt  }
0x87: {  	_ =	shalt  }
.Lfunc_end0:
.L_simem_size_0:
called_computation.2_lowered:
.L_overlay_start_0:
0x88: {  	s2 =	sld [smem:$0x3FD9]  }
0x89: {  	s3 =	sld [smem:$0x3FFE];
	_ =	sdelay $0x1  }
0x8a: {  	s1 =	srdreg.scid  }
0x8b: {  	s0 =	sand.u32 $0x1, s1  }
0x8c: {  	s17 =	sshll.u32 s0, $0xA;
	s2 =	sadd.s32 s3, s2  }
0x8d: {  	s2 =	sadd.s32 s2, s17  }
0x8e: {  	[smem:$0x3FC1] =	sst s2  }
0x8f: {  	_ = 	snop  }
0x90: {  	s2 =	sld [smem:$0x3FD0];
	(tm) =	ssettm $0x1  }
0x91: {  	s18 =	sld [smem:$0x3FFB];
	_ =	sdelay $0x3  }
0x92: {  	_ =	strace s18  }
0x93: {  	s3 =	sld [smem:$0x3FFC];
	_ =	sdelay $0x3  }
0x94: {  	_ =	strace s3  }
0x95: {  	s3 =	sld [smem:$0x3FFD];
	_ =	sdelay $0x3  }
0x96: {  	_ =	strace s3  }
0x97: {  	_ =	strace $0x8FFFFFFF  }
0x98: {  	s19 =	sld [smem:$0x3FDB];
	_ =	sdelay $0x1  }
0x99: {  	s4 =	simm.s32 $_scs_section_size  }
0x9a: {  	s5 =	simm.s32 $_size__tile_overlayer_lowered;
	s6 =	simm.s32 $_tile_overlayer_lowered  }
0x9b: {  	s22 =	simm.s32 $0x1BFF;
	s21 =	sshll.u32 s6, $0x1;
	s3 =	sadd.s32 s4, s19  }
0x9c: {  	s7 =	simm.s32 $0x0;
	s20 =	sshll.u32 s5, $0x1;
	s5 =	sadd.s32 s21, s3  }
0x9d: {  	[timem:s7], [sflag:s22] =	dma.local [hbm:s5], s20  }
0x9e: {  	_ =	swait.ge [sflag:s22], s20  }
0x9f: {  	s4 =	ssub.s32 $0x0, s20;
	[sflag:s22] =	ssyncset.done $0x0  }
0xa0: {  	[sflag:s22] =	ssyncadd.s32 s4;
	_ =	sdelay $0x1  }
0xa1: {  	s23 =	simm.s32 $0x1B8B  }
0xa2: {  	_ =	swait.ge [sflag:s23], $0x1  }
0xa3: {  	[sflag:s23] =	ssyncset.done $0x0  }
0xa4: {  	s25 =	simm.s32 $0x1B8E;
	s24 =	sld [smem:$0x3FFE];
	[sflag:s23] =	ssyncadd.s32 $0xFFFFFFFF  }
0xa5: {  	s26 =	simm.s32 $execute0_lowered;
	[smem:$0x3FD2] =	sst s25  }
0xa6: {  	s5 =	sshll.u32 s26, $0x1;
	_ =	strace $0x8000004C;
	[dreg:$0x1] =	wrdreg $0xFFFFFFFF  }
0xa7: {  	s28 =	simm.s32 $_size_execute0_lowered;
	s3 =	sadd.s32 s3, s5;
	[dreg:$0x0] =	wrdreg $0x0  }
0xa8: {  	s5 =	sshll.u32 s28, $0x1;
	[dreg:$0x2] =	wrdreg s3  }
0xa9: {  	[dreg:$0x3] =	wrdreg s5  }
0xaa: {  	[dreg:$0x4] =	wrdreg $0xC0  }
0xab: {  	_ =	task [dreg:s7], $0x5FFFF  }
0xac: {  	[dreg:$0x1] =	wrdreg $0xFFFFFFFF  }
0xad: {  	[dreg:$0x0] =	wrdreg $0x60  }
0xae: {  	[dreg:$0x2] =	wrdreg s2  }
0xaf: {  	[dreg:$0x3] =	wrdreg s24  }
0xb0: {  	[dreg:$0x4] =	wrdreg $0xA8000  }
0xb1: {  	[dreg:$0x5] =	wrdreg $0x9  }
0xb2: {  	_ =	task.clear_ibuf [dreg:s7], $0x6FFFF;
	_ =	strace $0x9000004C  }
0xb3: {  	s29 =	simm.s32 $0x9;
	_ =	strace $0x8000004E  }
0xb4: {  	_ =	swait.ge [sflag:s29], $0x1  }
0xb5: {  	[sflag:s29] =	ssyncadd.s32 $0xFFFFFFFF  }
0xb6: {  	_ =	strace $0x9000004E  }
0xb7: {  	_ =	sfence  }
0xb8: {  	s30 =	sld [smem:$0x0];
	_ =	sdelay $0x2  }
0xb9: {  	s31 =	sshll.u32 s1, $0xD;
	s1 =	sshrl.u32 s1, $0x2  }
0xba: {  	s3 =	sand.u32 $0x4000, s31;
	s1 =	sadd.s32 s1, s30  }
0xbb: {  	s0 =	sor.u32 s3, s0;
	s1 =	sshll.u32 s1, $0x11  }
0xbc: {  	s0 =	sor.u32 s1, s0  }
0xbd: {  	s0 =	sadd.s32 $0x8F2B, s0  }
0xbe: {  	[sflag:s0] =	ssyncadd.remote.s32 $0x1  }
0xbf: {  	_ =	sfence.sel $0xFFFF  }
0xc0: {  	[dreg:$0x0] =	wrdreg $0xFFFFFFFF;
	(pc) =	sbr.abs _section_cstart, $3  }
0xc1: {  	[dreg:$0x1] =	wrdreg $0xFFFFFFFF  }
0xc2: {  	_ =	task.clear_ibuf [dreg:s7], $0x2FFFF;
	_ =	strace $0x9FFFFFFF  }
0xc3: {  	(tm) =	ssettm $0x7FFFFFFF  }
tec
execute0_lowered:
.L_overlay_start_1:
0x0: {  	(tag) =	ssettag $0x1  }
0x1: {  	s1 =	rddreg [dreg:$0x0]  }
0x2: {  	s5 =	rddreg [dreg:$0x1]  }
0x3: {  	s2 =	rddreg [dreg:$0x2]  }
0x4: {  	s0 =	rddreg [dreg:$0x3];
	s4 =	simm.s32 $0x0;
	s3 =	srdreg.scid  }
0x5: {  	s16 =	simm.s32 $0x2800;
	s17 =	simm.s32 $0x3;
	s18 =	simm.s32 $0x1400  }
0x6: {  	s19 =	simm.s32 $0x80;
	s20 =	simm.s32 $0x6800;
	s21 =	simm.s32 $0x1  }
0x7: {  	s22 =	simm.s32 $0x2;
	s23 =	simm.s32 $0x1380;
	s24 =	simm.s32 $0x2700  }
0x8: {  	s25 =	simm.s32 $0x2780;
	[smem:$0x7FF] =	sst s4;
	s6 =	sand.u32 $0x1, s3  }
0x9: {  	s3 =	stileid.u32;
	s9 =	sadd.s32 $0xD400, s5;
	s7 =	smul.u32 $0x140000, s6  }
0xa: {  	s10 =	sadd.s32 $0x3400, s5;
	s8 =	smul.u32 $0x14000, s3;
	s11 =	sshll.u32 s6, $0x4  }
0xb: {  	s28 =	smul.u32 $0x50000, s3;
	s6 =	ssub.s32 $0x2, s6;
	s26 =	sor.u32 s3, s11  }
0xc: {  	s29 =	sshrl.u32 s6, $0x1;
	s7 =	sadd.s32 s8, s7;
	s8 =	smul.u32 $0x2800, s26  }
0xd: {  	_ =	strace $0x8000004D;
	s30 =	sshrl.u32 s28, $0x2;
	s31 =	ssub.s32 s6, s29  }
0xe: {  	s7 =	sshrl.u32 s7, $0x3;
	s11 =	smax.u32 s31, $0x1;
	s8 =	sshrl.u32 s8, $0x3  }
0xf: {  	s12 =	sadd.s32 s7, s5;
	s5 =	sadd.s32 s30, s2;
	s6 =	sadd.s32 s9, s8  }
0x10: {  	s7 =	sadd.s32 s10, s8;
	s13 =	sadd.s32 $0x280, s8;
	s14 =	sadd.s32 $0xC000, s5  }
0x11: {  	s15 =	sadd.s32 $0x10000, s5;
	s8 =	sadd.s32 s9, s13;
	s9 =	sadd.s32 s10, s13  }
0x12: {  	v0 =	vimm.f32 $0.0e+00;
	s10 =	sadd.s32 $0x2B400, s12;
	s12 =	sadd.s32 $0x4000, s5;
	s13 =	sadd.s32 $0x8000, s5  }
.LBB2_1:
0x13: {  	s26 =	simm.s32 $0x0;
	s28 =	simm.s32 $0x200  }
.LBB2_2:
0x14: {  	p0 =	sne.s32 s28, $0xFE00;
	[tilespmem:s26+$0x2870] =	vst v0  }
0x15: {  	[tilespmem:s26+$0x2800] =	vst v0  }
0x16: {  	[tilespmem:s26+$0x2810] =	vst v0  }
.Ltmp0:
0x17: {  	[tilespmem:s26+$0x2820] =	vst v0;
	(pc) =	sbr.rel @p0 .LBB2_2-.Ltmp0, $4  }
0x18: {  	[tilespmem:s26+$0x2830] =	vst v0  }
0x19: {  	[tilespmem:s26+$0x2840] =	vst v0  }
0x1a: {  	[tilespmem:s26+$0x2850] =	vst v0  }
0x1b: {  	[tilespmem:s26+$0x2860] =	vst v0;
	s26 =	sshra.s32 s28, $0x2;
	s28 =	sadd.s32 $0x200, s28  }
0x1c: {  	[tilespmem:s26+$0x2870] =	vst v0  }
0x1d: {  	[tilespmem:s26+$0x2800] =	vst v0  }
0x1e: {  	[tilespmem:s26+$0x2810] =	vst v0  }
0x1f: {  	[tilespmem:s26+$0x2820] =	vst v0  }
0x20: {  	[tilespmem:s26+$0x2830] =	vst v0  }
0x21: {  	[tilespmem:s26+$0x2840] =	vst v0  }
0x22: {  	[tilespmem:s26+$0x2850] =	vst v0  }
0x23: {  	[tilespmem:s26+$0x2860] =	vst v0  }
0x24: {  	[spmem:s5] =	stream.linear.scatter [tilespmem:s16], [sflag:$0x3], $0x4000, $0x38;
	[tilespmem:$0x1E800] =	vst v63  }
0x25: {  	_ =	swait.ge [sflag:s17], $0x4000  }
0x26: {  	[sflag:s17] =	ssyncset.done $0x0  }
0x27: {  	[sflag:s17] =	ssyncadd.s32 $0xFFFFC000  }
0x28: {  	[spmem:s12] =	stream.linear.scatter [tilespmem:s16], [sflag:$0x3], $0x4000, $0x38;
	[tilespmem:$0x1E800] =	vst v63  }
0x29: {  	_ =	swait.ge [sflag:s17], $0x4000  }
0x2a: {  	[sflag:s17] =	ssyncset.done $0x0  }
0x2b: {  	[sflag:s17] =	ssyncadd.s32 $0xFFFFC000  }
0x2c: {  	[spmem:s13] =	stream.linear.scatter [tilespmem:s16], [sflag:$0x3], $0x4000, $0x38;
	[tilespmem:$0x1E800] =	vst v63  }
0x2d: {  	_ =	swait.ge [sflag:s17], $0x4000  }
0x2e: {  	[sflag:s17] =	ssyncset.done $0x0  }
0x2f: {  	[sflag:s17] =	ssyncadd.s32 $0xFFFFC000  }
0x30: {  	[spmem:s14] =	stream.linear.scatter [tilespmem:s16], [sflag:$0x3], $0x4000, $0x38;
	[tilespmem:$0x1E800] =	vst v63  }
0x31: {  	_ =	swait.ge [sflag:s17], $0x4000  }
0x32: {  	[sflag:s17] =	ssyncset.done $0x0  }
0x33: {  	[sflag:s17] =	ssyncadd.s32 $0xFFFFC000  }
0x34: {  	[spmem:s15] =	stream.linear.scatter [tilespmem:s16], [sflag:$0x3], $0x4000, $0x38;
	[tilespmem:$0x1E800] =	vst v63  }
0x35: {  	_ =	swait.ge [sflag:s17], $0x4000  }
0x36: {  	[sflag:s17] =	ssyncset.done $0x0  }
0x37: {  	[sflag:s17] =	ssyncadd.s32 $0xFFFFC000  }
0x38: {  	s30 =	simm.s32 $0x0;
	[bflag:$0x0] =	sbarrier.arrive $0xFFFF  }
0x39: {  	[tilespmem:s30], [sflag:$0x3] =	stream.linear.gather [hbm4b:s6+s30], $0x1400, $0x38;
	[tilespmem:$0x1E800] =	vst v63  }
0x3a: {  	_ =	swait.ge [sflag:s17], $0x1400  }
0x3b: {  	[sflag:s17] =	ssyncset.done $0x0  }
0x3c: {  	[sflag:s17] =	ssyncadd.s32 $0xFFFFEC00  }
0x3d: {  	[tilespmem:s18], [sflag:$0x3] =	stream.linear.gather [hbm4b:s7+s30], $0x1400, $0x38;
	[tilespmem:$0x1E800] =	vst v63  }
0x3e: {  	_ =	swait.ge [sflag:s17], $0x1400  }
0x3f: {  	[sflag:s17] =	ssyncset.done $0x0  }
0x40: {  	[sflag:s17] =	ssyncadd.s32 $0xFFFFEC00  }
0x41: {  	[tilespmem:s16], [sflag:$0x1] =	stream.indirect.gather [hbm4b:s1+s19], $0x80, s30, s19, $0xb8;
	[tilespmem:$0x1E800] =	vst v63  }
0x42: {  	s31 =	simm.s32 $0x80  }
0x43: {  	[tilespmem:s20], [sflag:$0x2] =	stream.indirect.gather [hbm4b:s1+s19], $0x80, s31, s19, $0xb8;
	[tilespmem:$0x1E800] =	vst v63  }
0x44: {  	_ =	swait.ge [sflag:s21], $0x4000  }
0x45: {  	[sflag:s21] =	ssyncset.done $0x0  }
0x46: {  	s29 =	simm.s32 $0x1400;
	[sflag:s21] =	ssyncadd.s32 $0xFFFFC000  }
0x47: {  	[spmem:s2] =	stream.indirect.scatter.add.f32 [tilespmem:s16], [sflag:$0x3], $0x80, s29, s19, $0xb8;
	[tilespmem:$0x1E800] =	vst v63  }
0x48: {  	_ =	swait.ge [sflag:s17], $0x4000  }
0x49: {  	[sflag:s17] =	ssyncset.done $0x0  }
0x4a: {  	s30 =	simm.s32 $0x100;
	[sflag:s17] =	ssyncadd.s32 $0xFFFFC000  }
0x4b: {  	[tilespmem:s16], [sflag:$0x1] =	stream.indirect.gather [hbm4b:s1+s19], $0x80, s30, s19, $0xb8;
	[tilespmem:$0x1E800] =	vst v63  }
0x4c: {  	_ =	swait.ge [sflag:s22], $0x4000  }
0x4d: {  	[sflag:s22] =	ssyncset.done $0x0  }
0x4e: {  	s31 =	simm.s32 $0x1480;
	[sflag:s22] =	ssyncadd.s32 $0xFFFFC000  }
0x4f: {  	[spmem:s2] =	stream.indirect.scatter.add.f32 [tilespmem:s20], [sflag:$0x3], $0x80, s31, s19, $0xb8;
	[tilespmem:$0x1E800] =	vst v63  }
0x50: {  	_ =	swait.ge [sflag:s17], $0x4000  }
0x51: {  	s28 =	simm.s32 $0x800;
	s26 =	simm.s32 $0x100;
	[sflag:s17] =	ssyncset.done $0x0  }
.LBB2_4:
0x52: {  	s29 =	sadd.s32 $0x80, s26  }
0x53: {  	[sflag:s17] =	ssyncadd.s32 $0xFFFFC000;
	s30 =	smov.u32 s28;
	s31 =	sadd.s32 $0x400, s28  }
0x54: {  	[tilespmem:s20], [sflag:$0x2] =	stream.indirect.gather [hbm4b:s1+s19], $0x80, s29, s19, $0xb8;
	[tilespmem:$0x1E800] =	vst v63  }
0x55: {  	p0 =	sne.s32 s28, $0x4800;
	_ =	swait.ge [sflag:s21], $0x4000  }
0x56: {  	[sflag:s21] =	ssyncset.done $0x0  }
0x57: {  	s28 =	sadd.s32 $0x1400, s26;
	[sflag:s21] =	ssyncadd.s32 $0xFFFFC000  }
0x58: {  	[spmem:s2] =	stream.indirect.scatter.add.f32 [tilespmem:s16], [sflag:$0x3], $0x80, s28, s19, $0xb8;
	[tilespmem:$0x1E800] =	vst v63  }
0x59: {  	_ =	swait.ge [sflag:s17], $0x4000  }
0x5a: {  	[sflag:s17] =	ssyncset.done $0x0  }
0x5b: {  	s28 =	sadd.s32 $0x100, s26;
	[sflag:s17] =	ssyncadd.s32 $0xFFFFC000  }
0x5c: {  	[tilespmem:s16], [sflag:$0x1] =	stream.indirect.gather [hbm4b:s1+s19], $0x80, s28, s19, $0xb8;
	[tilespmem:$0x1E800] =	vst v63  }
0x5d: {  	_ =	swait.ge [sflag:s22], $0x4000  }
.Ltmp1:
0x5e: {  	[sflag:s22] =	ssyncset.done $0x0;
	(pc) =	sbr.rel @p0 .LBB2_4-.Ltmp1, $4  }
0x5f: {  	s26 =	sadd.s32 $0x1480, s26;
	[sflag:s22] =	ssyncadd.s32 $0xFFFFC000  }
0x60: {  	[spmem:s2] =	stream.indirect.scatter.add.f32 [tilespmem:s20], [sflag:$0x3], $0x80, s26, s19, $0xb8;
	[tilespmem:$0x1E800] =	vst v63  }
0x61: {  	_ =	swait.ge [sflag:s17], $0x4000  }
0x62: {  	s28 =	smov.u32 s31;
	s26 =	sshra.s32 s30, $0x2;
	[sflag:s17] =	ssyncset.done $0x0  }
0x63: {  	s28 =	sadd.s32 $0x80, s26;
	[sflag:s17] =	ssyncadd.s32 $0xFFFFC000  }
0x64: {  	[tilespmem:s20], [sflag:$0x2] =	stream.indirect.gather [hbm4b:s1+s19], $0x80, s28, s19, $0xb8;
	[tilespmem:$0x1E800] =	vst v63  }
0x65: {  	_ =	swait.ge [sflag:s21], $0x4000  }
0x66: {  	[sflag:s21] =	ssyncset.done $0x0  }
0x67: {  	s28 =	sadd.s32 $0x1400, s26;
	[sflag:s21] =	ssyncadd.s32 $0xFFFFC000  }
0x68: {  	[spmem:s2] =	stream.indirect.scatter.add.f32 [tilespmem:s16], [sflag:$0x3], $0x80, s28, s19, $0xb8;
	[tilespmem:$0x1E800] =	vst v63  }
0x69: {  	_ =	swait.ge [sflag:s17], $0x4000  }
0x6a: {  	[sflag:s17] =	ssyncset.done $0x0  }
0x6b: {  	s28 =	sadd.s32 $0x100, s26;
	[sflag:s17] =	ssyncadd.s32 $0xFFFFC000  }
0x6c: {  	[tilespmem:s16], [sflag:$0x1] =	stream.indirect.gather [hbm4b:s1+s19], $0x80, s28, s19, $0xb8;
	[tilespmem:$0x1E800] =	vst v63  }
0x6d: {  	_ =	swait.ge [sflag:s22], $0x4000  }
0x6e: {  	[sflag:s22] =	ssyncset.done $0x0  }
0x6f: {  	s29 =	sadd.s32 $0x1480, s26;
	[sflag:s22] =	ssyncadd.s32 $0xFFFFC000  }
0x70: {  	[spmem:s2] =	stream.indirect.scatter.add.f32 [tilespmem:s20], [sflag:$0x3], $0x80, s29, s19, $0xb8;
	[tilespmem:$0x1E800] =	vst v63  }
0x71: {  	_ =	swait.ge [sflag:s17], $0x4000  }
0x72: {  	[sflag:s17] =	ssyncset.done $0x0  }
0x73: {  	[sflag:s17] =	ssyncadd.s32 $0xFFFFC000  }
0x74: {  	[tilespmem:s20], [sflag:$0x2] =	stream.indirect.gather [hbm4b:s1+s19], $0x80, s23, s19, $0xb8;
	[tilespmem:$0x1E800] =	vst v63  }
0x75: {  	_ =	swait.ge [sflag:s21], $0x4000  }
0x76: {  	[sflag:s21] =	ssyncset.done $0x0  }
0x77: {  	[sflag:s21] =	ssyncadd.s32 $0xFFFFC000  }
0x78: {  	[spmem:s2] =	stream.indirect.scatter.add.f32 [tilespmem:s16], [sflag:$0x3], $0x80, s24, s19, $0xb8;
	[tilespmem:$0x1E800] =	vst v63  }
0x79: {  	_ =	swait.ge [sflag:s17], $0x4000  }
0x7a: {  	[sflag:s17] =	ssyncset.done $0x0  }
0x7b: {  	[sflag:s17] =	ssyncadd.s32 $0xFFFFC000  }
0x7c: {  	_ =	swait.ge [sflag:s22], $0x4000  }
0x7d: {  	[sflag:s22] =	ssyncset.done $0x0  }
0x7e: {  	[sflag:s22] =	ssyncadd.s32 $0xFFFFC000  }
0x7f: {  	[spmem:s2] =	stream.indirect.scatter.add.f32 [tilespmem:s20], [sflag:$0x3], $0x80, s25, s19, $0xb8;
	[tilespmem:$0x1E800] =	vst v63  }
0x80: {  	_ =	swait.ge [sflag:s17], $0x4000  }
0x81: {  	[sflag:s17] =	ssyncset.done $0x0  }
0x82: {  	s30 =	simm.s32 $0x0;
	[sflag:s17] =	ssyncadd.s32 $0xFFFFC000  }
0x83: {  	[tilespmem:s30], [sflag:$0x3] =	stream.linear.gather [hbm4b:s8+s30], $0x1400, $0x38;
	[tilespmem:$0x1E800] =	vst v63  }
0x84: {  	_ =	swait.ge [sflag:s17], $0x1400  }
0x85: {  	[sflag:s17] =	ssyncset.done $0x0  }
0x86: {  	[sflag:s17] =	ssyncadd.s32 $0xFFFFEC00  }
0x87: {  	[tilespmem:s18], [sflag:$0x3] =	stream.linear.gather [hbm4b:s9+s30], $0x1400, $0x38;
	[tilespmem:$0x1E800] =	vst v63  }
0x88: {  	_ =	swait.ge [sflag:s17], $0x1400  }
0x89: {  	[sflag:s17] =	ssyncset.done $0x0  }
0x8a: {  	[sflag:s17] =	ssyncadd.s32 $0xFFFFEC00  }
0x8b: {  	[tilespmem:s16], [sflag:$0x1] =	stream.indirect.gather [hbm4b:s1+s19], $0x80, s30, s19, $0xb8;
	[tilespmem:$0x1E800] =	vst v63  }
0x8c: {  	s31 =	simm.s32 $0x80  }
0x8d: {  	[tilespmem:s20], [sflag:$0x2] =	stream.indirect.gather [hbm4b:s1+s19], $0x80, s31, s19, $0xb8;
	[tilespmem:$0x1E800] =	vst v63  }
0x8e: {  	_ =	swait.ge [sflag:s21], $0x4000  }
0x8f: {  	[sflag:s21] =	ssyncset.done $0x0  }
0x90: {  	s29 =	simm.s32 $0x1400;
	[sflag:s21] =	ssyncadd.s32 $0xFFFFC000  }
0x91: {  	[spmem:s2] =	stream.indirect.scatter.add.f32 [tilespmem:s16], [sflag:$0x3], $0x80, s29, s19, $0xb8;
	[tilespmem:$0x1E800] =	vst v63  }
0x92: {  	_ =	swait.ge [sflag:s17], $0x4000  }
0x93: {  	[sflag:s17] =	ssyncset.done $0x0  }
0x94: {  	s30 =	simm.s32 $0x100;
	[sflag:s17] =	ssyncadd.s32 $0xFFFFC000  }
0x95: {  	[tilespmem:s16], [sflag:$0x1] =	stream.indirect.gather [hbm4b:s1+s19], $0x80, s30, s19, $0xb8;
	[tilespmem:$0x1E800] =	vst v63  }
0x96: {  	_ =	swait.ge [sflag:s22], $0x4000  }
0x97: {  	[sflag:s22] =	ssyncset.done $0x0  }
0x98: {  	s31 =	simm.s32 $0x1480;
	[sflag:s22] =	ssyncadd.s32 $0xFFFFC000  }
0x99: {  	[spmem:s2] =	stream.indirect.scatter.add.f32 [tilespmem:s20], [sflag:$0x3], $0x80, s31, s19, $0xb8;
	[tilespmem:$0x1E800] =	vst v63  }
0x9a: {  	_ =	swait.ge [sflag:s17], $0x4000  }
0x9b: {  	s26 =	simm.s32 $0x100;
	s28 =	simm.s32 $0x800;
	[sflag:s17] =	ssyncset.done $0x0  }
.LBB2_6:
0x9c: {  	s29 =	sadd.s32 $0x80, s26  }
0x9d: {  	[sflag:s17] =	ssyncadd.s32 $0xFFFFC000;
	s30 =	smov.u32 s28;
	s31 =	sadd.s32 $0x400, s28  }
0x9e: {  	[tilespmem:s20], [sflag:$0x2] =	stream.indirect.gather [hbm4b:s1+s19], $0x80, s29, s19, $0xb8;
	[tilespmem:$0x1E800] =	vst v63  }
0x9f: {  	p0 =	sne.s32 s28, $0x4800;
	_ =	swait.ge [sflag:s21], $0x4000  }
0xa0: {  	[sflag:s21] =	ssyncset.done $0x0  }
0xa1: {  	s28 =	sadd.s32 $0x1400, s26;
	[sflag:s21] =	ssyncadd.s32 $0xFFFFC000  }
0xa2: {  	[spmem:s2] =	stream.indirect.scatter.add.f32 [tilespmem:s16], [sflag:$0x3], $0x80, s28, s19, $0xb8;
	[tilespmem:$0x1E800] =	vst v63  }
0xa3: {  	_ =	swait.ge [sflag:s17], $0x4000  }
0xa4: {  	[sflag:s17] =	ssyncset.done $0x0  }
0xa5: {  	s28 =	sadd.s32 $0x100, s26;
	[sflag:s17] =	ssyncadd.s32 $0xFFFFC000  }
0xa6: {  	[tilespmem:s16], [sflag:$0x1] =	stream.indirect.gather [hbm4b:s1+s19], $0x80, s28, s19, $0xb8;
	[tilespmem:$0x1E800] =	vst v63  }
0xa7: {  	_ =	swait.ge [sflag:s22], $0x4000  }
.Ltmp2:
0xa8: {  	[sflag:s22] =	ssyncset.done $0x0;
	(pc) =	sbr.rel @p0 .LBB2_6-.Ltmp2, $4  }
0xa9: {  	s26 =	sadd.s32 $0x1480, s26;
	[sflag:s22] =	ssyncadd.s32 $0xFFFFC000  }
0xaa: {  	[spmem:s2] =	stream.indirect.scatter.add.f32 [tilespmem:s20], [sflag:$0x3], $0x80, s26, s19, $0xb8;
	[tilespmem:$0x1E800] =	vst v63  }
0xab: {  	_ =	swait.ge [sflag:s17], $0x4000  }
0xac: {  	s28 =	smov.u32 s31;
	s26 =	sshra.s32 s30, $0x2;
	[sflag:s17] =	ssyncset.done $0x0  }
0xad: {  	s28 =	sadd.s32 $0x80, s26;
	[sflag:s17] =	ssyncadd.s32 $0xFFFFC000  }
0xae: {  	[tilespmem:s20], [sflag:$0x2] =	stream.indirect.gather [hbm4b:s1+s19], $0x80, s28, s19, $0xb8;
	[tilespmem:$0x1E800] =	vst v63  }
0xaf: {  	_ =	swait.ge [sflag:s21], $0x4000  }
0xb0: {  	[sflag:s21] =	ssyncset.done $0x0  }
0xb1: {  	s30 =	sadd.s32 $0x1400, s26;
	[sflag:s21] =	ssyncadd.s32 $0xFFFFC000  }
0xb2: {  	[spmem:s2] =	stream.indirect.scatter.add.f32 [tilespmem:s16], [sflag:$0x3], $0x80, s30, s19, $0xb8;
	[tilespmem:$0x1E800] =	vst v63  }
0xb3: {  	_ =	swait.ge [sflag:s17], $0x4000  }
0xb4: {  	[sflag:s17] =	ssyncset.done $0x0  }
0xb5: {  	s31 =	sadd.s32 $0x100, s26;
	[sflag:s17] =	ssyncadd.s32 $0xFFFFC000  }
0xb6: {  	[tilespmem:s16], [sflag:$0x1] =	stream.indirect.gather [hbm4b:s1+s19], $0x80, s31, s19, $0xb8;
	[tilespmem:$0x1E800] =	vst v63  }
0xb7: {  	_ =	swait.ge [sflag:s22], $0x4000  }
0xb8: {  	[sflag:s22] =	ssyncset.done $0x0  }
0xb9: {  	s29 =	sadd.s32 $0x1480, s26;
	[sflag:s22] =	ssyncadd.s32 $0xFFFFC000  }
0xba: {  	[spmem:s2] =	stream.indirect.scatter.add.f32 [tilespmem:s20], [sflag:$0x3], $0x80, s29, s19, $0xb8;
	[tilespmem:$0x1E800] =	vst v63  }
0xbb: {  	_ =	swait.ge [sflag:s17], $0x4000  }
0xbc: {  	[sflag:s17] =	ssyncset.done $0x0  }
0xbd: {  	[sflag:s17] =	ssyncadd.s32 $0xFFFFC000  }
0xbe: {  	[tilespmem:s20], [sflag:$0x2] =	stream.indirect.gather [hbm4b:s1+s19], $0x80, s23, s19, $0xb8;
	[tilespmem:$0x1E800] =	vst v63  }
0xbf: {  	_ =	swait.ge [sflag:s21], $0x4000  }
0xc0: {  	[sflag:s21] =	ssyncset.done $0x0  }
0xc1: {  	[sflag:s21] =	ssyncadd.s32 $0xFFFFC000  }
0xc2: {  	[spmem:s2] =	stream.indirect.scatter.add.f32 [tilespmem:s16], [sflag:$0x3], $0x80, s24, s19, $0xb8;
	[tilespmem:$0x1E800] =	vst v63  }
0xc3: {  	_ =	swait.ge [sflag:s17], $0x4000  }
0xc4: {  	[sflag:s17] =	ssyncset.done $0x0  }
0xc5: {  	[sflag:s17] =	ssyncadd.s32 $0xFFFFC000  }
0xc6: {  	_ =	swait.ge [sflag:s22], $0x4000  }
0xc7: {  	[sflag:s22] =	ssyncset.done $0x0  }
0xc8: {  	[sflag:s22] =	ssyncadd.s32 $0xFFFFC000  }
0xc9: {  	[spmem:s2] =	stream.indirect.scatter.add.f32 [tilespmem:s20], [sflag:$0x3], $0x80, s25, s19, $0xb8;
	[tilespmem:$0x1E800] =	vst v63  }
0xca: {  	_ =	swait.ge [sflag:s17], $0x4000  }
0xcb: {  	s4 =	sadd.s32 $0x1, s4;
	s30 =	sshll.u32 s3, $0x6;
	[sflag:s17] =	ssyncset.done $0x0  }
0xcc: {  	p0 =	sne.s32 s4, s11;
	s26 =	sor.u32 $0x1C03, s30;
	[sflag:s17] =	ssyncadd.s32 $0xFFFFC000  }
.Ltmp3:
0xcd: {  	s31 =	sshrl.u32 s5, $0x3;
	[bflag:$0x0] =	sbarrier.arrive $0xFFFF;
	(pc) =	sbr.rel @p0 .LBB2_1-.Ltmp3, $4  }
0xce: {  	[hbm:s10], [sflag:s26] =	dma.local [spmem:s31], $0x2800  }
0xcf: {  	_ =	swait.ge [sflag:s17], $0x2800  }
0xd0: {  	[sflag:s17] =	ssyncset.done $0x0  }
0xd1: {  	[sflag:s17] =	ssyncadd.s32 $0xFFFFD800  }
0xd2: {  	_ =	sfence.sel $0x180000  }
0xd3: {  	[bflag:$0x0] =	sbarrier.arrive $0xFFFF  }
0xd4: {  	p0 =	sne.s32 s3, $0x0;
	_ =	strace $0x9000004D  }
0xd5: {  	s0 =	sadd.s32 @!p0 $0x100000, s0;
	[bflag:$0x2] =	sbarrier.arrive $0xFFFF  }
0xd6: {  	[sflag:s0] =	ssyncadd.tile.s32 @!p0 $0x1;
	_ =	shalt  }
.Lfunc_end2:
_tile_overlayer_lowered:
.L_overlay_start_2:
0xd7: {  	(tag) =	ssettag $0x2  }
0xd8: {  	s0 =	rddreg [dreg:$0x0];
	s2 =	stileid.u32  }
0xd9: {  	s1 =	rddreg [dreg:$0x1];
	p0 =	sne.s32 s2, $0x0  }
0xda: {  	s3 =	rddreg [dreg:$0x2];
	[bflag:$0x3] =	sbarrier.arrive $0xFFFF;
	s2 =	simm.s32 @!p0 $0x1C03  }
0xdb: {  	[timem:s3], [sflag:s2] =	dma.local @!p0 [hbm:s0], s1  }
0xdc: {  	s0 =	simm.s32 @!p0 $0x3  }
0xdd: {  	_ =	swait.ge @!p0 [sflag:s0], s1  }
0xde: {  	s1 =	ssub.s32 @!p0 $0x0, s1;
	[sflag:s0] =	ssyncset.done @!p0 $0x0  }
0xdf: {  	[sflag:s0] =	ssyncadd.s32 @!p0 s1  }
0xe0: {  	[bflag:$0x3] =	sbarrier.arrive $0xFFFF  }
0xe1: {  	_ =	shalt  }

// kernel: kernel.19.cloned.1.call-start
scs
__scs_entry_jumppad:
0x0: {  	(pc) =	sbr.rel $0x88, $3  }
0x1: {  	(tag) =	ssettag $0x0;
	lr =	simm.s32 $0x1  }
0x2: {  	[smem:$0x3F9A] =	sst lr;
	_ =	strace $0xD0000000  }
0x3: {  	_ = 	snop  }
0x4: {  	_ = 	snop  }
0x5: {  	_ = 	snop  }
0x6: {  	_ = 	snop  }
0x7: {  	_ = 	snop  }
__scs_overlays_trampoline_lowered:
0x8: {  	[smem:$0x3FA9] =	sst s0  }
0x9: {  	[smem:$0x3FAA] =	sst s1  }
0xa: {  	[smem:$0x3FAB] =	sst s2  }
0xb: {  	[smem:$0x3FAC] =	sst s3  }
0xc: {  	[smem:$0x3FAD] =	sst s4  }
0xd: {  	[smem:$0x3FAE] =	sst s5  }
0xe: {  	[smem:$0x3FAF] =	sst s6  }
0xf: {  	[smem:$0x3FB0] =	sst s7  }
0x10: {  	[smem:$0x3FB1] =	sst s8  }
0x11: {  	[smem:$0x3FB2] =	sst s9;
	s0 =	simm.s32 @!p0 $0x0  }
0x12: {  	s1 =	sld [smem:$0x3F98];
	s0 =	simm.s32 @p0 $0x1  }
0x13: {  	[smem:$0x3FB3] =	sst s0;
	s0 =	simm.s32 @!p1 $0x0  }
0x14: {  	s2 =	sld [smem:$0x3F97];
	s0 =	simm.s32 @p1 $0x1  }
0x15: {  	[smem:$0x3FB4] =	sst s0;
	s0 =	simm.s32 @!p2 $0x0  }
0x16: {  	s3 =	sld [smem:$0x3FDB];
	s0 =	simm.s32 @p2 $0x1  }
0x17: {  	s4 =	simm.s32 $0x1BF5;
	[smem:$0x3FB6] =	sst s0  }
0x18: {  	s0 =	sld [smem:$0x3F99];
	_ =	swait.ge [sflag:s4], $0x0  }
0x19: {  	s7 =	sld [smem:$0x3F9A]  }
0x1a: {  	s8 =	sadd.s32 $0xFFFFE003, lr  }
0x1b: {  	s9 =	sadd.s32 $0xFFFFFEF7, lr;
	s5 =	simm.s32 $0xFFFFFFFF;
	p2 =	slt.u32 s8, $0xFFFFF086  }
0x1c: {  	p1 =	slt.u32 s9, $0xF7A;
	s5 =	simm.s32 @!p2 $0x0  }
0x1d: {  	s5 =	simm.s32 @p1 $0x1;
	p0 =	seq.s32 s7, s2  }
0x1e: {  	s7 =	smul.u32 @!p0 $0xF7A, s2;
	p2 =	seq.s32 @!p0 s5, $0x0  }
0x1f: {  	s9 =	smul.u32 $0xF7A, s1;
	s8 =	simm.s32 @!p0 $0x1BF5;
	p2 =	por !p2, p0  }
0x20: {  	[sflag:s8] =	ssyncset.s32 @!p0 $0xFFFFF086;
	s6 =	sadd.s32 @!p0 s3, s7;
	s7 =	simm.s32 @!p0 $0x108  }
0x21: {  	s3 =	sadd.s32 s3, s9;
	s6 =	sadd.s32 @!p0 $0x88, s6;
	s7 =	simm.s32 @p2 $0x1082  }
0x22: {  	[simem:s7], [sflag:s8] =	dma.local @!p0 [hbm:s6], $0xF7A  }
0x23: {  	s9 =	sor.u32 $0xD0000000, s2;
	s6 =	simm.s32 $0x108;
	_ =	swait.ge @!p0 [sflag:s8], $0x0  }
0x24: {  	s3 =	sadd.s32 $0x88, s3;
	s6 =	simm.s32 @!p1 $0x1082;
	[sflag:s4] =	ssyncset.s32 $0xFFFFF086  }
0x25: {  	[simem:s6], [sflag:s4] =	dma.local [hbm:s3], $0xF7A  }
0x26: {  	[smem:$0x3F9A] =	sst s1;
	(tag) =	ssettag s2;
	_ =	strace s9  }
0x27: {  	s1 =	sld [smem:$0x3FAA]  }
0x28: {  	s2 =	sld [smem:$0x3FAB]  }
0x29: {  	s4 =	sld [smem:$0x3FAD]  }
0x2a: {  	p0 =	seq.s32 s5, $0x0;
	s5 =	sld [smem:$0x3FAE]  }
0x2b: {  	s6 =	sld [smem:$0x3FAF]  }
0x2c: {  	s7 =	sld [smem:$0x3FB0]  }
0x2d: {  	s3 =	simm.s32 $0x108;
	s8 =	sld [smem:$0x3FB1]  }
0x2e: {  	s3 =	simm.s32 @!p0 $0x1082;
	s9 =	sld [smem:$0x3FB2]  }
0x2f: {  	lr =	sadd.s32 s0, s3;
	s0 =	sld [smem:$0x3FA9]  }
0x30: {  	s3 =	sld [smem:$0x3FAC]  }
0x31: {  	[smem:$0x3FB5] =	sst s10  }
0x32: {  	s10 =	sld [smem:$0x3FB3];
	_ =	sdelay $0x3  }
0x33: {  	p0 =	seq.s32 s10, $0x1;
	s10 =	sld [smem:$0x3FB5];
	_ =	sdelay $0x3  }
0x34: {  	[smem:$0x3FB5] =	sst s10  }
0x35: {  	s10 =	sld [smem:$0x3FB4];
	_ =	sdelay $0x3  }
0x36: {  	p1 =	seq.s32 s10, $0x1;
	s10 =	sld [smem:$0x3FB5];
	_ =	sdelay $0x3  }
0x37: {  	[smem:$0x3FB5] =	sst s10  }
0x38: {  	s10 =	sld [smem:$0x3FB6]  }
0x39: {  	_ = 	snop;
	(pc) =	sbr.ind lr, $3  }
0x3a: {  	_ = 	snop  }
0x3b: {  	_ = 	snop  }
0x3c: {  	p2 =	seq.s32 s10, $0x1;
	s10 =	sld [smem:$0x3FB5]  }
0x3d: {  	_ =	shalt  }
0x3e: {  	_ =	shalt  }
0x3f: {  	_ =	shalt  }
0x40: {  	_ =	shalt  }
0x41: {  	_ =	shalt  }
0x42: {  	_ =	shalt  }
0x43: {  	_ =	shalt  }
0x44: {  	_ =	shalt  }
0x45: {  	_ =	shalt  }
0x46: {  	_ =	shalt  }
0x47: {  	_ =	shalt  }
0x48: {  	_ =	shalt  }
0x49: {  	_ =	shalt  }
0x4a: {  	_ =	shalt  }
0x4b: {  	_ =	shalt  }
0x4c: {  	_ =	shalt  }
0x4d: {  	_ =	shalt  }
0x4e: {  	_ =	shalt  }
0x4f: {  	_ =	shalt  }
0x50: {  	_ =	shalt  }
0x51: {  	_ =	shalt  }
0x52: {  	_ =	shalt  }
0x53: {  	_ =	shalt  }
0x54: {  	_ =	shalt  }
0x55: {  	_ =	shalt  }
0x56: {  	_ =	shalt  }
0x57: {  	_ =	shalt  }
0x58: {  	_ =	shalt  }
0x59: {  	_ =	shalt  }
0x5a: {  	_ =	shalt  }
0x5b: {  	_ =	shalt  }
0x5c: {  	_ =	shalt  }
0x5d: {  	_ =	shalt  }
0x5e: {  	_ =	shalt  }
0x5f: {  	_ =	shalt  }
0x60: {  	_ =	shalt  }
0x61: {  	_ =	shalt  }
0x62: {  	_ =	shalt  }
0x63: {  	_ =	shalt  }
0x64: {  	_ =	shalt  }
0x65: {  	_ =	shalt  }
0x66: {  	_ =	shalt  }
0x67: {  	_ =	shalt  }
0x68: {  	_ =	shalt  }
0x69: {  	_ =	shalt  }
0x6a: {  	_ =	shalt  }
0x6b: {  	_ =	shalt  }
0x6c: {  	_ =	shalt  }
0x6d: {  	_ =	shalt  }
0x6e: {  	_ =	shalt  }
0x6f: {  	_ =	shalt  }
0x70: {  	_ =	shalt  }
0x71: {  	_ =	shalt  }
0x72: {  	_ =	shalt  }
0x73: {  	_ =	shalt  }
0x74: {  	_ =	shalt  }
0x75: {  	_ =	shalt  }
0x76: {  	_ =	shalt  }
0x77: {  	_ =	shalt  }
0x78: {  	_ =	shalt  }
0x79: {  	_ =	shalt  }
0x7a: {  	_ =	shalt  }
0x7b: {  	_ =	shalt  }
0x7c: {  	_ =	shalt  }
0x7d: {  	_ =	shalt  }
0x7e: {  	_ =	shalt  }
0x7f: {  	_ =	shalt  }
0x80: {  	_ =	shalt  }
0x81: {  	_ =	shalt  }
0x82: {  	_ =	shalt  }
0x83: {  	_ =	shalt  }
0x84: {  	_ =	shalt  }
0x85: {  	_ =	shalt  }
0x86: {  	_ =	shalt  }
0x87: {  	_ =	shalt  }
.Lfunc_end0:
.L_simem_size_0:
called_computation.3_lowered:
.L_overlay_start_0:
0x88: {  	s2 =	sld [smem:$0x3FD9]  }
0x89: {  	s3 =	sld [smem:$0x3FFE];
	_ =	sdelay $0x1  }
0x8a: {  	s1 =	srdreg.scid  }
0x8b: {  	s0 =	sand.u32 $0x1, s1  }
0x8c: {  	s16 =	sshll.u32 s0, $0xA;
	s2 =	sadd.s32 s3, s2  }
0x8d: {  	s2 =	sadd.s32 s2, s16  }
0x8e: {  	[smem:$0x3FC1] =	sst s2  }
0x8f: {  	_ = 	snop  }
0x90: {  	(tm) =	ssettm $0x1  }
0x91: {  	s17 =	sld [smem:$0x3FFB];
	_ =	sdelay $0x3  }
0x92: {  	_ =	strace s17  }
0x93: {  	s2 =	sld [smem:$0x3FFC];
	_ =	sdelay $0x3  }
0x94: {  	_ =	strace s2  }
0x95: {  	s2 =	sld [smem:$0x3FFD];
	_ =	sdelay $0x3  }
0x96: {  	_ =	strace s2  }
0x97: {  	_ =	strace $0x8FFFFFFF  }
0x98: {  	s18 =	sld [smem:$0x3FDB];
	_ =	sdelay $0x1  }
0x99: {  	s19 =	simm.s32 $_scs_section_size  }
0x9a: {  	s4 =	simm.s32 $_size__tile_overlayer_lowered;
	s5 =	simm.s32 $_tile_overlayer_lowered  }
0x9b: {  	s22 =	simm.s32 $0x1BFF;
	s21 =	sshll.u32 s5, $0x1;
	s2 =	sadd.s32 s19, s18  }
0x9c: {  	s6 =	simm.s32 $0x0;
	s20 =	sshll.u32 s4, $0x1;
	s4 =	sadd.s32 s21, s2  }
0x9d: {  	[timem:s6], [sflag:s22] =	dma.local [hbm:s4], s20  }
0x9e: {  	_ =	swait.ge [sflag:s22], s20  }
0x9f: {  	s3 =	ssub.s32 $0x0, s20;
	[sflag:s22] =	ssyncset.done $0x0  }
0xa0: {  	[sflag:s22] =	ssyncadd.s32 s3;
	_ =	sdelay $0x1  }
0xa1: {  	s23 =	simm.s32 $0x1B8B  }
0xa2: {  	_ =	swait.ge [sflag:s23], $0x1  }
0xa3: {  	[sflag:s23] =	ssyncset.done $0x0  }
0xa4: {  	s25 =	simm.s32 $0x1B8E;
	s24 =	sld [smem:$0x3FFE];
	[sflag:s23] =	ssyncadd.s32 $0xFFFFFFFF  }
0xa5: {  	s26 =	simm.s32 $execute0_lowered;
	[smem:$0x3FD2] =	sst s25  }
0xa6: {  	s4 =	sshll.u32 s26, $0x1;
	_ =	strace $0x8000004F;
	[dreg:$0x1] =	wrdreg $0xFFFFFFFF  }
0xa7: {  	s28 =	simm.s32 $_size_execute0_lowered;
	s2 =	sadd.s32 s2, s4;
	[dreg:$0x0] =	wrdreg $0x0  }
0xa8: {  	s4 =	sshll.u32 s28, $0x1;
	[dreg:$0x2] =	wrdreg s2  }
0xa9: {  	[dreg:$0x3] =	wrdreg s4  }
0xaa: {  	[dreg:$0x4] =	wrdreg $0xC0  }
0xab: {  	_ =	task [dreg:s6], $0x5FFFF  }
0xac: {  	[dreg:$0x1] =	wrdreg $0xFFFFFFFF  }
0xad: {  	[dreg:$0x0] =	wrdreg $0x60  }
0xae: {  	[dreg:$0x2] =	wrdreg s24  }
0xaf: {  	[dreg:$0x3] =	wrdreg $0x44000  }
0xb0: {  	[dreg:$0x4] =	wrdreg $0x9  }
0xb1: {  	_ =	task.clear_ibuf [dreg:s6], $0x5FFFF;
	_ =	strace $0x9000004F  }
0xb2: {  	s29 =	simm.s32 $0x9;
	_ =	strace $0x80000051  }
0xb3: {  	_ =	swait.ge [sflag:s29], $0x1  }
0xb4: {  	[sflag:s29] =	ssyncadd.s32 $0xFFFFFFFF  }
0xb5: {  	_ =	strace $0x90000051  }
0xb6: {  	_ =	sfence  }
0xb7: {  	s30 =	sld [smem:$0x0];
	_ =	sdelay $0x2  }
0xb8: {  	s31 =	sshll.u32 s1, $0xD;
	s1 =	sshrl.u32 s1, $0x2  }
0xb9: {  	s3 =	sand.u32 $0x4000, s31;
	s1 =	sadd.s32 s1, s30  }
0xba: {  	s0 =	sor.u32 s3, s0;
	s1 =	sshll.u32 s1, $0x11  }
0xbb: {  	s0 =	sor.u32 s1, s0  }
0xbc: {  	s0 =	sadd.s32 $0x8F2B, s0  }
0xbd: {  	[sflag:s0] =	ssyncadd.remote.s32 $0x1  }
0xbe: {  	_ =	sfence.sel $0xFFFF  }
0xbf: {  	[dreg:$0x0] =	wrdreg $0xFFFFFFFF;
	(pc) =	sbr.abs _section_cstart, $3  }
0xc0: {  	[dreg:$0x1] =	wrdreg $0xFFFFFFFF  }
0xc1: {  	_ =	task.clear_ibuf [dreg:s6], $0x2FFFF;
	_ =	strace $0x9FFFFFFF  }
0xc2: {  	(tm) =	ssettm $0x7FFFFFFF  }
0xc3: {  	_ =	shalt  }
tec
execute0_lowered:
.L_overlay_start_1:
0x0: {  	(tag) =	ssettag $0x1  }
0x1: {  	s0 =	rddreg [dreg:$0x0]  }
0x2: {  	s1 =	rddreg [dreg:$0x1];
	s2 =	srdreg.scid  }
0x3: {  	s3 =	simm.s32 $0x0;
	s9 =	stileid.u32;
	s22 =	simm.s32 $0x400  }
0x4: {  	s23 =	simm.s32 $0x3;
	s28 =	simm.s32 $0x2;
	s31 =	simm.s32 $0x180  }
0x5: {  	s2 =	sand.u32 $0x1, s2;
	[smem:$0x7FF] =	sst s3;
	s6 =	smul.u32 $0x14000, s9  }
0x6: {  	s7 =	sadd.s32 $0x2B400, s0;
	s24 =	smul.u32 $0x50000, s9;
	s4 =	sshll.u32 s2, $0x4  }
0x7: {  	s5 =	smul.u32 $0x140000, s2;
	_ =	strace $0x80000050;
	s2 =	ssub.s32 $0x2, s2  }
0x8: {  	s4 =	sor.u32 s9, s4;
	s25 =	sshrl.u32 s2, $0x1;
	s26 =	sshrl.u32 s24, $0x2  }
0x9: {  	s24 =	simm.s32 $0x2400;
	s8 =	sshll.u32 s4, $0x7;
	s10 =	smul.u32 $0xA000, s4  }
0xa: {  	s5 =	sadd.s32 s6, s5;
	s2 =	ssub.s32 s2, s25;
	s29 =	smul.u32 $0x1400, s4  }
0xb: {  	s4 =	sadd.s32 s26, s1;
	s25 =	simm.s32 $0x1;
	s26 =	simm.s32 $0x40  }
0xc: {  	s5 =	sshrl.u32 s5, $0x3;
	s8 =	sadd.s32 s8, s0;
	s9 =	smax.u32 s2, $0x1  }
0xd: {  	s11 =	sadd.s32 $0x4000, s4;
	s12 =	sadd.s32 $0x6000, s4;
	s13 =	sadd.s32 $0x8000, s4  }
0xe: {  	s14 =	sadd.s32 $0xA000, s4;
	s15 =	sadd.s32 $0xC000, s4;
	s16 =	sadd.s32 $0xE000, s4  }
0xf: {  	s17 =	sadd.s32 $0x10000, s4;
	s18 =	sadd.s32 $0x12000, s4;
	s2 =	simm.s32 $0x0  }
0x10: {  	s0 =	sadd.s32 s5, s0;
	s30 =	sshrl.u32 s10, $0x3;
	s5 =	sadd.s32 $0x7B400, s8  }
0x11: {  	s6 =	sadd.s32 s7, s29;
	s10 =	sadd.s32 $0x2000, s4;
	s20 =	sadd.s32 s7, s30  }
0x12: {  	s7 =	sadd.s32 $0x7C400, s0;
	s19 =	sadd.s32 $0x800, s6;
	s21 =	sadd.s32 $0x1000, s6  }
0x13: {  	v0 =	vimm.f32 $0.0e+00;
	s0 =	simm.s32 $0x200;
	s8 =	sadd.s32 $0x400, s20;
	s20 =	sadd.s32 $0xC00, s20  }
.LBB2_1:
0x14: {  	s29 =	simm.s32 $0x0;
	s30 =	simm.s32 $0x200  }
.LBB2_2:
0x15: {  	p0 =	sne.s32 s30, $0x7E00;
	[tilespmem:s29+$0x470] =	vst v0  }
0x16: {  	[tilespmem:s29+$0x400] =	vst v0  }
0x17: {  	[tilespmem:s29+$0x410] =	vst v0  }
.Ltmp0:
0x18: {  	[tilespmem:s29+$0x420] =	vst v0;
	(pc) =	sbr.rel @p0 .LBB2_2-.Ltmp0, $4  }
0x19: {  	[tilespmem:s29+$0x430] =	vst v0  }
0x1a: {  	[tilespmem:s29+$0x440] =	vst v0  }
0x1b: {  	[tilespmem:s29+$0x450] =	vst v0  }
0x1c: {  	[tilespmem:s29+$0x460] =	vst v0;
	s29 =	sshra.s32 s30, $0x2;
	s30 =	sadd.s32 $0x200, s30  }
0x1d: {  	[tilespmem:s29+$0x470] =	vst v0  }
0x1e: {  	[tilespmem:s29+$0x400] =	vst v0  }
0x1f: {  	[tilespmem:s29+$0x410] =	vst v0  }
0x20: {  	[tilespmem:s29+$0x420] =	vst v0  }
0x21: {  	[tilespmem:s29+$0x430] =	vst v0  }
0x22: {  	[tilespmem:s29+$0x440] =	vst v0  }
0x23: {  	[tilespmem:s29+$0x450] =	vst v0  }
0x24: {  	[tilespmem:s29+$0x460] =	vst v0  }
0x25: {  	[spmem:s4] =	stream.linear.scatter [tilespmem:s22], [sflag:$0x3], $0x2000, $0x38;
	[tilespmem:$0x18400] =	vst v63  }
0x26: {  	_ =	swait.ge [sflag:s23], $0x2000  }
0x27: {  	[sflag:s23] =	ssyncset.done $0x0  }
0x28: {  	[sflag:s23] =	ssyncadd.s32 $0xFFFFE000  }
0x29: {  	[spmem:s10] =	stream.linear.scatter [tilespmem:s22], [sflag:$0x3], $0x2000, $0x38;
	[tilespmem:$0x18400] =	vst v63  }
0x2a: {  	_ =	swait.ge [sflag:s23], $0x2000  }
0x2b: {  	[sflag:s23] =	ssyncset.done $0x0  }
0x2c: {  	[sflag:s23] =	ssyncadd.s32 $0xFFFFE000  }
0x2d: {  	[spmem:s11] =	stream.linear.scatter [tilespmem:s22], [sflag:$0x3], $0x2000, $0x38;
	[tilespmem:$0x18400] =	vst v63  }
0x2e: {  	_ =	swait.ge [sflag:s23], $0x2000  }
0x2f: {  	[sflag:s23] =	ssyncset.done $0x0  }
0x30: {  	[sflag:s23] =	ssyncadd.s32 $0xFFFFE000  }
0x31: {  	[spmem:s12] =	stream.linear.scatter [tilespmem:s22], [sflag:$0x3], $0x2000, $0x38;
	[tilespmem:$0x18400] =	vst v63  }
0x32: {  	_ =	swait.ge [sflag:s23], $0x2000  }
0x33: {  	[sflag:s23] =	ssyncset.done $0x0  }
0x34: {  	[sflag:s23] =	ssyncadd.s32 $0xFFFFE000  }
0x35: {  	[spmem:s13] =	stream.linear.scatter [tilespmem:s22], [sflag:$0x3], $0x2000, $0x38;
	[tilespmem:$0x18400] =	vst v63  }
0x36: {  	_ =	swait.ge [sflag:s23], $0x2000  }
0x37: {  	[sflag:s23] =	ssyncset.done $0x0  }
0x38: {  	[sflag:s23] =	ssyncadd.s32 $0xFFFFE000  }
0x39: {  	[spmem:s14] =	stream.linear.scatter [tilespmem:s22], [sflag:$0x3], $0x2000, $0x38;
	[tilespmem:$0x18400] =	vst v63  }
0x3a: {  	_ =	swait.ge [sflag:s23], $0x2000  }
0x3b: {  	[sflag:s23] =	ssyncset.done $0x0  }
0x3c: {  	[sflag:s23] =	ssyncadd.s32 $0xFFFFE000  }
0x3d: {  	[spmem:s15] =	stream.linear.scatter [tilespmem:s22], [sflag:$0x3], $0x2000, $0x38;
	[tilespmem:$0x18400] =	vst v63  }
0x3e: {  	_ =	swait.ge [sflag:s23], $0x2000  }
0x3f: {  	[sflag:s23] =	ssyncset.done $0x0  }
0x40: {  	[sflag:s23] =	ssyncadd.s32 $0xFFFFE000  }
0x41: {  	[spmem:s16] =	stream.linear.scatter [tilespmem:s22], [sflag:$0x3], $0x2000, $0x38;
	[tilespmem:$0x18400] =	vst v63  }
0x42: {  	_ =	swait.ge [sflag:s23], $0x2000  }
0x43: {  	[sflag:s23] =	ssyncset.done $0x0  }
0x44: {  	[sflag:s23] =	ssyncadd.s32 $0xFFFFE000  }
0x45: {  	[spmem:s17] =	stream.linear.scatter [tilespmem:s22], [sflag:$0x3], $0x2000, $0x38;
	[tilespmem:$0x18400] =	vst v63  }
0x46: {  	_ =	swait.ge [sflag:s23], $0x2000  }
0x47: {  	[sflag:s23] =	ssyncset.done $0x0  }
0x48: {  	[sflag:s23] =	ssyncadd.s32 $0xFFFFE000  }
0x49: {  	[spmem:s18] =	stream.linear.scatter [tilespmem:s22], [sflag:$0x3], $0x2000, $0x38;
	[tilespmem:$0x18400] =	vst v63  }
0x4a: {  	_ =	swait.ge [sflag:s23], $0x2000  }
0x4b: {  	[sflag:s23] =	ssyncset.done $0x0  }
0x4c: {  	[sflag:s23] =	ssyncadd.s32 $0xFFFFE000  }
0x4d: {  	[tilespmem:s3], [sflag:$0x3] =	stream.linear.gather [hbm4b:s5+s3], $0x280, $0x38;
	[tilespmem:$0x18400] =	vst v63  }
0x4e: {  	_ =	swait.ge [sflag:s23], $0x280  }
0x4f: {  	[sflag:s23] =	ssyncset.done $0x0  }
0x50: {  	[sflag:s23] =	ssyncadd.s32 $0xFFFFFD80  }
0x51: {  	[bflag:$0x0] =	sbarrier.arrive $0xFFFF  }
0x52: {  	[tilespmem:s22], [sflag:$0x1] =	stream.linear.gather [hbm4b:s6+s3], $0x2000, $0x38;
	[tilespmem:$0x18400] =	vst v63  }
0x53: {  	_ = 	snop  }
0x54: {  	[tilespmem:s24], [sflag:$0x2] =	stream.linear.gather [hbm4b:s8+s3], $0x2000, $0x38;
	[tilespmem:$0x18400] =	vst v63  }
0x55: {  	_ =	swait.ge [sflag:s25], $0x2000  }
0x56: {  	[sflag:s25] =	ssyncset.done $0x0  }
0x57: {  	[sflag:s25] =	ssyncadd.s32 $0xFFFFE000  }
0x58: {  	[spmem:s1] =	stream.indirect.scatter.add.f32 [tilespmem:s22], [sflag:$0x3], $0x80, s3, s26, $0xb8;
	[tilespmem:$0x18400] =	vst v63  }
0x59: {  	_ =	swait.ge [sflag:s23], $0x2000  }
0x5a: {  	[sflag:s23] =	ssyncset.done $0x0  }
0x5b: {  	[sflag:s23] =	ssyncadd.s32 $0xFFFFE000  }
0x5c: {  	[tilespmem:s22], [sflag:$0x1] =	stream.linear.gather [hbm4b:s19+s3], $0x2000, $0x38;
	[tilespmem:$0x18400] =	vst v63  }
0x5d: {  	_ =	swait.ge [sflag:s28], $0x2000  }
0x5e: {  	[sflag:s28] =	ssyncset.done $0x0  }
0x5f: {  	s30 =	simm.s32 $0x80;
	[sflag:s28] =	ssyncadd.s32 $0xFFFFE000  }
0x60: {  	[spmem:s1] =	stream.indirect.scatter.add.f32 [tilespmem:s24], [sflag:$0x3], $0x80, s30, s26, $0xb8;
	[tilespmem:$0x18400] =	vst v63  }
0x61: {  	_ =	swait.ge [sflag:s23], $0x2000  }
0x62: {  	[sflag:s23] =	ssyncset.done $0x0  }
0x63: {  	[sflag:s23] =	ssyncadd.s32 $0xFFFFE000  }
0x64: {  	[tilespmem:s24], [sflag:$0x2] =	stream.linear.gather [hbm4b:s20+s3], $0x2000, $0x38;
	[tilespmem:$0x18400] =	vst v63  }
0x65: {  	_ =	swait.ge [sflag:s25], $0x2000  }
0x66: {  	[sflag:s25] =	ssyncset.done $0x0  }
0x67: {  	s30 =	simm.s32 $0x100;
	[sflag:s25] =	ssyncadd.s32 $0xFFFFE000  }
0x68: {  	[spmem:s1] =	stream.indirect.scatter.add.f32 [tilespmem:s22], [sflag:$0x3], $0x80, s30, s26, $0xb8;
	[tilespmem:$0x18400] =	vst v63  }
0x69: {  	_ =	swait.ge [sflag:s23], $0x2000  }
0x6a: {  	[sflag:s23] =	ssyncset.done $0x0  }
0x6b: {  	[sflag:s23] =	ssyncadd.s32 $0xFFFFE000  }
0x6c: {  	[tilespmem:s22], [sflag:$0x1] =	stream.linear.gather [hbm4b:s21+s3], $0x2000, $0x38;
	[tilespmem:$0x18400] =	vst v63  }
0x6d: {  	_ =	swait.ge [sflag:s28], $0x2000  }
0x6e: {  	[sflag:s28] =	ssyncset.done $0x0  }
0x6f: {  	[sflag:s28] =	ssyncadd.s32 $0xFFFFE000  }
0x70: {  	[spmem:s1] =	stream.indirect.scatter.add.f32 [tilespmem:s24], [sflag:$0x3], $0x80, s31, s26, $0xb8;
	[tilespmem:$0x18400] =	vst v63  }
0x71: {  	_ =	swait.ge [sflag:s23], $0x2000  }
0x72: {  	[sflag:s23] =	ssyncset.done $0x0  }
0x73: {  	[sflag:s23] =	ssyncadd.s32 $0xFFFFE000  }
0x74: {  	_ =	swait.ge [sflag:s25], $0x2000  }
0x75: {  	[sflag:s25] =	ssyncset.done $0x0  }
0x76: {  	[sflag:s25] =	ssyncadd.s32 $0xFFFFE000  }
0x77: {  	[spmem:s1] =	stream.indirect.scatter.add.f32 [tilespmem:s22], [sflag:$0x3], $0x80, s0, s26, $0xb8;
	[tilespmem:$0x18400] =	vst v63  }
0x78: {  	s2 =	sadd.s32 $0x1, s2;
	_ =	swait.ge [sflag:s23], $0x2000  }
0x79: {  	p0 =	sne.s32 s2, s9;
	s30 =	stileid.u32;
	[sflag:s23] =	ssyncset.done $0x0  }
0x7a: {  	s29 =	sshll.u32 s30, $0x6;
	s30 =	sshrl.u32 s4, $0x3;
	[sflag:s23] =	ssyncadd.s32 $0xFFFFE000  }
.Ltmp1:
0x7b: {  	s29 =	sor.u32 $0x1C03, s29;
	[bflag:$0x0] =	sbarrier.arrive $0xFFFF;
	(pc) =	sbr.rel @p0 .LBB2_1-.Ltmp1, $4  }
0x7c: {  	[hbm:s7], [sflag:s29] =	dma.local [spmem:s30], $0x2800  }
0x7d: {  	_ =	swait.ge [sflag:s23], $0x2800  }
0x7e: {  	[sflag:s23] =	ssyncset.done $0x0  }
0x7f: {  	[sflag:s23] =	ssyncadd.s32 $0xFFFFD800  }
0x80: {  	_ =	sfence.sel $0x180000  }
0x81: {  	[bflag:$0x0] =	sbarrier.arrive $0xFFFF  }
0x82: {  	_ =	strace $0x90000050  }
0x83: {  	s0 =	stileid.u32;
	[bflag:$0x2] =	sbarrier.arrive $0xFFFF  }
0x84: {  	p0 =	sne.s32 s0, $0x0;
	s0 =	rddreg [dreg:$0x2]  }
0x85: {  	s0 =	sadd.s32 @!p0 $0x100000, s0  }
0x86: {  	[sflag:s0] =	ssyncadd.tile.s32 @!p0 $0x1;
	_ =	shalt  }
.Lfunc_end2:
_tile_overlayer_lowered:
.L_overlay_start_2:
0x87: {  	(tag) =	ssettag $0x2  }
0x88: {  	s0 =	rddreg [dreg:$0x0];
	s2 =	stileid.u32  }
0x89: {  	s1 =	rddreg [dreg:$0x1];
	p0 =	sne.s32 s2, $0x0  }
0x8a: {  	s3 =	rddreg [dreg:$0x2];
	[bflag:$0x3] =	sbarrier.arrive $0xFFFF;
	s2 =	simm.s32 @!p0 $0x1C03  }
0x8b: {  	[timem:s3], [sflag:s2] =	dma.local @!p0 [hbm:s0], s1  }
0x8c: {  	s0 =	simm.s32 @!p0 $0x3  }
0x8d: {  	_ =	swait.ge @!p0 [sflag:s0], s1  }
0x8e: {  	s1 =	ssub.s32 @!p0 $0x0, s1;
	[sflag:s0] =	ssyncset.done @!p0 $0x0  }
0x8f: {  	[sflag:s0] =	ssyncadd.s32 @!p0 s1  }
0x90: {  	[bflag:$0x3] =	sbarrier.arrive $0xFFFF  }
0x91: {  	_ =	shalt  }

</sc_bundles>
